<compile_context>
chip_gen: v7x
topology: tpu7x:2x2x1
jax: 0.10.2.dev20260603
libtpu: 0.0.44.dev20260713+nightly
codegen_flags: <defaults>
</compile_context>

<pallas_src>
import functools

import jax
import jax.numpy as jnp
from jax import lax
from jax.experimental import pallas as pl
from jax.experimental.pallas import tpu as pltpu
from jax.experimental.pallas import tpu_sc as plsc

N = 8192
K = 16
L = 16
NW = 32
QPW = N // NW
NCHUNK = N // L

_INF = float("inf")


def _sqrt16(a):
    i = lax.bitcast_convert_type(a, jnp.int32)
    x = lax.bitcast_convert_type(
        lax.shift_right_logical(i, 1) + jnp.int32(0x1FBD1DF6), jnp.float32)
    half = jnp.float32(0.5)
    x = half * (x + a / x)
    x = half * (x + a / x)
    x = half * (x + a / x)
    return jnp.where(a > 0, x, jnp.zeros_like(x))


def _knn_body(qx_hbm, qy_hbm, qz_hbm, kx_hbm, ky_hbm, kz_hbm,
              od_hbm, ox_hbm, oy_hbm, oz_hbm,
              kxv, kyv, kzv, qxv, qyv, qzv, odv, oxv, oyv, ozv):
    c = lax.axis_index("c")
    s = lax.axis_index("s")
    wid = s * 2 + c
    base = wid * QPW

    pltpu.sync_copy(kx_hbm, kxv)
    pltpu.sync_copy(ky_hbm, kyv)
    pltpu.sync_copy(kz_hbm, kzv)
    pltpu.sync_copy(qx_hbm.at[pl.ds(base, QPW)], qxv)
    pltpu.sync_copy(qy_hbm.at[pl.ds(base, QPW)], qyv)
    pltpu.sync_copy(qz_hbm.at[pl.ds(base, QPW)], qzv)

    lane = lax.iota(jnp.int32, L)

    def do_query(qx, qy, qz, out_slot):
        def chunk(ci, carry):
            best_d, best_i, worst = carry
            off = ci * L
            dx = kxv[pl.ds(off, L)] - qx
            d = dx * dx
            dy = kyv[pl.ds(off, L)] - qy
            d = d + dy * dy
            dz = kzv[pl.ds(off, L)] - qz
            d = d + dz * dz

            def merge(args):
                d, best_d, best_i = args
                iv = lane + off
                sd, si = plsc.sort_key_val(d, iv)
                rb_d = lax.rev(best_d, (0,))
                rb_i = lax.rev(best_i, (0,))
                take = sd < rb_d
                md = jnp.where(take, sd, rb_d)
                mi = jnp.where(take, si, rb_i)
                nbd, nbi = plsc.sort_key_val(md, mi)
                return nbd, nbi, nbd[L - 1]

            def keep(args):
                _, best_d, best_i = args
                return best_d, best_i, worst

            return lax.cond(jnp.any(d < worst), merge, keep,
                            (d, best_d, best_i))

        best_d, best_i, _ = lax.fori_loop(
            0, NCHUNK, chunk,
            (jnp.full((L,), _INF, jnp.float32), jnp.zeros((L,), jnp.int32),
             jnp.float32(_INF)))

        out = pl.ds(out_slot * K, K)
        odv[out] = _sqrt16(best_d)
        oxv[out] = plsc.load_gather(kxv, [best_i])
        oyv[out] = plsc.load_gather(kyv, [best_i])
        ozv[out] = plsc.load_gather(kzv, [best_i])

    def gloop(g, _):
        qbase = g * L
        qx16 = qxv[pl.ds(qbase, L)]
        qy16 = qyv[pl.ds(qbase, L)]
        qz16 = qzv[pl.ds(qbase, L)]
        for j in range(L):
            do_query(qx16[j], qy16[j], qz16[j], qbase + j)
        return 0

    lax.fori_loop(0, QPW // L, gloop, 0)

    ob = pl.ds(base * K, QPW * K)
    pltpu.sync_copy(odv, od_hbm.at[ob])
    pltpu.sync_copy(oxv, ox_hbm.at[ob])
    pltpu.sync_copy(oyv, oy_hbm.at[ob])
    pltpu.sync_copy(ozv, oz_hbm.at[ob])


@jax.jit
def _knn_sc(qx, qy, qz, kx, ky, kz):
    flat = jax.ShapeDtypeStruct((N * K,), jnp.float32)
    f = pl.kernel(
        _knn_body,
        out_type=(flat, flat, flat, flat),
        mesh=plsc.VectorSubcoreMesh(core_axis_name="c", subcore_axis_name="s"),
        compiler_params=pltpu.CompilerParams(needs_layout_passes=False),
        scratch_types=[
            pltpu.VMEM((N,), jnp.float32),
            pltpu.VMEM((N,), jnp.float32),
            pltpu.VMEM((N,), jnp.float32),
            pltpu.VMEM((QPW,), jnp.float32),
            pltpu.VMEM((QPW,), jnp.float32),
            pltpu.VMEM((QPW,), jnp.float32),
            pltpu.VMEM((QPW * K,), jnp.float32),
            pltpu.VMEM((QPW * K,), jnp.float32),
            pltpu.VMEM((QPW * K,), jnp.float32),
            pltpu.VMEM((QPW * K,), jnp.float32),
        ],
    )
    return f(qx, qy, qz, kx, ky, kz)


def kernel(pcl_query, pcl_key):
    qx, qy, qz = (pcl_query[:, 0], pcl_query[:, 1], pcl_query[:, 2])
    kx, ky, kz = (pcl_key[:, 0], pcl_key[:, 1], pcl_key[:, 2])
    od, ox, oy, oz = _knn_sc(qx, qy, qz, kx, ky, kz)
    dists_qtk = od.reshape(N, K)
    pcl_qtk = jnp.stack(
        [ox.reshape(N, K), oy.reshape(N, K), oz.reshape(N, K)], axis=-1)
    return (pcl_qtk, dists_qtk)

# --- scband reference (transcript-rebuilt; emitter-appended) ---
"""Pipeline reference for scband-guided-implicit-point-sampler-25580825215054 (READ-ONLY COPY).

The authoritative reference and input builder live on the scoring server;
editing this copy changes nothing except your own understanding.
"""

import jax, jax.numpy as jnp
import numpy as np

NUM_NEIGHBORS = 16


def setup_inputs(seed: int = 0) -> dict:
    key = jax.random.key(seed)
    k1, k2 = jax.random.split(key)
    pcl_query = jax.random.normal(k1, (8192, 3), dtype=jnp.float32) * 8.0
    pcl_key = jax.random.normal(k2, (8192, 3), dtype=jnp.float32) * 8.0
    return {"pcl_query": pcl_query, "pcl_key": pcl_key}


def reference(pcl_query, pcl_key):
    # my_knn_torch: all-pairs Euclidean distances, then k smallest per query.
    # diffs: (M, N, 3) = key[:, None, :3] vs query[None, :, :3]
    diffs = pcl_query[None, :, :3] - pcl_key[:, None, :3]
    dists = jnp.linalg.norm(diffs, ord=2, axis=-1)  # (M, N)
    # torch: dists.topk(k, dim=0, largest=False) -> smallest along key axis.
    # Use lax.top_k on negated, transposed distances (top_k works on last axis).
    neg_vals, inds_qtk = jax.lax.top_k(-dists.T, NUM_NEIGHBORS)  # (N, K) each
    dists_qtk = -neg_vals  # (N, K), ascending distances
    pcl_qtk = pcl_key[inds_qtk]  # (N, K, 3) gather of neighbor coordinates
    # return_knn=True, return_dists=True, return_inds=False
    return (pcl_qtk, dists_qtk)

if __name__ == "__main__":
    import jax
    _d = setup_inputs()
    print(jax.jit(kernel)(*tuple(_d.values())))

</pallas_src>

<mosaic_0001>
#map = affine_map<(d0, d1) -> (0)>
module attributes {stable_mosaic.version = 14 : i64} {
  func.func @_knn_body(%arg0: i32, %arg1: i32, %arg2: memref<8192xf32, #tpu.memory_space<hbm>>, %arg3: memref<8192xf32, #tpu.memory_space<hbm>>, %arg4: memref<8192xf32, #tpu.memory_space<hbm>>, %arg5: memref<8192xf32, #tpu.memory_space<hbm>>, %arg6: memref<8192xf32, #tpu.memory_space<hbm>>, %arg7: memref<8192xf32, #tpu.memory_space<hbm>>, %arg8: memref<131072xf32, #tpu.memory_space<hbm>>, %arg9: memref<131072xf32, #tpu.memory_space<hbm>>, %arg10: memref<131072xf32, #tpu.memory_space<hbm>>, %arg11: memref<131072xf32, #tpu.memory_space<hbm>>, %arg12: memref<8192xf32, #tpu.memory_space<vmem>>, %arg13: memref<8192xf32, #tpu.memory_space<vmem>>, %arg14: memref<8192xf32, #tpu.memory_space<vmem>>, %arg15: memref<256xf32, #tpu.memory_space<vmem>>, %arg16: memref<256xf32, #tpu.memory_space<vmem>>, %arg17: memref<256xf32, #tpu.memory_space<vmem>>, %arg18: memref<4096xf32, #tpu.memory_space<vmem>>, %arg19: memref<4096xf32, #tpu.memory_space<vmem>>, %arg20: memref<4096xf32, #tpu.memory_space<vmem>>, %arg21: memref<4096xf32, #tpu.memory_space<vmem>>) attributes {dimension_semantics = [#tpu.dimension_semantics<core_parallel>, #tpu.dimension_semantics<subcore_parallel>], iteration_bounds = array<i64: 2, 16>, scalar_prefetch = 0 : i64, scratch_operands = 10 : i64, tpu.core_type = #tpu.core_type<sc_vector_subcore>, window_params = [{transform_indices = #map}, {transform_indices = #map}, {transform_indices = #map}, {transform_indices = #map}, {transform_indices = #map}, {transform_indices = #map}, {transform_indices = #map}, {transform_indices = #map}, {transform_indices = #map}, {transform_indices = #map}]} {
    %mul3A = arith.constant 2 : i32
    %mul3A_0 = arith.muli %arg1, %mul3A : i32
    %add3A = arith.addi %mul3A_0, %arg0 : i32
    %mul3A_1 = arith.constant 256 : i32
    %mul3A_2 = arith.muli %add3A, %mul3A_1 : i32
    "tpu.region"() ({
      %run_scoped3A = tpu.sem_alloc : memref<!tpu.dma_semaphore, #tpu.memory_space<semaphore_mem>>
      tpu.enqueue_dma source(%arg5 : memref<8192xf32, #tpu.memory_space<hbm>>) target(%arg12 : memref<8192xf32, #tpu.memory_space<vmem>>) target_semaphore(%run_scoped3A : memref<!tpu.dma_semaphore, #tpu.memory_space<semaphore_mem>>)
      tpu.wait_dma2 semaphore(%run_scoped3A : memref<!tpu.dma_semaphore, #tpu.memory_space<semaphore_mem>>) src(%arg5 : memref<8192xf32, #tpu.memory_space<hbm>>) dst(%arg12 : memref<8192xf32, #tpu.memory_space<vmem>>)
      tpu.yield
    }) : () -> ()
    "tpu.region"() ({
      %run_scoped3A = tpu.sem_alloc : memref<!tpu.dma_semaphore, #tpu.memory_space<semaphore_mem>>
      tpu.enqueue_dma source(%arg6 : memref<8192xf32, #tpu.memory_space<hbm>>) target(%arg13 : memref<8192xf32, #tpu.memory_space<vmem>>) target_semaphore(%run_scoped3A : memref<!tpu.dma_semaphore, #tpu.memory_space<semaphore_mem>>)
      tpu.wait_dma2 semaphore(%run_scoped3A : memref<!tpu.dma_semaphore, #tpu.memory_space<semaphore_mem>>) src(%arg6 : memref<8192xf32, #tpu.memory_space<hbm>>) dst(%arg13 : memref<8192xf32, #tpu.memory_space<vmem>>)
      tpu.yield
    }) : () -> ()
    "tpu.region"() ({
      %run_scoped3A = tpu.sem_alloc : memref<!tpu.dma_semaphore, #tpu.memory_space<semaphore_mem>>
      tpu.enqueue_dma source(%arg7 : memref<8192xf32, #tpu.memory_space<hbm>>) target(%arg14 : memref<8192xf32, #tpu.memory_space<vmem>>) target_semaphore(%run_scoped3A : memref<!tpu.dma_semaphore, #tpu.memory_space<semaphore_mem>>)
      tpu.wait_dma2 semaphore(%run_scoped3A : memref<!tpu.dma_semaphore, #tpu.memory_space<semaphore_mem>>) src(%arg7 : memref<8192xf32, #tpu.memory_space<hbm>>) dst(%arg14 : memref<8192xf32, #tpu.memory_space<vmem>>)
      tpu.yield
    }) : () -> ()
    "tpu.region"() ({
      %run_scoped3A = tpu.sem_alloc : memref<!tpu.dma_semaphore, #tpu.memory_space<semaphore_mem>>
      %dma_start3A = tpu.memref_slice %arg2[%mul3A_2] : memref<8192xf32, #tpu.memory_space<hbm>> -> memref<256xf32, #tpu.memory_space<hbm>>
      %dma_start3A_11 = tpu.memref_slice %arg2[%mul3A_2] : memref<8192xf32, #tpu.memory_space<hbm>> -> memref<256xf32, #tpu.memory_space<hbm>>
      tpu.enqueue_dma source(%dma_start3A_11 : memref<256xf32, #tpu.memory_space<hbm>>) target(%arg15 : memref<256xf32, #tpu.memory_space<vmem>>) target_semaphore(%run_scoped3A : memref<!tpu.dma_semaphore, #tpu.memory_space<semaphore_mem>>)
      %dma_wait3A = tpu.memref_slice %arg2[%mul3A_2] : memref<8192xf32, #tpu.memory_space<hbm>> -> memref<256xf32, #tpu.memory_space<hbm>>
      %dma_wait3A_12 = tpu.memref_slice %arg2[%mul3A_2] : memref<8192xf32, #tpu.memory_space<hbm>> -> memref<256xf32, #tpu.memory_space<hbm>>
      tpu.wait_dma2 semaphore(%run_scoped3A : memref<!tpu.dma_semaphore, #tpu.memory_space<semaphore_mem>>) src(%dma_wait3A_12 : memref<256xf32, #tpu.memory_space<hbm>>) dst(%arg15 : memref<256xf32, #tpu.memory_space<vmem>>)
      tpu.yield
    }) : () -> ()
    "tpu.region"() ({
      %run_scoped3A = tpu.sem_alloc : memref<!tpu.dma_semaphore, #tpu.memory_space<semaphore_mem>>
      %dma_start3A = tpu.memref_slice %arg3[%mul3A_2] : memref<8192xf32, #tpu.memory_space<hbm>> -> memref<256xf32, #tpu.memory_space<hbm>>
      %dma_start3A_11 = tpu.memref_slice %arg3[%mul3A_2] : memref<8192xf32, #tpu.memory_space<hbm>> -> memref<256xf32, #tpu.memory_space<hbm>>
      tpu.enqueue_dma source(%dma_start3A_11 : memref<256xf32, #tpu.memory_space<hbm>>) target(%arg16 : memref<256xf32, #tpu.memory_space<vmem>>) target_semaphore(%run_scoped3A : memref<!tpu.dma_semaphore, #tpu.memory_space<semaphore_mem>>)
      %dma_wait3A = tpu.memref_slice %arg3[%mul3A_2] : memref<8192xf32, #tpu.memory_space<hbm>> -> memref<256xf32, #tpu.memory_space<hbm>>
      %dma_wait3A_12 = tpu.memref_slice %arg3[%mul3A_2] : memref<8192xf32, #tpu.memory_space<hbm>> -> memref<256xf32, #tpu.memory_space<hbm>>
      tpu.wait_dma2 semaphore(%run_scoped3A : memref<!tpu.dma_semaphore, #tpu.memory_space<semaphore_mem>>) src(%dma_wait3A_12 : memref<256xf32, #tpu.memory_space<hbm>>) dst(%arg16 : memref<256xf32, #tpu.memory_space<vmem>>)
      tpu.yield
    }) : () -> ()
    "tpu.region"() ({
      %run_scoped3A = tpu.sem_alloc : memref<!tpu.dma_semaphore, #tpu.memory_space<semaphore_mem>>
      %dma_start3A = tpu.memref_slice %arg4[%mul3A_2] : memref<8192xf32, #tpu.memory_space<hbm>> -> memref<256xf32, #tpu.memory_space<hbm>>
      %dma_start3A_11 = tpu.memref_slice %arg4[%mul3A_2] : memref<8192xf32, #tpu.memory_space<hbm>> -> memref<256xf32, #tpu.memory_space<hbm>>
      tpu.enqueue_dma source(%dma_start3A_11 : memref<256xf32, #tpu.memory_space<hbm>>) target(%arg17 : memref<256xf32, #tpu.memory_space<vmem>>) target_semaphore(%run_scoped3A : memref<!tpu.dma_semaphore, #tpu.memory_space<semaphore_mem>>)
      %dma_wait3A = tpu.memref_slice %arg4[%mul3A_2] : memref<8192xf32, #tpu.memory_space<hbm>> -> memref<256xf32, #tpu.memory_space<hbm>>
      %dma_wait3A_12 = tpu.memref_slice %arg4[%mul3A_2] : memref<8192xf32, #tpu.memory_space<hbm>> -> memref<256xf32, #tpu.memory_space<hbm>>
      tpu.wait_dma2 semaphore(%run_scoped3A : memref<!tpu.dma_semaphore, #tpu.memory_space<semaphore_mem>>) src(%dma_wait3A_12 : memref<256xf32, #tpu.memory_space<hbm>>) dst(%arg17 : memref<256xf32, #tpu.memory_space<vmem>>)
      tpu.yield
    }) : () -> ()
    %iota3A = tpu.iota {dimensions = array<i32: 0>} : vector<16xi32>
    %scan3A = arith.constant 0 : i32
    %scan3A_3 = arith.constant 0 : i32
    %scan3A_4 = arith.constant 16 : i32
    %scan3A_5 = arith.addi %scan3A_3, %scan3A_4 : i32
    %scan3A_6 = arith.constant 1 : i32
    %scan3A_7 = scf.for %scan3A_11 = %scan3A_3 to %scan3A_5 step %scan3A_6 iter_args(%scan3A_12 = %scan3A) -> (i32)  : i32 {
      %mul3A_13 = arith.constant 16 : i32
      %mul3A_14 = arith.muli %scan3A_11, %mul3A_13 : i32
      %get3A = arith.index_cast %mul3A_14 : i32 to index
      %get3A_15 = tpu.vector_load %arg15[%get3A] {strides = array<i32>} : memref<256xf32, #tpu.memory_space<vmem>>, vector<16xf32>,
      %get3A_16 = arith.index_cast %mul3A_14 : i32 to index
      %get3A_17 = tpu.vector_load %arg16[%get3A_16] {strides = array<i32>} : memref<256xf32, #tpu.memory_space<vmem>>, vector<16xf32>,
      %get3A_18 = arith.index_cast %mul3A_14 : i32 to index
      %get3A_19 = tpu.vector_load %arg17[%get3A_18] {strides = array<i32>} : memref<256xf32, #tpu.memory_space<vmem>>, vector<16xf32>,
      %slice3A = vector.extract_strided_slice %get3A_15 {offsets = [0], sizes = [1], strides = [1]} : vector<16xf32> to vector<1xf32>
      %squeeze3A = vector.extract %slice3A[0] : f32 from vector<1xf32>
      %slice3A_20 = vector.extract_strided_slice %get3A_17 {offsets = [0], sizes = [1], strides = [1]} : vector<16xf32> to vector<1xf32>
      %squeeze3A_21 = vector.extract %slice3A_20[0] : f32 from vector<1xf32>
      %slice3A_22 = vector.extract_strided_slice %get3A_19 {offsets = [0], sizes = [1], strides = [1]} : vector<16xf32> to vector<1xf32>
      %squeeze3A_23 = vector.extract %slice3A_22[0] : f32 from vector<1xf32>
      %add3A_24 = arith.constant 0 : i32
      %add3A_25 = arith.addi %mul3A_14, %add3A_24 : i32
      %broadcast_in_dim3A = arith.constant 0x7F800000 : f32
      %broadcast_in_dim3A_26 = vector.broadcast %broadcast_in_dim3A : f32 to vector<16xf32>
      %broadcast_in_dim3A_27 = arith.constant 0 : i32
      %broadcast_in_dim3A_28 = vector.broadcast %broadcast_in_dim3A_27 : i32 to vector<16xi32>
      %scan3A_29 = arith.constant 0x7F800000 : f32
      %scan3A_30 = arith.constant 0 : i32
      %scan3A_31 = arith.constant 512 : i32
      %scan3A_32 = arith.addi %scan3A_30, %scan3A_31 : i32
      %scan3A_33 = arith.constant 1 : i32
      %scan3A_34:3 = scf.for %scan3A_987 = %scan3A_30 to %scan3A_32 step %scan3A_33 iter_args(%scan3A_988 = %broadcast_in_dim3A_26, %scan3A_989 = %broadcast_in_dim3A_28, %scan3A_990 = %scan3A_29) -> (vector<16xf32>, vector<16xi32>, f32)  : i32 {
        %mul3A_991 = arith.constant 16 : i32
        %mul3A_992 = arith.muli %scan3A_987, %mul3A_991 : i32
        %get3A_993 = arith.index_cast %mul3A_992 : i32 to index
        %get3A_994 = tpu.vector_load %arg12[%get3A_993] {strides = array<i32>} : memref<8192xf32, #tpu.memory_space<vmem>>, vector<16xf32>,
        %sub3A = vector.broadcast %squeeze3A : f32 to vector<16xf32>
        %sub3A_995 = arith.subf %get3A_994, %sub3A : vector<16xf32>
        %mul3A_996 = arith.mulf %sub3A_995, %sub3A_995 : vector<16xf32>
        %get3A_997 = arith.index_cast %mul3A_992 : i32 to index
        %get3A_998 = tpu.vector_load %arg13[%get3A_997] {strides = array<i32>} : memref<8192xf32, #tpu.memory_space<vmem>>, vector<16xf32>,
        %sub3A_999 = vector.broadcast %squeeze3A_21 : f32 to vector<16xf32>
        %sub3A_1000 = arith.subf %get3A_998, %sub3A_999 : vector<16xf32>
        %mul3A_1001 = arith.mulf %sub3A_1000, %sub3A_1000 : vector<16xf32>
        %add3A_1002 = arith.addf %mul3A_996, %mul3A_1001 : vector<16xf32>
        %get3A_1003 = arith.index_cast %mul3A_992 : i32 to index
        %get3A_1004 = tpu.vector_load %arg14[%get3A_1003] {strides = array<i32>} : memref<8192xf32, #tpu.memory_space<vmem>>, vector<16xf32>,
        %sub3A_1005 = vector.broadcast %squeeze3A_23 : f32 to vector<16xf32>
        %sub3A_1006 = arith.subf %get3A_1004, %sub3A_1005 : vector<16xf32>
        %mul3A_1007 = arith.mulf %sub3A_1006, %sub3A_1006 : vector<16xf32>
        %add3A_1008 = arith.addf %add3A_1002, %mul3A_1007 : vector<16xf32>
        %lt3A = vector.broadcast %scan3A_990 : f32 to vector<16xf32>
        %lt3A_1009 = arith.cmpf olt, %add3A_1008, %lt3A : vector<16xf32>
        %reduce_or3A = arith.constant 1.000000e+00 : f32
        %reduce_or3A_1010 = arith.constant 0.000000e+00 : f32
        %reduce_or3A_1011 = vector.broadcast %reduce_or3A : f32 to vector<16xf32>
        %reduce_or3A_1012 = vector.broadcast %reduce_or3A_1010 : f32 to vector<16xf32>
        %reduce_or3A_1013 = arith.select %lt3A_1009, %reduce_or3A_1011, %reduce_or3A_1012 : vector<16xi1>, vector<16xf32>
        %reduce_or3A_1014 = arith.constant true
        %reduce_or3A_1015 = vector.broadcast %reduce_or3A_1014 : i1 to vector<16xi1>
        %reduce_or3A_1016 = tpu.scan <max>, %reduce_or3A_1013 masked %reduce_or3A_1015 : vector<16xf32>, vector<16xi1> -> vector<16xf32>
        %reduce_or3A_1017 = vector.extract %reduce_or3A_1016[15] : f32 from vector<16xf32>
        %reduce_or3A_1018 = arith.constant 0.000000e+00 : f32
        %reduce_or3A_1019 = arith.cmpf ogt, %reduce_or3A_1017, %reduce_or3A_1018 : f32
        %convert_element_type3A = arith.extui %reduce_or3A_1019 : i1 to i32
        %cond3A = arith.constant 0 : i32
        %cond3A_1020 = arith.cmpi ne, %convert_element_type3A, %cond3A : i32
        %cond3A_1021:3 = scf.if %cond3A_1020 -> (vector<16xf32>, vector<16xi32>, f32) {
          %add3A_1022 = vector.broadcast %mul3A_992 : i32 to vector<16xi32>
          %add3A_1023 = arith.addi %iota3A, %add3A_1022 : vector<16xi32>
          %masked_sort3A = arith.constant dense<true> : vector<16xi1>
          %masked_sort3A_1024, %masked_sort3A_1025, %masked_sort3A_1026 = tpu.sort %add3A_1008, %add3A_1023 masked %masked_sort3A : (vector<16xf32>, vector<16xi32>, vector<16xi1>) -> (vector<16xi1>, vector<16xf32>, vector<16xi32>)
          %rev3A = arith.constant 15 : i32
          %rev3A_1027 = vector.broadcast %rev3A : i32 to vector<16xi32>
          %rev3A_1028 = tpu.iota {dimensions = array<i32: 0>} : vector<16xi32>
          %rev3A_1029 = arith.subi %rev3A_1027, %rev3A_1028 : vector<16xi32>
          %rev3A_1030 = tpu.dynamic_gather %scan3A_988[%rev3A_1029] in [0] : vector<16xf32>, vector<16xi32> -> vector<16xf32>
          %rev3A_1031 = arith.constant 15 : i32
          %rev3A_1032 = vector.broadcast %rev3A_1031 : i32 to vector<16xi32>
          %rev3A_1033 = tpu.iota {dimensions = array<i32: 0>} : vector<16xi32>
          %rev3A_1034 = arith.subi %rev3A_1032, %rev3A_1033 : vector<16xi32>
          %rev3A_1035 = tpu.dynamic_gather %scan3A_989[%rev3A_1034] in [0] : vector<16xi32>, vector<16xi32> -> vector<16xi32>
          %lt3A_1036 = arith.cmpf olt, %masked_sort3A_1025, %rev3A_1030 : vector<16xf32>
          %select_n3A_1037 = arith.select %lt3A_1036, %masked_sort3A_1025, %rev3A_1030 : vector<16xi1>, vector<16xf32>
          %select_n3A_1038 = arith.select %lt3A_1036, %masked_sort3A_1026, %rev3A_1035 : vector<16xi1>, vector<16xi32>
          %masked_sort3A_1039 = arith.constant dense<true> : vector<16xi1>
          %masked_sort3A_1040, %masked_sort3A_1041, %masked_sort3A_1042 = tpu.sort %select_n3A_1037, %select_n3A_1038 masked %masked_sort3A_1039 : (vector<16xf32>, vector<16xi32>, vector<16xi1>) -> (vector<16xi1>, vector<16xf32>, vector<16xi32>)
          %slice3A_1043 = vector.extract_strided_slice %masked_sort3A_1041 {offsets = [15], sizes = [1], strides = [1]} : vector<16xf32> to vector<1xf32>
          %squeeze3A_1044 = vector.extract %slice3A_1043[0] : f32 from vector<1xf32>
          scf.yield %masked_sort3A_1041, %masked_sort3A_1042, %squeeze3A_1044 : vector<16xf32>, vector<16xi32>, f32
        } else {
          scf.yield %scan3A_988, %scan3A_989, %scan3A_990 : vector<16xf32>, vector<16xi32>, f32
        }
        scf.yield %cond3A_1021#0, %cond3A_1021#1, %cond3A_1021#2 : vector<16xf32>, vector<16xi32>, f32
      }
      %scan3A_35 = arith.constant 512 : i32
      %mul3A_36 = arith.constant 16 : i32
      %mul3A_37 = arith.muli %add3A_25, %mul3A_36 : i32
      %bitcast_convert_type3A = tpu.bitcast %scan3A_34#0 : vector<16xf32> -> vector<16xi32>
      %shift_right_logical3A = arith.constant 1 : i32
      %shift_right_logical3A_38 = vector.broadcast %shift_right_logical3A : i32 to vector<16xi32>
      %shift_right_logical3A_39 = arith.shrui %bitcast_convert_type3A, %shift_right_logical3A_38 : vector<16xi32>
      %add3A_40 = arith.constant 532487670 : i32
      %add3A_41 = vector.broadcast %add3A_40 : i32 to vector<16xi32>
      %add3A_42 = arith.addi %shift_right_logical3A_39, %add3A_41 : vector<16xi32>
      %bitcast_convert_type3A_43 = tpu.bitcast %add3A_42 : vector<16xi32> -> vector<16xf32>
      %div3A = arith.divf %scan3A_34#0, %bitcast_convert_type3A_43 : vector<16xf32>
      %add3A_44 = arith.addf %bitcast_convert_type3A_43, %div3A : vector<16xf32>
      %mul3A_45 = arith.constant 5.000000e-01 : f32
      %mul3A_46 = vector.broadcast %mul3A_45 : f32 to vector<16xf32>
      %mul3A_47 = arith.mulf %mul3A_46, %add3A_44 : vector<16xf32>
      %div3A_48 = arith.divf %scan3A_34#0, %mul3A_47 : vector<16xf32>
      %add3A_49 = arith.addf %mul3A_47, %div3A_48 : vector<16xf32>
      %mul3A_50 = arith.constant 5.000000e-01 : f32
      %mul3A_51 = vector.broadcast %mul3A_50 : f32 to vector<16xf32>
      %mul3A_52 = arith.mulf %mul3A_51, %add3A_49 : vector<16xf32>
      %div3A_53 = arith.divf %scan3A_34#0, %mul3A_52 : vector<16xf32>
      %add3A_54 = arith.addf %mul3A_52, %div3A_53 : vector<16xf32>
      %mul3A_55 = arith.constant 5.000000e-01 : f32
      %mul3A_56 = vector.broadcast %mul3A_55 : f32 to vector<16xf32>
      %mul3A_57 = arith.mulf %mul3A_56, %add3A_54 : vector<16xf32>
      %gt3A = arith.constant 0.000000e+00 : f32
      %gt3A_58 = vector.broadcast %gt3A : f32 to vector<16xf32>
      %gt3A_59 = arith.cmpf ogt, %scan3A_34#0, %gt3A_58 : vector<16xf32>
      %broadcast_in_dim3A_60 = arith.constant 0.000000e+00 : f32
      %broadcast_in_dim3A_61 = vector.broadcast %broadcast_in_dim3A_60 : f32 to vector<16xf32>
      %select_n3A = arith.select %gt3A_59, %mul3A_57, %broadcast_in_dim3A_61 : vector<16xi1>, vector<16xf32>
      %swap3A = arith.index_cast %mul3A_37 : i32 to index
      %swap3A_62 = tpu.vector_load %arg18[%swap3A] {strides = array<i32>} : memref<4096xf32, #tpu.memory_space<vmem>>, vector<16xf32>,
      tpu.vector_store %arg18[%swap3A], %select_n3A {strides = array<i32>} : memref<4096xf32, #tpu.memory_space<vmem>>, vector<16xf32>,
      %gather3A = tpu.vector_load_idx %arg12[%scan3A_34#1] : memref<8192xf32, #tpu.memory_space<vmem>>[vector<16xi32>], vector<16xf32>,
      %swap3A_63 = arith.index_cast %mul3A_37 : i32 to index
      %swap3A_64 = tpu.vector_load %arg19[%swap3A_63] {strides = array<i32>} : memref<4096xf32, #tpu.memory_space<vmem>>, vector<16xf32>,
      tpu.vector_store %arg19[%swap3A_63], %gather3A {strides = array<i32>} : memref<4096xf32, #tpu.memory_space<vmem>>, vector<16xf32>,
      %gather3A_65 = tpu.vector_load_idx %arg13[%scan3A_34#1] : memref<8192xf32, #tpu.memory_space<vmem>>[vector<16xi32>], vector<16xf32>,
      %swap3A_66 = arith.index_cast %mul3A_37 : i32 to index
      %swap3A_67 = tpu.vector_load %arg20[%swap3A_66] {strides = array<i32>} : memref<4096xf32, #tpu.memory_space<vmem>>, vector<16xf32>,
      tpu.vector_store %arg20[%swap3A_66], %gather3A_65 {strides = array<i32>} : memref<4096xf32, #tpu.memory_space<vmem>>, vector<16xf32>,
      %gather3A_68 = tpu.vector_load_idx %arg14[%scan3A_34#1] : memref<8192xf32, #tpu.memory_space<vmem>>[vector<16xi32>], vector<16xf32>,
      %swap3A_69 = arith.index_cast %mul3A_37 : i32 to index
      %swap3A_70 = tpu.vector_load %arg21[%swap3A_69] {strides = array<i32>} : memref<4096xf32, #tpu.memory_space<vmem>>, vector<16xf32>,
      tpu.vector_store %arg21[%swap3A_69], %gather3A_68 {strides = array<i32>} : memref<4096xf32, #tpu.memory_space<vmem>>, vector<16xf32>,
      %slice3A_71 = vector.extract_strided_slice %get3A_15 {offsets = [1], sizes = [1], strides = [1]} : vector<16xf32> to vector<1xf32>
      %squeeze3A_72 = vector.extract %slice3A_71[0] : f32 from vector<1xf32>
      %slice3A_73 = vector.extract_strided_slice %get3A_17 {offsets = [1], sizes = [1], strides = [1]} : vector<16xf32> to vector<1xf32>
      %squeeze3A_74 = vector.extract %slice3A_73[0] : f32 from vector<1xf32>
      %slice3A_75 = vector.extract_strided_slice %get3A_19 {offsets = [1], sizes = [1], strides = [1]} : vector<16xf32> to vector<1xf32>
      %squeeze3A_76 = vector.extract %slice3A_75[0] : f32 from vector<1xf32>
      %add3A_77 = arith.constant 1 : i32
      %add3A_78 = arith.addi %mul3A_14, %add3A_77 : i32
      %broadcast_in_dim3A_79 = arith.constant 0x7F800000 : f32
      %broadcast_in_dim3A_80 = vector.broadcast %broadcast_in_dim3A_79 : f32 to vector<16xf32>
      %broadcast_in_dim3A_81 = arith.constant 0 : i32
      %broadcast_in_dim3A_82 = vector.broadcast %broadcast_in_dim3A_81 : i32 to vector<16xi32>
      %scan3A_83 = arith.constant 0x7F800000 : f32
      %scan3A_84 = arith.constant 0 : i32
      %scan3A_85 = arith.constant 512 : i32
      %scan3A_86 = arith.addi %scan3A_84, %scan3A_85 : i32
      %scan3A_87 = arith.constant 1 : i32
      %scan3A_88:3 = scf.for %scan3A_987 = %scan3A_84 to %scan3A_86 step %scan3A_87 iter_args(%scan3A_988 = %broadcast_in_dim3A_80, %scan3A_989 = %broadcast_in_dim3A_82, %scan3A_990 = %scan3A_83) -> (vector<16xf32>, vector<16xi32>, f32)  : i32 {
        %mul3A_991 = arith.constant 16 : i32
        %mul3A_992 = arith.muli %scan3A_987, %mul3A_991 : i32
        %get3A_993 = arith.index_cast %mul3A_992 : i32 to index
        %get3A_994 = tpu.vector_load %arg12[%get3A_993] {strides = array<i32>} : memref<8192xf32, #tpu.memory_space<vmem>>, vector<16xf32>,
        %sub3A = vector.broadcast %squeeze3A_72 : f32 to vector<16xf32>
        %sub3A_995 = arith.subf %get3A_994, %sub3A : vector<16xf32>
        %mul3A_996 = arith.mulf %sub3A_995, %sub3A_995 : vector<16xf32>
        %get3A_997 = arith.index_cast %mul3A_992 : i32 to index
        %get3A_998 = tpu.vector_load %arg13[%get3A_997] {strides = array<i32>} : memref<8192xf32, #tpu.memory_space<vmem>>, vector<16xf32>,
        %sub3A_999 = vector.broadcast %squeeze3A_74 : f32 to vector<16xf32>
        %sub3A_1000 = arith.subf %get3A_998, %sub3A_999 : vector<16xf32>
        %mul3A_1001 = arith.mulf %sub3A_1000, %sub3A_1000 : vector<16xf32>
        %add3A_1002 = arith.addf %mul3A_996, %mul3A_1001 : vector<16xf32>
        %get3A_1003 = arith.index_cast %mul3A_992 : i32 to index
        %get3A_1004 = tpu.vector_load %arg14[%get3A_1003] {strides = array<i32>} : memref<8192xf32, #tpu.memory_space<vmem>>, vector<16xf32>,
        %sub3A_1005 = vector.broadcast %squeeze3A_76 : f32 to vector<16xf32>
        %sub3A_1006 = arith.subf %get3A_1004, %sub3A_1005 : vector<16xf32>
        %mul3A_1007 = arith.mulf %sub3A_1006, %sub3A_1006 : vector<16xf32>
        %add3A_1008 = arith.addf %add3A_1002, %mul3A_1007 : vector<16xf32>
        %lt3A = vector.broadcast %scan3A_990 : f32 to vector<16xf32>
        %lt3A_1009 = arith.cmpf olt, %add3A_1008, %lt3A : vector<16xf32>
        %reduce_or3A = arith.constant 1.000000e+00 : f32
        %reduce_or3A_1010 = arith.constant 0.000000e+00 : f32
        %reduce_or3A_1011 = vector.broadcast %reduce_or3A : f32 to vector<16xf32>
        %reduce_or3A_1012 = vector.broadcast %reduce_or3A_1010 : f32 to vector<16xf32>
        %reduce_or3A_1013 = arith.select %lt3A_1009, %reduce_or3A_1011, %reduce_or3A_1012 : vector<16xi1>, vector<16xf32>
        %reduce_or3A_1014 = arith.constant true
        %reduce_or3A_1015 = vector.broadcast %reduce_or3A_1014 : i1 to vector<16xi1>
        %reduce_or3A_1016 = tpu.scan <max>, %reduce_or3A_1013 masked %reduce_or3A_1015 : vector<16xf32>, vector<16xi1> -> vector<16xf32>
        %reduce_or3A_1017 = vector.extract %reduce_or3A_1016[15] : f32 from vector<16xf32>
        %reduce_or3A_1018 = arith.constant 0.000000e+00 : f32
        %reduce_or3A_1019 = arith.cmpf ogt, %reduce_or3A_1017, %reduce_or3A_1018 : f32
        %convert_element_type3A = arith.extui %reduce_or3A_1019 : i1 to i32
        %cond3A = arith.constant 0 : i32
        %cond3A_1020 = arith.cmpi ne, %convert_element_type3A, %cond3A : i32
        %cond3A_1021:3 = scf.if %cond3A_1020 -> (vector<16xf32>, vector<16xi32>, f32) {
          %add3A_1022 = vector.broadcast %mul3A_992 : i32 to vector<16xi32>
          %add3A_1023 = arith.addi %iota3A, %add3A_1022 : vector<16xi32>
          %masked_sort3A = arith.constant dense<true> : vector<16xi1>
          %masked_sort3A_1024, %masked_sort3A_1025, %masked_sort3A_1026 = tpu.sort %add3A_1008, %add3A_1023 masked %masked_sort3A : (vector<16xf32>, vector<16xi32>, vector<16xi1>) -> (vector<16xi1>, vector<16xf32>, vector<16xi32>)
          %rev3A = arith.constant 15 : i32
          %rev3A_1027 = vector.broadcast %rev3A : i32 to vector<16xi32>
          %rev3A_1028 = tpu.iota {dimensions = array<i32: 0>} : vector<16xi32>
          %rev3A_1029 = arith.subi %rev3A_1027, %rev3A_1028 : vector<16xi32>
          %rev3A_1030 = tpu.dynamic_gather %scan3A_988[%rev3A_1029] in [0] : vector<16xf32>, vector<16xi32> -> vector<16xf32>
          %rev3A_1031 = arith.constant 15 : i32
          %rev3A_1032 = vector.broadcast %rev3A_1031 : i32 to vector<16xi32>
          %rev3A_1033 = tpu.iota {dimensions = array<i32: 0>} : vector<16xi32>
          %rev3A_1034 = arith.subi %rev3A_1032, %rev3A_1033 : vector<16xi32>
          %rev3A_1035 = tpu.dynamic_gather %scan3A_989[%rev3A_1034] in [0] : vector<16xi32>, vector<16xi32> -> vector<16xi32>
          %lt3A_1036 = arith.cmpf olt, %masked_sort3A_1025, %rev3A_1030 : vector<16xf32>
          %select_n3A_1037 = arith.select %lt3A_1036, %masked_sort3A_1025, %rev3A_1030 : vector<16xi1>, vector<16xf32>
          %select_n3A_1038 = arith.select %lt3A_1036, %masked_sort3A_1026, %rev3A_1035 : vector<16xi1>, vector<16xi32>
          %masked_sort3A_1039 = arith.constant dense<true> : vector<16xi1>
          %masked_sort3A_1040, %masked_sort3A_1041, %masked_sort3A_1042 = tpu.sort %select_n3A_1037, %select_n3A_1038 masked %masked_sort3A_1039 : (vector<16xf32>, vector<16xi32>, vector<16xi1>) -> (vector<16xi1>, vector<16xf32>, vector<16xi32>)
          %slice3A_1043 = vector.extract_strided_slice %masked_sort3A_1041 {offsets = [15], sizes = [1], strides = [1]} : vector<16xf32> to vector<1xf32>
          %squeeze3A_1044 = vector.extract %slice3A_1043[0] : f32 from vector<1xf32>
          scf.yield %masked_sort3A_1041, %masked_sort3A_1042, %squeeze3A_1044 : vector<16xf32>, vector<16xi32>, f32
        } else {
          scf.yield %scan3A_988, %scan3A_989, %scan3A_990 : vector<16xf32>, vector<16xi32>, f32
        }
        scf.yield %cond3A_1021#0, %cond3A_1021#1, %cond3A_1021#2 : vector<16xf32>, vector<16xi32>, f32
      }
      %scan3A_89 = arith.constant 512 : i32
      %mul3A_90 = arith.constant 16 : i32
      %mul3A_91 = arith.muli %add3A_78, %mul3A_90 : i32
      %bitcast_convert_type3A_92 = tpu.bitcast %scan3A_88#0 : vector<16xf32> -> vector<16xi32>
      %shift_right_logical3A_93 = arith.constant 1 : i32
      %shift_right_logical3A_94 = vector.broadcast %shift_right_logical3A_93 : i32 to vector<16xi32>
      %shift_right_logical3A_95 = arith.shrui %bitcast_convert_type3A_92, %shift_right_logical3A_94 : vector<16xi32>
      %add3A_96 = arith.constant 532487670 : i32
      %add3A_97 = vector.broadcast %add3A_96 : i32 to vector<16xi32>
      %add3A_98 = arith.addi %shift_right_logical3A_95, %add3A_97 : vector<16xi32>
      %bitcast_convert_type3A_99 = tpu.bitcast %add3A_98 : vector<16xi32> -> vector<16xf32>
      %div3A_100 = arith.divf %scan3A_88#0, %bitcast_convert_type3A_99 : vector<16xf32>
      %add3A_101 = arith.addf %bitcast_convert_type3A_99, %div3A_100 : vector<16xf32>
      %mul3A_102 = arith.constant 5.000000e-01 : f32
      %mul3A_103 = vector.broadcast %mul3A_102 : f32 to vector<16xf32>
      %mul3A_104 = arith.mulf %mul3A_103, %add3A_101 : vector<16xf32>
      %div3A_105 = arith.divf %scan3A_88#0, %mul3A_104 : vector<16xf32>
      %add3A_106 = arith.addf %mul3A_104, %div3A_105 : vector<16xf32>
      %mul3A_107 = arith.constant 5.000000e-01 : f32
      %mul3A_108 = vector.broadcast %mul3A_107 : f32 to vector<16xf32>
      %mul3A_109 = arith.mulf %mul3A_108, %add3A_106 : vector<16xf32>
      %div3A_110 = arith.divf %scan3A_88#0, %mul3A_109 : vector<16xf32>
      %add3A_111 = arith.addf %mul3A_109, %div3A_110 : vector<16xf32>
      %mul3A_112 = arith.constant 5.000000e-01 : f32
      %mul3A_113 = vector.broadcast %mul3A_112 : f32 to vector<16xf32>
      %mul3A_114 = arith.mulf %mul3A_113, %add3A_111 : vector<16xf32>
      %gt3A_115 = arith.constant 0.000000e+00 : f32
      %gt3A_116 = vector.broadcast %gt3A_115 : f32 to vector<16xf32>
      %gt3A_117 = arith.cmpf ogt, %scan3A_88#0, %gt3A_116 : vector<16xf32>
      %broadcast_in_dim3A_118 = arith.constant 0.000000e+00 : f32
      %broadcast_in_dim3A_119 = vector.broadcast %broadcast_in_dim3A_118 : f32 to vector<16xf32>
      %select_n3A_120 = arith.select %gt3A_117, %mul3A_114, %broadcast_in_dim3A_119 : vector<16xi1>, vector<16xf32>
      %swap3A_121 = arith.index_cast %mul3A_91 : i32 to index
      %swap3A_122 = tpu.vector_load %arg18[%swap3A_121] {strides = array<i32>} : memref<4096xf32, #tpu.memory_space<vmem>>, vector<16xf32>,
      tpu.vector_store %arg18[%swap3A_121], %select_n3A_120 {strides = array<i32>} : memref<4096xf32, #tpu.memory_space<vmem>>, vector<16xf32>,
      %gather3A_123 = tpu.vector_load_idx %arg12[%scan3A_88#1] : memref<8192xf32, #tpu.memory_space<vmem>>[vector<16xi32>], vector<16xf32>,
      %swap3A_124 = arith.index_cast %mul3A_91 : i32 to index
      %swap3A_125 = tpu.vector_load %arg19[%swap3A_124] {strides = array<i32>} : memref<4096xf32, #tpu.memory_space<vmem>>, vector<16xf32>,
      tpu.vector_store %arg19[%swap3A_124], %gather3A_123 {strides = array<i32>} : memref<4096xf32, #tpu.memory_space<vmem>>, vector<16xf32>,
      %gather3A_126 = tpu.vector_load_idx %arg13[%scan3A_88#1] : memref<8192xf32, #tpu.memory_space<vmem>>[vector<16xi32>], vector<16xf32>,
      %swap3A_127 = arith.index_cast %mul3A_91 : i32 to index
      %swap3A_128 = tpu.vector_load %arg20[%swap3A_127] {strides = array<i32>} : memref<4096xf32, #tpu.memory_space<vmem>>, vector<16xf32>,
      tpu.vector_store %arg20[%swap3A_127], %gather3A_126 {strides = array<i32>} : memref<4096xf32, #tpu.memory_space<vmem>>, vector<16xf32>,
      %gather3A_129 = tpu.vector_load_idx %arg14[%scan3A_88#1] : memref<8192xf32, #tpu.memory_space<vmem>>[vector<16xi32>], vector<16xf32>,
      %swap3A_130 = arith.index_cast %mul3A_91 : i32 to index
      %swap3A_131 = tpu.vector_load %arg21[%swap3A_130] {strides = array<i32>} : memref<4096xf32, #tpu.memory_space<vmem>>, vector<16xf32>,
      tpu.vector_store %arg21[%swap3A_130], %gather3A_129 {strides = array<i32>} : memref<4096xf32, #tpu.memory_space<vmem>>, vector<16xf32>,
      %slice3A_132 = vector.extract_strided_slice %get3A_15 {offsets = [2], sizes = [1], strides = [1]} : vector<16xf32> to vector<1xf32>
      %squeeze3A_133 = vector.extract %slice3A_132[0] : f32 from vector<1xf32>
      %slice3A_134 = vector.extract_strided_slice %get3A_17 {offsets = [2], sizes = [1], strides = [1]} : vector<16xf32> to vector<1xf32>
      %squeeze3A_135 = vector.extract %slice3A_134[0] : f32 from vector<1xf32>
      %slice3A_136 = vector.extract_strided_slice %get3A_19 {offsets = [2], sizes = [1], strides = [1]} : vector<16xf32> to vector<1xf32>
      %squeeze3A_137 = vector.extract %slice3A_136[0] : f32 from vector<1xf32>
      %add3A_138 = arith.constant 2 : i32
      %add3A_139 = arith.addi %mul3A_14, %add3A_138 : i32
      %broadcast_in_dim3A_140 = arith.constant 0x7F800000 : f32
      %broadcast_in_dim3A_141 = vector.broadcast %broadcast_in_dim3A_140 : f32 to vector<16xf32>
      %broadcast_in_dim3A_142 = arith.constant 0 : i32
      %broadcast_in_dim3A_143 = vector.broadcast %broadcast_in_dim3A_142 : i32 to vector<16xi32>
      %scan3A_144 = arith.constant 0x7F800000 : f32
      %scan3A_145 = arith.constant 0 : i32
      %scan3A_146 = arith.constant 512 : i32
      %scan3A_147 = arith.addi %scan3A_145, %scan3A_146 : i32
      %scan3A_148 = arith.constant 1 : i32
      %scan3A_149:3 = scf.for %scan3A_987 = %scan3A_145 to %scan3A_147 step %scan3A_148 iter_args(%scan3A_988 = %broadcast_in_dim3A_141, %scan3A_989 = %broadcast_in_dim3A_143, %scan3A_990 = %scan3A_144) -> (vector<16xf32>, vector<16xi32>, f32)  : i32 {
        %mul3A_991 = arith.constant 16 : i32
        %mul3A_992 = arith.muli %scan3A_987, %mul3A_991 : i32
        %get3A_993 = arith.index_cast %mul3A_992 : i32 to index
        %get3A_994 = tpu.vector_load %arg12[%get3A_993] {strides = array<i32>} : memref<8192xf32, #tpu.memory_space<vmem>>, vector<16xf32>,
        %sub3A = vector.broadcast %squeeze3A_133 : f32 to vector<16xf32>
        %sub3A_995 = arith.subf %get3A_994, %sub3A : vector<16xf32>
        %mul3A_996 = arith.mulf %sub3A_995, %sub3A_995 : vector<16xf32>
        %get3A_997 = arith.index_cast %mul3A_992 : i32 to index
        %get3A_998 = tpu.vector_load %arg13[%get3A_997] {strides = array<i32>} : memref<8192xf32, #tpu.memory_space<vmem>>, vector<16xf32>,
        %sub3A_999 = vector.broadcast %squeeze3A_135 : f32 to vector<16xf32>
        %sub3A_1000 = arith.subf %get3A_998, %sub3A_999 : vector<16xf32>
        %mul3A_1001 = arith.mulf %sub3A_1000, %sub3A_1000 : vector<16xf32>
        %add3A_1002 = arith.addf %mul3A_996, %mul3A_1001 : vector<16xf32>
        %get3A_1003 = arith.index_cast %mul3A_992 : i32 to index
        %get3A_1004 = tpu.vector_load %arg14[%get3A_1003] {strides = array<i32>} : memref<8192xf32, #tpu.memory_space<vmem>>, vector<16xf32>,
        %sub3A_1005 = vector.broadcast %squeeze3A_137 : f32 to vector<16xf32>
        %sub3A_1006 = arith.subf %get3A_1004, %sub3A_1005 : vector<16xf32>
        %mul3A_1007 = arith.mulf %sub3A_1006, %sub3A_1006 : vector<16xf32>
        %add3A_1008 = arith.addf %add3A_1002, %mul3A_1007 : vector<16xf32>
        %lt3A = vector.broadcast %scan3A_990 : f32 to vector<16xf32>
        %lt3A_1009 = arith.cmpf olt, %add3A_1008, %lt3A : vector<16xf32>
        %reduce_or3A = arith.constant 1.000000e+00 : f32
        %reduce_or3A_1010 = arith.constant 0.000000e+00 : f32
        %reduce_or3A_1011 = vector.broadcast %reduce_or3A : f32 to vector<16xf32>
        %reduce_or3A_1012 = vector.broadcast %reduce_or3A_1010 : f32 to vector<16xf32>
        %reduce_or3A_1013 = arith.select %lt3A_1009, %reduce_or3A_1011, %reduce_or3A_1012 : vector<16xi1>, vector<16xf32>
        %reduce_or3A_1014 = arith.constant true
        %reduce_or3A_1015 = vector.broadcast %reduce_or3A_1014 : i1 to vector<16xi1>
        %reduce_or3A_1016 = tpu.scan <max>, %reduce_or3A_1013 masked %reduce_or3A_1015 : vector<16xf32>, vector<16xi1> -> vector<16xf32>
        %reduce_or3A_1017 = vector.extract %reduce_or3A_1016[15] : f32 from vector<16xf32>
        %reduce_or3A_1018 = arith.constant 0.000000e+00 : f32
        %reduce_or3A_1019 = arith.cmpf ogt, %reduce_or3A_1017, %reduce_or3A_1018 : f32
        %convert_element_type3A = arith.extui %reduce_or3A_1019 : i1 to i32
        %cond3A = arith.constant 0 : i32
        %cond3A_1020 = arith.cmpi ne, %convert_element_type3A, %cond3A : i32
        %cond3A_1021:3 = scf.if %cond3A_1020 -> (vector<16xf32>, vector<16xi32>, f32) {
          %add3A_1022 = vector.broadcast %mul3A_992 : i32 to vector<16xi32>
          %add3A_1023 = arith.addi %iota3A, %add3A_1022 : vector<16xi32>
          %masked_sort3A = arith.constant dense<true> : vector<16xi1>
          %masked_sort3A_1024, %masked_sort3A_1025, %masked_sort3A_1026 = tpu.sort %add3A_1008, %add3A_1023 masked %masked_sort3A : (vector<16xf32>, vector<16xi32>, vector<16xi1>) -> (vector<16xi1>, vector<16xf32>, vector<16xi32>)
          %rev3A = arith.constant 15 : i32
          %rev3A_1027 = vector.broadcast %rev3A : i32 to vector<16xi32>
          %rev3A_1028 = tpu.iota {dimensions = array<i32: 0>} : vector<16xi32>
          %rev3A_1029 = arith.subi %rev3A_1027, %rev3A_1028 : vector<16xi32>
          %rev3A_1030 = tpu.dynamic_gather %scan3A_988[%rev3A_1029] in [0] : vector<16xf32>, vector<16xi32> -> vector<16xf32>
          %rev3A_1031 = arith.constant 15 : i32
          %rev3A_1032 = vector.broadcast %rev3A_1031 : i32 to vector<16xi32>
          %rev3A_1033 = tpu.iota {dimensions = array<i32: 0>} : vector<16xi32>
          %rev3A_1034 = arith.subi %rev3A_1032, %rev3A_1033 : vector<16xi32>
          %rev3A_1035 = tpu.dynamic_gather %scan3A_989[%rev3A_1034] in [0] : vector<16xi32>, vector<16xi32> -> vector<16xi32>
          %lt3A_1036 = arith.cmpf olt, %masked_sort3A_1025, %rev3A_1030 : vector<16xf32>
          %select_n3A_1037 = arith.select %lt3A_1036, %masked_sort3A_1025, %rev3A_1030 : vector<16xi1>, vector<16xf32>
          %select_n3A_1038 = arith.select %lt3A_1036, %masked_sort3A_1026, %rev3A_1035 : vector<16xi1>, vector<16xi32>
          %masked_sort3A_1039 = arith.constant dense<true> : vector<16xi1>
          %masked_sort3A_1040, %masked_sort3A_1041, %masked_sort3A_1042 = tpu.sort %select_n3A_1037, %select_n3A_1038 masked %masked_sort3A_1039 : (vector<16xf32>, vector<16xi32>, vector<16xi1>) -> (vector<16xi1>, vector<16xf32>, vector<16xi32>)
          %slice3A_1043 = vector.extract_strided_slice %masked_sort3A_1041 {offsets = [15], sizes = [1], strides = [1]} : vector<16xf32> to vector<1xf32>
          %squeeze3A_1044 = vector.extract %slice3A_1043[0] : f32 from vector<1xf32>
          scf.yield %masked_sort3A_1041, %masked_sort3A_1042, %squeeze3A_1044 : vector<16xf32>, vector<16xi32>, f32
        } else {
          scf.yield %scan3A_988, %scan3A_989, %scan3A_990 : vector<16xf32>, vector<16xi32>, f32
        }
        scf.yield %cond3A_1021#0, %cond3A_1021#1, %cond3A_1021#2 : vector<16xf32>, vector<16xi32>, f32
      }
      %scan3A_150 = arith.constant 512 : i32
      %mul3A_151 = arith.constant 16 : i32
      %mul3A_152 = arith.muli %add3A_139, %mul3A_151 : i32
      %bitcast_convert_type3A_153 = tpu.bitcast %scan3A_149#0 : vector<16xf32> -> vector<16xi32>
      %shift_right_logical3A_154 = arith.constant 1 : i32
      %shift_right_logical3A_155 = vector.broadcast %shift_right_logical3A_154 : i32 to vector<16xi32>
      %shift_right_logical3A_156 = arith.shrui %bitcast_convert_type3A_153, %shift_right_logical3A_155 : vector<16xi32>
      %add3A_157 = arith.constant 532487670 : i32
      %add3A_158 = vector.broadcast %add3A_157 : i32 to vector<16xi32>
      %add3A_159 = arith.addi %shift_right_logical3A_156, %add3A_158 : vector<16xi32>
      %bitcast_convert_type3A_160 = tpu.bitcast %add3A_159 : vector<16xi32> -> vector<16xf32>
      %div3A_161 = arith.divf %scan3A_149#0, %bitcast_convert_type3A_160 : vector<16xf32>
      %add3A_162 = arith.addf %bitcast_convert_type3A_160, %div3A_161 : vector<16xf32>
      %mul3A_163 = arith.constant 5.000000e-01 : f32
      %mul3A_164 = vector.broadcast %mul3A_163 : f32 to vector<16xf32>
      %mul3A_165 = arith.mulf %mul3A_164, %add3A_162 : vector<16xf32>
      %div3A_166 = arith.divf %scan3A_149#0, %mul3A_165 : vector<16xf32>
      %add3A_167 = arith.addf %mul3A_165, %div3A_166 : vector<16xf32>
      %mul3A_168 = arith.constant 5.000000e-01 : f32
      %mul3A_169 = vector.broadcast %mul3A_168 : f32 to vector<16xf32>
      %mul3A_170 = arith.mulf %mul3A_169, %add3A_167 : vector<16xf32>
      %div3A_171 = arith.divf %scan3A_149#0, %mul3A_170 : vector<16xf32>
      %add3A_172 = arith.addf %mul3A_170, %div3A_171 : vector<16xf32>
      %mul3A_173 = arith.constant 5.000000e-01 : f32
      %mul3A_174 = vector.broadcast %mul3A_173 : f32 to vector<16xf32>
      %mul3A_175 = arith.mulf %mul3A_174, %add3A_172 : vector<16xf32>
      %gt3A_176 = arith.constant 0.000000e+00 : f32
      %gt3A_177 = vector.broadcast %gt3A_176 : f32 to vector<16xf32>
      %gt3A_178 = arith.cmpf ogt, %scan3A_149#0, %gt3A_177 : vector<16xf32>
      %broadcast_in_dim3A_179 = arith.constant 0.000000e+00 : f32
      %broadcast_in_dim3A_180 = vector.broadcast %broadcast_in_dim3A_179 : f32 to vector<16xf32>
      %select_n3A_181 = arith.select %gt3A_178, %mul3A_175, %broadcast_in_dim3A_180 : vector<16xi1>, vector<16xf32>
      %swap3A_182 = arith.index_cast %mul3A_152 : i32 to index
      %swap3A_183 = tpu.vector_load %arg18[%swap3A_182] {strides = array<i32>} : memref<4096xf32, #tpu.memory_space<vmem>>, vector<16xf32>,
      tpu.vector_store %arg18[%swap3A_182], %select_n3A_181 {strides = array<i32>} : memref<4096xf32, #tpu.memory_space<vmem>>, vector<16xf32>,
      %gather3A_184 = tpu.vector_load_idx %arg12[%scan3A_149#1] : memref<8192xf32, #tpu.memory_space<vmem>>[vector<16xi32>], vector<16xf32>,
      %swap3A_185 = arith.index_cast %mul3A_152 : i32 to index
      %swap3A_186 = tpu.vector_load %arg19[%swap3A_185] {strides = array<i32>} : memref<4096xf32, #tpu.memory_space<vmem>>, vector<16xf32>,
      tpu.vector_store %arg19[%swap3A_185], %gather3A_184 {strides = array<i32>} : memref<4096xf32, #tpu.memory_space<vmem>>, vector<16xf32>,
      %gather3A_187 = tpu.vector_load_idx %arg13[%scan3A_149#1] : memref<8192xf32, #tpu.memory_space<vmem>>[vector<16xi32>], vector<16xf32>,
      %swap3A_188 = arith.index_cast %mul3A_152 : i32 to index
      %swap3A_189 = tpu.vector_load %arg20[%swap3A_188] {strides = array<i32>} : memref<4096xf32, #tpu.memory_space<vmem>>, vector<16xf32>,
      tpu.vector_store %arg20[%swap3A_188], %gather3A_187 {strides = array<i32>} : memref<4096xf32, #tpu.memory_space<vmem>>, vector<16xf32>,
      %gather3A_190 = tpu.vector_load_idx %arg14[%scan3A_149#1] : memref<8192xf32, #tpu.memory_space<vmem>>[vector<16xi32>], vector<16xf32>,
      %swap3A_191 = arith.index_cast %mul3A_152 : i32 to index
      %swap3A_192 = tpu.vector_load %arg21[%swap3A_191] {strides = array<i32>} : memref<4096xf32, #tpu.memory_space<vmem>>, vector<16xf32>,
      tpu.vector_store %arg21[%swap3A_191], %gather3A_190 {strides = array<i32>} : memref<4096xf32, #tpu.memory_space<vmem>>, vector<16xf32>,
      %slice3A_193 = vector.extract_strided_slice %get3A_15 {offsets = [3], sizes = [1], strides = [1]} : vector<16xf32> to vector<1xf32>
      %squeeze3A_194 = vector.extract %slice3A_193[0] : f32 from vector<1xf32>
      %slice3A_195 = vector.extract_strided_slice %get3A_17 {offsets = [3], sizes = [1], strides = [1]} : vector<16xf32> to vector<1xf32>
      %squeeze3A_196 = vector.extract %slice3A_195[0] : f32 from vector<1xf32>
      %slice3A_197 = vector.extract_strided_slice %get3A_19 {offsets = [3], sizes = [1], strides = [1]} : vector<16xf32> to vector<1xf32>
      %squeeze3A_198 = vector.extract %slice3A_197[0] : f32 from vector<1xf32>
      %add3A_199 = arith.constant 3 : i32
      %add3A_200 = arith.addi %mul3A_14, %add3A_199 : i32
      %broadcast_in_dim3A_201 = arith.constant 0x7F800000 : f32
      %broadcast_in_dim3A_202 = vector.broadcast %broadcast_in_dim3A_201 : f32 to vector<16xf32>
      %broadcast_in_dim3A_203 = arith.constant 0 : i32
      %broadcast_in_dim3A_204 = vector.broadcast %broadcast_in_dim3A_203 : i32 to vector<16xi32>
      %scan3A_205 = arith.constant 0x7F800000 : f32
      %scan3A_206 = arith.constant 0 : i32
      %scan3A_207 = arith.constant 512 : i32
      %scan3A_208 = arith.addi %scan3A_206, %scan3A_207 : i32
      %scan3A_209 = arith.constant 1 : i32
      %scan3A_210:3 = scf.for %scan3A_987 = %scan3A_206 to %scan3A_208 step %scan3A_209 iter_args(%scan3A_988 = %broadcast_in_dim3A_202, %scan3A_989 = %broadcast_in_dim3A_204, %scan3A_990 = %scan3A_205) -> (vector<16xf32>, vector<16xi32>, f32)  : i32 {
        %mul3A_991 = arith.constant 16 : i32
        %mul3A_992 = arith.muli %scan3A_987, %mul3A_991 : i32
        %get3A_993 = arith.index_cast %mul3A_992 : i32 to index
        %get3A_994 = tpu.vector_load %arg12[%get3A_993] {strides = array<i32>} : memref<8192xf32, #tpu.memory_space<vmem>>, vector<16xf32>,
        %sub3A = vector.broadcast %squeeze3A_194 : f32 to vector<16xf32>
        %sub3A_995 = arith.subf %get3A_994, %sub3A : vector<16xf32>
        %mul3A_996 = arith.mulf %sub3A_995, %sub3A_995 : vector<16xf32>
        %get3A_997 = arith.index_cast %mul3A_992 : i32 to index
        %get3A_998 = tpu.vector_load %arg13[%get3A_997] {strides = array<i32>} : memref<8192xf32, #tpu.memory_space<vmem>>, vector<16xf32>,
        %sub3A_999 = vector.broadcast %squeeze3A_196 : f32 to vector<16xf32>
        %sub3A_1000 = arith.subf %get3A_998, %sub3A_999 : vector<16xf32>
        %mul3A_1001 = arith.mulf %sub3A_1000, %sub3A_1000 : vector<16xf32>
        %add3A_1002 = arith.addf %mul3A_996, %mul3A_1001 : vector<16xf32>
        %get3A_1003 = arith.index_cast %mul3A_992 : i32 to index
        %get3A_1004 = tpu.vector_load %arg14[%get3A_1003] {strides = array<i32>} : memref<8192xf32, #tpu.memory_space<vmem>>, vector<16xf32>,
        %sub3A_1005 = vector.broadcast %squeeze3A_198 : f32 to vector<16xf32>
        %sub3A_1006 = arith.subf %get3A_1004, %sub3A_1005 : vector<16xf32>
        %mul3A_1007 = arith.mulf %sub3A_1006, %sub3A_1006 : vector<16xf32>
        %add3A_1008 = arith.addf %add3A_1002, %mul3A_1007 : vector<16xf32>
        %lt3A = vector.broadcast %scan3A_990 : f32 to vector<16xf32>
        %lt3A_1009 = arith.cmpf olt, %add3A_1008, %lt3A : vector<16xf32>
        %reduce_or3A = arith.constant 1.000000e+00 : f32
        %reduce_or3A_1010 = arith.constant 0.000000e+00 : f32
        %reduce_or3A_1011 = vector.broadcast %reduce_or3A : f32 to vector<16xf32>
        %reduce_or3A_1012 = vector.broadcast %reduce_or3A_1010 : f32 to vector<16xf32>
        %reduce_or3A_1013 = arith.select %lt3A_1009, %reduce_or3A_1011, %reduce_or3A_1012 : vector<16xi1>, vector<16xf32>
        %reduce_or3A_1014 = arith.constant true
        %reduce_or3A_1015 = vector.broadcast %reduce_or3A_1014 : i1 to vector<16xi1>
        %reduce_or3A_1016 = tpu.scan <max>, %reduce_or3A_1013 masked %reduce_or3A_1015 : vector<16xf32>, vector<16xi1> -> vector<16xf32>
        %reduce_or3A_1017 = vector.extract %reduce_or3A_1016[15] : f32 from vector<16xf32>
        %reduce_or3A_1018 = arith.constant 0.000000e+00 : f32
        %reduce_or3A_1019 = arith.cmpf ogt, %reduce_or3A_1017, %reduce_or3A_1018 : f32
        %convert_element_type3A = arith.extui %reduce_or3A_1019 : i1 to i32
        %cond3A = arith.constant 0 : i32
        %cond3A_1020 = arith.cmpi ne, %convert_element_type3A, %cond3A : i32
        %cond3A_1021:3 = scf.if %cond3A_1020 -> (vector<16xf32>, vector<16xi32>, f32) {
          %add3A_1022 = vector.broadcast %mul3A_992 : i32 to vector<16xi32>
          %add3A_1023 = arith.addi %iota3A, %add3A_1022 : vector<16xi32>
          %masked_sort3A = arith.constant dense<true> : vector<16xi1>
          %masked_sort3A_1024, %masked_sort3A_1025, %masked_sort3A_1026 = tpu.sort %add3A_1008, %add3A_1023 masked %masked_sort3A : (vector<16xf32>, vector<16xi32>, vector<16xi1>) -> (vector<16xi1>, vector<16xf32>, vector<16xi32>)
          %rev3A = arith.constant 15 : i32
          %rev3A_1027 = vector.broadcast %rev3A : i32 to vector<16xi32>
          %rev3A_1028 = tpu.iota {dimensions = array<i32: 0>} : vector<16xi32>
          %rev3A_1029 = arith.subi %rev3A_1027, %rev3A_1028 : vector<16xi32>
          %rev3A_1030 = tpu.dynamic_gather %scan3A_988[%rev3A_1029] in [0] : vector<16xf32>, vector<16xi32> -> vector<16xf32>
          %rev3A_1031 = arith.constant 15 : i32
          %rev3A_1032 = vector.broadcast %rev3A_1031 : i32 to vector<16xi32>
          %rev3A_1033 = tpu.iota {dimensions = array<i32: 0>} : vector<16xi32>
          %rev3A_1034 = arith.subi %rev3A_1032, %rev3A_1033 : vector<16xi32>
          %rev3A_1035 = tpu.dynamic_gather %scan3A_989[%rev3A_1034] in [0] : vector<16xi32>, vector<16xi32> -> vector<16xi32>
          %lt3A_1036 = arith.cmpf olt, %masked_sort3A_1025, %rev3A_1030 : vector<16xf32>
          %select_n3A_1037 = arith.select %lt3A_1036, %masked_sort3A_1025, %rev3A_1030 : vector<16xi1>, vector<16xf32>
          %select_n3A_1038 = arith.select %lt3A_1036, %masked_sort3A_1026, %rev3A_1035 : vector<16xi1>, vector<16xi32>
          %masked_sort3A_1039 = arith.constant dense<true> : vector<16xi1>
          %masked_sort3A_1040, %masked_sort3A_1041, %masked_sort3A_1042 = tpu.sort %select_n3A_1037, %select_n3A_1038 masked %masked_sort3A_1039 : (vector<16xf32>, vector<16xi32>, vector<16xi1>) -> (vector<16xi1>, vector<16xf32>, vector<16xi32>)
          %slice3A_1043 = vector.extract_strided_slice %masked_sort3A_1041 {offsets = [15], sizes = [1], strides = [1]} : vector<16xf32> to vector<1xf32>
          %squeeze3A_1044 = vector.extract %slice3A_1043[0] : f32 from vector<1xf32>
          scf.yield %masked_sort3A_1041, %masked_sort3A_1042, %squeeze3A_1044 : vector<16xf32>, vector<16xi32>, f32
        } else {
          scf.yield %scan3A_988, %scan3A_989, %scan3A_990 : vector<16xf32>, vector<16xi32>, f32
        }
        scf.yield %cond3A_1021#0, %cond3A_1021#1, %cond3A_1021#2 : vector<16xf32>, vector<16xi32>, f32
      }
      %scan3A_211 = arith.constant 512 : i32
      %mul3A_212 = arith.constant 16 : i32
      %mul3A_213 = arith.muli %add3A_200, %mul3A_212 : i32
      %bitcast_convert_type3A_214 = tpu.bitcast %scan3A_210#0 : vector<16xf32> -> vector<16xi32>
      %shift_right_logical3A_215 = arith.constant 1 : i32
      %shift_right_logical3A_216 = vector.broadcast %shift_right_logical3A_215 : i32 to vector<16xi32>
      %shift_right_logical3A_217 = arith.shrui %bitcast_convert_type3A_214, %shift_right_logical3A_216 : vector<16xi32>
      %add3A_218 = arith.constant 532487670 : i32
      %add3A_219 = vector.broadcast %add3A_218 : i32 to vector<16xi32>
      %add3A_220 = arith.addi %shift_right_logical3A_217, %add3A_219 : vector<16xi32>
      %bitcast_convert_type3A_221 = tpu.bitcast %add3A_220 : vector<16xi32> -> vector<16xf32>
      %div3A_222 = arith.divf %scan3A_210#0, %bitcast_convert_type3A_221 : vector<16xf32>
      %add3A_223 = arith.addf %bitcast_convert_type3A_221, %div3A_222 : vector<16xf32>
      %mul3A_224 = arith.constant 5.000000e-01 : f32
      %mul3A_225 = vector.broadcast %mul3A_224 : f32 to vector<16xf32>
      %mul3A_226 = arith.mulf %mul3A_225, %add3A_223 : vector<16xf32>
      %div3A_227 = arith.divf %scan3A_210#0, %mul3A_226 : vector<16xf32>
      %add3A_228 = arith.addf %mul3A_226, %div3A_227 : vector<16xf32>
      %mul3A_229 = arith.constant 5.000000e-01 : f32
      %mul3A_230 = vector.broadcast %mul3A_229 : f32 to vector<16xf32>
      %mul3A_231 = arith.mulf %mul3A_230, %add3A_228 : vector<16xf32>
      %div3A_232 = arith.divf %scan3A_210#0, %mul3A_231 : vector<16xf32>
      %add3A_233 = arith.addf %mul3A_231, %div3A_232 : vector<16xf32>
      %mul3A_234 = arith.constant 5.000000e-01 : f32
      %mul3A_235 = vector.broadcast %mul3A_234 : f32 to vector<16xf32>
      %mul3A_236 = arith.mulf %mul3A_235, %add3A_233 : vector<16xf32>
      %gt3A_237 = arith.constant 0.000000e+00 : f32
      %gt3A_238 = vector.broadcast %gt3A_237 : f32 to vector<16xf32>
      %gt3A_239 = arith.cmpf ogt, %scan3A_210#0, %gt3A_238 : vector<16xf32>
      %broadcast_in_dim3A_240 = arith.constant 0.000000e+00 : f32
      %broadcast_in_dim3A_241 = vector.broadcast %broadcast_in_dim3A_240 : f32 to vector<16xf32>
      %select_n3A_242 = arith.select %gt3A_239, %mul3A_236, %broadcast_in_dim3A_241 : vector<16xi1>, vector<16xf32>
      %swap3A_243 = arith.index_cast %mul3A_213 : i32 to index
      %swap3A_244 = tpu.vector_load %arg18[%swap3A_243] {strides = array<i32>} : memref<4096xf32, #tpu.memory_space<vmem>>, vector<16xf32>,
      tpu.vector_store %arg18[%swap3A_243], %select_n3A_242 {strides = array<i32>} : memref<4096xf32, #tpu.memory_space<vmem>>, vector<16xf32>,
      %gather3A_245 = tpu.vector_load_idx %arg12[%scan3A_210#1] : memref<8192xf32, #tpu.memory_space<vmem>>[vector<16xi32>], vector<16xf32>,
      %swap3A_246 = arith.index_cast %mul3A_213 : i32 to index
      %swap3A_247 = tpu.vector_load %arg19[%swap3A_246] {strides = array<i32>} : memref<4096xf32, #tpu.memory_space<vmem>>, vector<16xf32>,
      tpu.vector_store %arg19[%swap3A_246], %gather3A_245 {strides = array<i32>} : memref<4096xf32, #tpu.memory_space<vmem>>, vector<16xf32>,
      %gather3A_248 = tpu.vector_load_idx %arg13[%scan3A_210#1] : memref<8192xf32, #tpu.memory_space<vmem>>[vector<16xi32>], vector<16xf32>,
      %swap3A_249 = arith.index_cast %mul3A_213 : i32 to index
      %swap3A_250 = tpu.vector_load %arg20[%swap3A_249] {strides = array<i32>} : memref<4096xf32, #tpu.memory_space<vmem>>, vector<16xf32>,
      tpu.vector_store %arg20[%swap3A_249], %gather3A_248 {strides = array<i32>} : memref<4096xf32, #tpu.memory_space<vmem>>, vector<16xf32>,
      %gather3A_251 = tpu.vector_load_idx %arg14[%scan3A_210#1] : memref<8192xf32, #tpu.memory_space<vmem>>[vector<16xi32>], vector<16xf32>,
      %swap3A_252 = arith.index_cast %mul3A_213 : i32 to index
      %swap3A_253 = tpu.vector_load %arg21[%swap3A_252] {strides = array<i32>} : memref<4096xf32, #tpu.memory_space<vmem>>, vector<16xf32>,
      tpu.vector_store %arg21[%swap3A_252], %gather3A_251 {strides = array<i32>} : memref<4096xf32, #tpu.memory_space<vmem>>, vector<16xf32>,
      %slice3A_254 = vector.extract_strided_slice %get3A_15 {offsets = [4], sizes = [1], strides = [1]} : vector<16xf32> to vector<1xf32>
      %squeeze3A_255 = vector.extract %slice3A_254[0] : f32 from vector<1xf32>
      %slice3A_256 = vector.extract_strided_slice %get3A_17 {offsets = [4], sizes = [1], strides = [1]} : vector<16xf32> to vector<1xf32>
      %squeeze3A_257 = vector.extract %slice3A_256[0] : f32 from vector<1xf32>
      %slice3A_258 = vector.extract_strided_slice %get3A_19 {offsets = [4], sizes = [1], strides = [1]} : vector<16xf32> to vector<1xf32>
      %squeeze3A_259 = vector.extract %slice3A_258[0] : f32 from vector<1xf32>
      %add3A_260 = arith.constant 4 : i32
      %add3A_261 = arith.addi %mul3A_14, %add3A_260 : i32
      %broadcast_in_dim3A_262 = arith.constant 0x7F800000 : f32
      %broadcast_in_dim3A_263 = vector.broadcast %broadcast_in_dim3A_262 : f32 to vector<16xf32>
      %broadcast_in_dim3A_264 = arith.constant 0 : i32
      %broadcast_in_dim3A_265 = vector.broadcast %broadcast_in_dim3A_264 : i32 to vector<16xi32>
      %scan3A_266 = arith.constant 0x7F800000 : f32
      %scan3A_267 = arith.constant 0 : i32
      %scan3A_268 = arith.constant 512 : i32
      %scan3A_269 = arith.addi %scan3A_267, %scan3A_268 : i32
      %scan3A_270 = arith.constant 1 : i32
      %scan3A_271:3 = scf.for %scan3A_987 = %scan3A_267 to %scan3A_269 step %scan3A_270 iter_args(%scan3A_988 = %broadcast_in_dim3A_263, %scan3A_989 = %broadcast_in_dim3A_265, %scan3A_990 = %scan3A_266) -> (vector<16xf32>, vector<16xi32>, f32)  : i32 {
        %mul3A_991 = arith.constant 16 : i32
        %mul3A_992 = arith.muli %scan3A_987, %mul3A_991 : i32
        %get3A_993 = arith.index_cast %mul3A_992 : i32 to index
        %get3A_994 = tpu.vector_load %arg12[%get3A_993] {strides = array<i32>} : memref<8192xf32, #tpu.memory_space<vmem>>, vector<16xf32>,
        %sub3A = vector.broadcast %squeeze3A_255 : f32 to vector<16xf32>
        %sub3A_995 = arith.subf %get3A_994, %sub3A : vector<16xf32>
        %mul3A_996 = arith.mulf %sub3A_995, %sub3A_995 : vector<16xf32>
        %get3A_997 = arith.index_cast %mul3A_992 : i32 to index
        %get3A_998 = tpu.vector_load %arg13[%get3A_997] {strides = array<i32>} : memref<8192xf32, #tpu.memory_space<vmem>>, vector<16xf32>,
        %sub3A_999 = vector.broadcast %squeeze3A_257 : f32 to vector<16xf32>
        %sub3A_1000 = arith.subf %get3A_998, %sub3A_999 : vector<16xf32>
        %mul3A_1001 = arith.mulf %sub3A_1000, %sub3A_1000 : vector<16xf32>
        %add3A_1002 = arith.addf %mul3A_996, %mul3A_1001 : vector<16xf32>
        %get3A_1003 = arith.index_cast %mul3A_992 : i32 to index
        %get3A_1004 = tpu.vector_load %arg14[%get3A_1003] {strides = array<i32>} : memref<8192xf32, #tpu.memory_space<vmem>>, vector<16xf32>,
        %sub3A_1005 = vector.broadcast %squeeze3A_259 : f32 to vector<16xf32>
        %sub3A_1006 = arith.subf %get3A_1004, %sub3A_1005 : vector<16xf32>
        %mul3A_1007 = arith.mulf %sub3A_1006, %sub3A_1006 : vector<16xf32>
        %add3A_1008 = arith.addf %add3A_1002, %mul3A_1007 : vector<16xf32>
        %lt3A = vector.broadcast %scan3A_990 : f32 to vector<16xf32>
        %lt3A_1009 = arith.cmpf olt, %add3A_1008, %lt3A : vector<16xf32>
        %reduce_or3A = arith.constant 1.000000e+00 : f32
        %reduce_or3A_1010 = arith.constant 0.000000e+00 : f32
        %reduce_or3A_1011 = vector.broadcast %reduce_or3A : f32 to vector<16xf32>
        %reduce_or3A_1012 = vector.broadcast %reduce_or3A_1010 : f32 to vector<16xf32>
        %reduce_or3A_1013 = arith.select %lt3A_1009, %reduce_or3A_1011, %reduce_or3A_1012 : vector<16xi1>, vector<16xf32>
        %reduce_or3A_1014 = arith.constant true
        %reduce_or3A_1015 = vector.broadcast %reduce_or3A_1014 : i1 to vector<16xi1>
        %reduce_or3A_1016 = tpu.scan <max>, %reduce_or3A_1013 masked %reduce_or3A_1015 : vector<16xf32>, vector<16xi1> -> vector<16xf32>
        %reduce_or3A_1017 = vector.extract %reduce_or3A_1016[15] : f32 from vector<16xf32>
        %reduce_or3A_1018 = arith.constant 0.000000e+00 : f32
        %reduce_or3A_1019 = arith.cmpf ogt, %reduce_or3A_1017, %reduce_or3A_1018 : f32
        %convert_element_type3A = arith.extui %reduce_or3A_1019 : i1 to i32
        %cond3A = arith.constant 0 : i32
        %cond3A_1020 = arith.cmpi ne, %convert_element_type3A, %cond3A : i32
        %cond3A_1021:3 = scf.if %cond3A_1020 -> (vector<16xf32>, vector<16xi32>, f32) {
          %add3A_1022 = vector.broadcast %mul3A_992 : i32 to vector<16xi32>
          %add3A_1023 = arith.addi %iota3A, %add3A_1022 : vector<16xi32>
          %masked_sort3A = arith.constant dense<true> : vector<16xi1>
          %masked_sort3A_1024, %masked_sort3A_1025, %masked_sort3A_1026 = tpu.sort %add3A_1008, %add3A_1023 masked %masked_sort3A : (vector<16xf32>, vector<16xi32>, vector<16xi1>) -> (vector<16xi1>, vector<16xf32>, vector<16xi32>)
          %rev3A = arith.constant 15 : i32
          %rev3A_1027 = vector.broadcast %rev3A : i32 to vector<16xi32>
          %rev3A_1028 = tpu.iota {dimensions = array<i32: 0>} : vector<16xi32>
          %rev3A_1029 = arith.subi %rev3A_1027, %rev3A_1028 : vector<16xi32>
          %rev3A_1030 = tpu.dynamic_gather %scan3A_988[%rev3A_1029] in [0] : vector<16xf32>, vector<16xi32> -> vector<16xf32>
          %rev3A_1031 = arith.constant 15 : i32
          %rev3A_1032 = vector.broadcast %rev3A_1031 : i32 to vector<16xi32>
          %rev3A_1033 = tpu.iota {dimensions = array<i32: 0>} : vector<16xi32>
          %rev3A_1034 = arith.subi %rev3A_1032, %rev3A_1033 : vector<16xi32>
          %rev3A_1035 = tpu.dynamic_gather %scan3A_989[%rev3A_1034] in [0] : vector<16xi32>, vector<16xi32> -> vector<16xi32>
          %lt3A_1036 = arith.cmpf olt, %masked_sort3A_1025, %rev3A_1030 : vector<16xf32>
          %select_n3A_1037 = arith.select %lt3A_1036, %masked_sort3A_1025, %rev3A_1030 : vector<16xi1>, vector<16xf32>
          %select_n3A_1038 = arith.select %lt3A_1036, %masked_sort3A_1026, %rev3A_1035 : vector<16xi1>, vector<16xi32>
          %masked_sort3A_1039 = arith.constant dense<true> : vector<16xi1>
          %masked_sort3A_1040, %masked_sort3A_1041, %masked_sort3A_1042 = tpu.sort %select_n3A_1037, %select_n3A_1038 masked %masked_sort3A_1039 : (vector<16xf32>, vector<16xi32>, vector<16xi1>) -> (vector<16xi1>, vector<16xf32>, vector<16xi32>)
          %slice3A_1043 = vector.extract_strided_slice %masked_sort3A_1041 {offsets = [15], sizes = [1], strides = [1]} : vector<16xf32> to vector<1xf32>
          %squeeze3A_1044 = vector.extract %slice3A_1043[0] : f32 from vector<1xf32>
          scf.yield %masked_sort3A_1041, %masked_sort3A_1042, %squeeze3A_1044 : vector<16xf32>, vector<16xi32>, f32
        } else {
          scf.yield %scan3A_988, %scan3A_989, %scan3A_990 : vector<16xf32>, vector<16xi32>, f32
        }
        scf.yield %cond3A_1021#0, %cond3A_1021#1, %cond3A_1021#2 : vector<16xf32>, vector<16xi32>, f32
      }
      %scan3A_272 = arith.constant 512 : i32
      %mul3A_273 = arith.constant 16 : i32
      %mul3A_274 = arith.muli %add3A_261, %mul3A_273 : i32
      %bitcast_convert_type3A_275 = tpu.bitcast %scan3A_271#0 : vector<16xf32> -> vector<16xi32>
      %shift_right_logical3A_276 = arith.constant 1 : i32
      %shift_right_logical3A_277 = vector.broadcast %shift_right_logical3A_276 : i32 to vector<16xi32>
      %shift_right_logical3A_278 = arith.shrui %bitcast_convert_type3A_275, %shift_right_logical3A_277 : vector<16xi32>
      %add3A_279 = arith.constant 532487670 : i32
      %add3A_280 = vector.broadcast %add3A_279 : i32 to vector<16xi32>
      %add3A_281 = arith.addi %shift_right_logical3A_278, %add3A_280 : vector<16xi32>
      %bitcast_convert_type3A_282 = tpu.bitcast %add3A_281 : vector<16xi32> -> vector<16xf32>
      %div3A_283 = arith.divf %scan3A_271#0, %bitcast_convert_type3A_282 : vector<16xf32>
      %add3A_284 = arith.addf %bitcast_convert_type3A_282, %div3A_283 : vector<16xf32>
      %mul3A_285 = arith.constant 5.000000e-01 : f32
      %mul3A_286 = vector.broadcast %mul3A_285 : f32 to vector<16xf32>
      %mul3A_287 = arith.mulf %mul3A_286, %add3A_284 : vector<16xf32>
      %div3A_288 = arith.divf %scan3A_271#0, %mul3A_287 : vector<16xf32>
      %add3A_289 = arith.addf %mul3A_287, %div3A_288 : vector<16xf32>
      %mul3A_290 = arith.constant 5.000000e-01 : f32
      %mul3A_291 = vector.broadcast %mul3A_290 : f32 to vector<16xf32>
      %mul3A_292 = arith.mulf %mul3A_291, %add3A_289 : vector<16xf32>
      %div3A_293 = arith.divf %scan3A_271#0, %mul3A_292 : vector<16xf32>
      %add3A_294 = arith.addf %mul3A_292, %div3A_293 : vector<16xf32>
      %mul3A_295 = arith.constant 5.000000e-01 : f32
      %mul3A_296 = vector.broadcast %mul3A_295 : f32 to vector<16xf32>
      %mul3A_297 = arith.mulf %mul3A_296, %add3A_294 : vector<16xf32>
      %gt3A_298 = arith.constant 0.000000e+00 : f32
      %gt3A_299 = vector.broadcast %gt3A_298 : f32 to vector<16xf32>
      %gt3A_300 = arith.cmpf ogt, %scan3A_271#0, %gt3A_299 : vector<16xf32>
      %broadcast_in_dim3A_301 = arith.constant 0.000000e+00 : f32
      %broadcast_in_dim3A_302 = vector.broadcast %broadcast_in_dim3A_301 : f32 to vector<16xf32>
      %select_n3A_303 = arith.select %gt3A_300, %mul3A_297, %broadcast_in_dim3A_302 : vector<16xi1>, vector<16xf32>
      %swap3A_304 = arith.index_cast %mul3A_274 : i32 to index
      %swap3A_305 = tpu.vector_load %arg18[%swap3A_304] {strides = array<i32>} : memref<4096xf32, #tpu.memory_space<vmem>>, vector<16xf32>,
      tpu.vector_store %arg18[%swap3A_304], %select_n3A_303 {strides = array<i32>} : memref<4096xf32, #tpu.memory_space<vmem>>, vector<16xf32>,
      %gather3A_306 = tpu.vector_load_idx %arg12[%scan3A_271#1] : memref<8192xf32, #tpu.memory_space<vmem>>[vector<16xi32>], vector<16xf32>,
      %swap3A_307 = arith.index_cast %mul3A_274 : i32 to index
      %swap3A_308 = tpu.vector_load %arg19[%swap3A_307] {strides = array<i32>} : memref<4096xf32, #tpu.memory_space<vmem>>, vector<16xf32>,
      tpu.vector_store %arg19[%swap3A_307], %gather3A_306 {strides = array<i32>} : memref<4096xf32, #tpu.memory_space<vmem>>, vector<16xf32>,
      %gather3A_309 = tpu.vector_load_idx %arg13[%scan3A_271#1] : memref<8192xf32, #tpu.memory_space<vmem>>[vector<16xi32>], vector<16xf32>,
      %swap3A_310 = arith.index_cast %mul3A_274 : i32 to index
      %swap3A_311 = tpu.vector_load %arg20[%swap3A_310] {strides = array<i32>} : memref<4096xf32, #tpu.memory_space<vmem>>, vector<16xf32>,
      tpu.vector_store %arg20[%swap3A_310], %gather3A_309 {strides = array<i32>} : memref<4096xf32, #tpu.memory_space<vmem>>, vector<16xf32>,
      %gather3A_312 = tpu.vector_load_idx %arg14[%scan3A_271#1] : memref<8192xf32, #tpu.memory_space<vmem>>[vector<16xi32>], vector<16xf32>,
      %swap3A_313 = arith.index_cast %mul3A_274 : i32 to index
      %swap3A_314 = tpu.vector_load %arg21[%swap3A_313] {strides = array<i32>} : memref<4096xf32, #tpu.memory_space<vmem>>, vector<16xf32>,
      tpu.vector_store %arg21[%swap3A_313], %gather3A_312 {strides = array<i32>} : memref<4096xf32, #tpu.memory_space<vmem>>, vector<16xf32>,
      %slice3A_315 = vector.extract_strided_slice %get3A_15 {offsets = [5], sizes = [1], strides = [1]} : vector<16xf32> to vector<1xf32>
      %squeeze3A_316 = vector.extract %slice3A_315[0] : f32 from vector<1xf32>
      %slice3A_317 = vector.extract_strided_slice %get3A_17 {offsets = [5], sizes = [1], strides = [1]} : vector<16xf32> to vector<1xf32>
      %squeeze3A_318 = vector.extract %slice3A_317[0] : f32 from vector<1xf32>
      %slice3A_319 = vector.extract_strided_slice %get3A_19 {offsets = [5], sizes = [1], strides = [1]} : vector<16xf32> to vector<1xf32>
      %squeeze3A_320 = vector.extract %slice3A_319[0] : f32 from vector<1xf32>
      %add3A_321 = arith.constant 5 : i32
      %add3A_322 = arith.addi %mul3A_14, %add3A_321 : i32
      %broadcast_in_dim3A_323 = arith.constant 0x7F800000 : f32
      %broadcast_in_dim3A_324 = vector.broadcast %broadcast_in_dim3A_323 : f32 to vector<16xf32>
      %broadcast_in_dim3A_325 = arith.constant 0 : i32
      %broadcast_in_dim3A_326 = vector.broadcast %broadcast_in_dim3A_325 : i32 to vector<16xi32>
      %scan3A_327 = arith.constant 0x7F800000 : f32
      %scan3A_328 = arith.constant 0 : i32
      %scan3A_329 = arith.constant 512 : i32
      %scan3A_330 = arith.addi %scan3A_328, %scan3A_329 : i32
      %scan3A_331 = arith.constant 1 : i32
      %scan3A_332:3 = scf.for %scan3A_987 = %scan3A_328 to %scan3A_330 step %scan3A_331 iter_args(%scan3A_988 = %broadcast_in_dim3A_324, %scan3A_989 = %broadcast_in_dim3A_326, %scan3A_990 = %scan3A_327) -> (vector<16xf32>, vector<16xi32>, f32)  : i32 {
        %mul3A_991 = arith.constant 16 : i32
        %mul3A_992 = arith.muli %scan3A_987, %mul3A_991 : i32
        %get3A_993 = arith.index_cast %mul3A_992 : i32 to index
        %get3A_994 = tpu.vector_load %arg12[%get3A_993] {strides = array<i32>} : memref<8192xf32, #tpu.memory_space<vmem>>, vector<16xf32>,
        %sub3A = vector.broadcast %squeeze3A_316 : f32 to vector<16xf32>
        %sub3A_995 = arith.subf %get3A_994, %sub3A : vector<16xf32>
        %mul3A_996 = arith.mulf %sub3A_995, %sub3A_995 : vector<16xf32>
        %get3A_997 = arith.index_cast %mul3A_992 : i32 to index
        %get3A_998 = tpu.vector_load %arg13[%get3A_997] {strides = array<i32>} : memref<8192xf32, #tpu.memory_space<vmem>>, vector<16xf32>,
        %sub3A_999 = vector.broadcast %squeeze3A_318 : f32 to vector<16xf32>
        %sub3A_1000 = arith.subf %get3A_998, %sub3A_999 : vector<16xf32>
        %mul3A_1001 = arith.mulf %sub3A_1000, %sub3A_1000 : vector<16xf32>
        %add3A_1002 = arith.addf %mul3A_996, %mul3A_1001 : vector<16xf32>
        %get3A_1003 = arith.index_cast %mul3A_992 : i32 to index
        %get3A_1004 = tpu.vector_load %arg14[%get3A_1003] {strides = array<i32>} : memref<8192xf32, #tpu.memory_space<vmem>>, vector<16xf32>,
        %sub3A_1005 = vector.broadcast %squeeze3A_320 : f32 to vector<16xf32>
        %sub3A_1006 = arith.subf %get3A_1004, %sub3A_1005 : vector<16xf32>
        %mul3A_1007 = arith.mulf %sub3A_1006, %sub3A_1006 : vector<16xf32>
        %add3A_1008 = arith.addf %add3A_1002, %mul3A_1007 : vector<16xf32>
        %lt3A = vector.broadcast %scan3A_990 : f32 to vector<16xf32>
        %lt3A_1009 = arith.cmpf olt, %add3A_1008, %lt3A : vector<16xf32>
        %reduce_or3A = arith.constant 1.000000e+00 : f32
        %reduce_or3A_1010 = arith.constant 0.000000e+00 : f32
        %reduce_or3A_1011 = vector.broadcast %reduce_or3A : f32 to vector<16xf32>
        %reduce_or3A_1012 = vector.broadcast %reduce_or3A_1010 : f32 to vector<16xf32>
        %reduce_or3A_1013 = arith.select %lt3A_1009, %reduce_or3A_1011, %reduce_or3A_1012 : vector<16xi1>, vector<16xf32>
        %reduce_or3A_1014 = arith.constant true
        %reduce_or3A_1015 = vector.broadcast %reduce_or3A_1014 : i1 to vector<16xi1>
        %reduce_or3A_1016 = tpu.scan <max>, %reduce_or3A_1013 masked %reduce_or3A_1015 : vector<16xf32>, vector<16xi1> -> vector<16xf32>
        %reduce_or3A_1017 = vector.extract %reduce_or3A_1016[15] : f32 from vector<16xf32>
        %reduce_or3A_1018 = arith.constant 0.000000e+00 : f32
        %reduce_or3A_1019 = arith.cmpf ogt, %reduce_or3A_1017, %reduce_or3A_1018 : f32
        %convert_element_type3A = arith.extui %reduce_or3A_1019 : i1 to i32
        %cond3A = arith.constant 0 : i32
        %cond3A_1020 = arith.cmpi ne, %convert_element_type3A, %cond3A : i32
        %cond3A_1021:3 = scf.if %cond3A_1020 -> (vector<16xf32>, vector<16xi32>, f32) {
          %add3A_1022 = vector.broadcast %mul3A_992 : i32 to vector<16xi32>
          %add3A_1023 = arith.addi %iota3A, %add3A_1022 : vector<16xi32>
          %masked_sort3A = arith.constant dense<true> : vector<16xi1>
          %masked_sort3A_1024, %masked_sort3A_1025, %masked_sort3A_1026 = tpu.sort %add3A_1008, %add3A_1023 masked %masked_sort3A : (vector<16xf32>, vector<16xi32>, vector<16xi1>) -> (vector<16xi1>, vector<16xf32>, vector<16xi32>)
          %rev3A = arith.constant 15 : i32
          %rev3A_1027 = vector.broadcast %rev3A : i32 to vector<16xi32>
          %rev3A_1028 = tpu.iota {dimensions = array<i32: 0>} : vector<16xi32>
          %rev3A_1029 = arith.subi %rev3A_1027, %rev3A_1028 : vector<16xi32>
          %rev3A_1030 = tpu.dynamic_gather %scan3A_988[%rev3A_1029] in [0] : vector<16xf32>, vector<16xi32> -> vector<16xf32>
          %rev3A_1031 = arith.constant 15 : i32
          %rev3A_1032 = vector.broadcast %rev3A_1031 : i32 to vector<16xi32>
          %rev3A_1033 = tpu.iota {dimensions = array<i32: 0>} : vector<16xi32>
          %rev3A_1034 = arith.subi %rev3A_1032, %rev3A_1033 : vector<16xi32>
          %rev3A_1035 = tpu.dynamic_gather %scan3A_989[%rev3A_1034] in [0] : vector<16xi32>, vector<16xi32> -> vector<16xi32>
          %lt3A_1036 = arith.cmpf olt, %masked_sort3A_1025, %rev3A_1030 : vector<16xf32>
          %select_n3A_1037 = arith.select %lt3A_1036, %masked_sort3A_1025, %rev3A_1030 : vector<16xi1>, vector<16xf32>
          %select_n3A_1038 = arith.select %lt3A_1036, %masked_sort3A_1026, %rev3A_1035 : vector<16xi1>, vector<16xi32>
          %masked_sort3A_1039 = arith.constant dense<true> : vector<16xi1>
          %masked_sort3A_1040, %masked_sort3A_1041, %masked_sort3A_1042 = tpu.sort %select_n3A_1037, %select_n3A_1038 masked %masked_sort3A_1039 : (vector<16xf32>, vector<16xi32>, vector<16xi1>) -> (vector<16xi1>, vector<16xf32>, vector<16xi32>)
          %slice3A_1043 = vector.extract_strided_slice %masked_sort3A_1041 {offsets = [15], sizes = [1], strides = [1]} : vector<16xf32> to vector<1xf32>
          %squeeze3A_1044 = vector.extract %slice3A_1043[0] : f32 from vector<1xf32>
          scf.yield %masked_sort3A_1041, %masked_sort3A_1042, %squeeze3A_1044 : vector<16xf32>, vector<16xi32>, f32
        } else {
          scf.yield %scan3A_988, %scan3A_989, %scan3A_990 : vector<16xf32>, vector<16xi32>, f32
        }
        scf.yield %cond3A_1021#0, %cond3A_1021#1, %cond3A_1021#2 : vector<16xf32>, vector<16xi32>, f32
      }
      %scan3A_333 = arith.constant 512 : i32
      %mul3A_334 = arith.constant 16 : i32
      %mul3A_335 = arith.muli %add3A_322, %mul3A_334 : i32
      %bitcast_convert_type3A_336 = tpu.bitcast %scan3A_332#0 : vector<16xf32> -> vector<16xi32>
      %shift_right_logical3A_337 = arith.constant 1 : i32
      %shift_right_logical3A_338 = vector.broadcast %shift_right_logical3A_337 : i32 to vector<16xi32>
      %shift_right_logical3A_339 = arith.shrui %bitcast_convert_type3A_336, %shift_right_logical3A_338 : vector<16xi32>
      %add3A_340 = arith.constant 532487670 : i32
      %add3A_341 = vector.broadcast %add3A_340 : i32 to vector<16xi32>
      %add3A_342 = arith.addi %shift_right_logical3A_339, %add3A_341 : vector<16xi32>
      %bitcast_convert_type3A_343 = tpu.bitcast %add3A_342 : vector<16xi32> -> vector<16xf32>
      %div3A_344 = arith.divf %scan3A_332#0, %bitcast_convert_type3A_343 : vector<16xf32>
      %add3A_345 = arith.addf %bitcast_convert_type3A_343, %div3A_344 : vector<16xf32>
      %mul3A_346 = arith.constant 5.000000e-01 : f32
      %mul3A_347 = vector.broadcast %mul3A_346 : f32 to vector<16xf32>
      %mul3A_348 = arith.mulf %mul3A_347, %add3A_345 : vector<16xf32>
      %div3A_349 = arith.divf %scan3A_332#0, %mul3A_348 : vector<16xf32>
      %add3A_350 = arith.addf %mul3A_348, %div3A_349 : vector<16xf32>
      %mul3A_351 = arith.constant 5.000000e-01 : f32
      %mul3A_352 = vector.broadcast %mul3A_351 : f32 to vector<16xf32>
      %mul3A_353 = arith.mulf %mul3A_352, %add3A_350 : vector<16xf32>
      %div3A_354 = arith.divf %scan3A_332#0, %mul3A_353 : vector<16xf32>
      %add3A_355 = arith.addf %mul3A_353, %div3A_354 : vector<16xf32>
      %mul3A_356 = arith.constant 5.000000e-01 : f32
      %mul3A_357 = vector.broadcast %mul3A_356 : f32 to vector<16xf32>
      %mul3A_358 = arith.mulf %mul3A_357, %add3A_355 : vector<16xf32>
      %gt3A_359 = arith.constant 0.000000e+00 : f32
      %gt3A_360 = vector.broadcast %gt3A_359 : f32 to vector<16xf32>
      %gt3A_361 = arith.cmpf ogt, %scan3A_332#0, %gt3A_360 : vector<16xf32>
      %broadcast_in_dim3A_362 = arith.constant 0.000000e+00 : f32
      %broadcast_in_dim3A_363 = vector.broadcast %broadcast_in_dim3A_362 : f32 to vector<16xf32>
      %select_n3A_364 = arith.select %gt3A_361, %mul3A_358, %broadcast_in_dim3A_363 : vector<16xi1>, vector<16xf32>
      %swap3A_365 = arith.index_cast %mul3A_335 : i32 to index
      %swap3A_366 = tpu.vector_load %arg18[%swap3A_365] {strides = array<i32>} : memref<4096xf32, #tpu.memory_space<vmem>>, vector<16xf32>,
      tpu.vector_store %arg18[%swap3A_365], %select_n3A_364 {strides = array<i32>} : memref<4096xf32, #tpu.memory_space<vmem>>, vector<16xf32>,
      %gather3A_367 = tpu.vector_load_idx %arg12[%scan3A_332#1] : memref<8192xf32, #tpu.memory_space<vmem>>[vector<16xi32>], vector<16xf32>,
      %swap3A_368 = arith.index_cast %mul3A_335 : i32 to index
      %swap3A_369 = tpu.vector_load %arg19[%swap3A_368] {strides = array<i32>} : memref<4096xf32, #tpu.memory_space<vmem>>, vector<16xf32>,
      tpu.vector_store %arg19[%swap3A_368], %gather3A_367 {strides = array<i32>} : memref<4096xf32, #tpu.memory_space<vmem>>, vector<16xf32>,
      %gather3A_370 = tpu.vector_load_idx %arg13[%scan3A_332#1] : memref<8192xf32, #tpu.memory_space<vmem>>[vector<16xi32>], vector<16xf32>,
      %swap3A_371 = arith.index_cast %mul3A_335 : i32 to index
      %swap3A_372 = tpu.vector_load %arg20[%swap3A_371] {strides = array<i32>} : memref<4096xf32, #tpu.memory_space<vmem>>, vector<16xf32>,
      tpu.vector_store %arg20[%swap3A_371], %gather3A_370 {strides = array<i32>} : memref<4096xf32, #tpu.memory_space<vmem>>, vector<16xf32>,
      %gather3A_373 = tpu.vector_load_idx %arg14[%scan3A_332#1] : memref<8192xf32, #tpu.memory_space<vmem>>[vector<16xi32>], vector<16xf32>,
      %swap3A_374 = arith.index_cast %mul3A_335 : i32 to index
      %swap3A_375 = tpu.vector_load %arg21[%swap3A_374] {strides = array<i32>} : memref<4096xf32, #tpu.memory_space<vmem>>, vector<16xf32>,
      tpu.vector_store %arg21[%swap3A_374], %gather3A_373 {strides = array<i32>} : memref<4096xf32, #tpu.memory_space<vmem>>, vector<16xf32>,
      %slice3A_376 = vector.extract_strided_slice %get3A_15 {offsets = [6], sizes = [1], strides = [1]} : vector<16xf32> to vector<1xf32>
      %squeeze3A_377 = vector.extract %slice3A_376[0] : f32 from vector<1xf32>
      %slice3A_378 = vector.extract_strided_slice %get3A_17 {offsets = [6], sizes = [1], strides = [1]} : vector<16xf32> to vector<1xf32>
      %squeeze3A_379 = vector.extract %slice3A_378[0] : f32 from vector<1xf32>
      %slice3A_380 = vector.extract_strided_slice %get3A_19 {offsets = [6], sizes = [1], strides = [1]} : vector<16xf32> to vector<1xf32>
      %squeeze3A_381 = vector.extract %slice3A_380[0] : f32 from vector<1xf32>
      %add3A_382 = arith.constant 6 : i32
      %add3A_383 = arith.addi %mul3A_14, %add3A_382 : i32
      %broadcast_in_dim3A_384 = arith.constant 0x7F800000 : f32
      %broadcast_in_dim3A_385 = vector.broadcast %broadcast_in_dim3A_384 : f32 to vector<16xf32>
      %broadcast_in_dim3A_386 = arith.constant 0 : i32
      %broadcast_in_dim3A_387 = vector.broadcast %broadcast_in_dim3A_386 : i32 to vector<16xi32>
      %scan3A_388 = arith.constant 0x7F800000 : f32
      %scan3A_389 = arith.constant 0 : i32
      %scan3A_390 = arith.constant 512 : i32
      %scan3A_391 = arith.addi %scan3A_389, %scan3A_390 : i32
      %scan3A_392 = arith.constant 1 : i32
      %scan3A_393:3 = scf.for %scan3A_987 = %scan3A_389 to %scan3A_391 step %scan3A_392 iter_args(%scan3A_988 = %broadcast_in_dim3A_385, %scan3A_989 = %broadcast_in_dim3A_387, %scan3A_990 = %scan3A_388) -> (vector<16xf32>, vector<16xi32>, f32)  : i32 {
        %mul3A_991 = arith.constant 16 : i32
        %mul3A_992 = arith.muli %scan3A_987, %mul3A_991 : i32
        %get3A_993 = arith.index_cast %mul3A_992 : i32 to index
        %get3A_994 = tpu.vector_load %arg12[%get3A_993] {strides = array<i32>} : memref<8192xf32, #tpu.memory_space<vmem>>, vector<16xf32>,
        %sub3A = vector.broadcast %squeeze3A_377 : f32 to vector<16xf32>
        %sub3A_995 = arith.subf %get3A_994, %sub3A : vector<16xf32>
        %mul3A_996 = arith.mulf %sub3A_995, %sub3A_995 : vector<16xf32>
        %get3A_997 = arith.index_cast %mul3A_992 : i32 to index
        %get3A_998 = tpu.vector_load %arg13[%get3A_997] {strides = array<i32>} : memref<8192xf32, #tpu.memory_space<vmem>>, vector<16xf32>,
        %sub3A_999 = vector.broadcast %squeeze3A_379 : f32 to vector<16xf32>
        %sub3A_1000 = arith.subf %get3A_998, %sub3A_999 : vector<16xf32>
        %mul3A_1001 = arith.mulf %sub3A_1000, %sub3A_1000 : vector<16xf32>
        %add3A_1002 = arith.addf %mul3A_996, %mul3A_1001 : vector<16xf32>
        %get3A_1003 = arith.index_cast %mul3A_992 : i32 to index
        %get3A_1004 = tpu.vector_load %arg14[%get3A_1003] {strides = array<i32>} : memref<8192xf32, #tpu.memory_space<vmem>>, vector<16xf32>,
        %sub3A_1005 = vector.broadcast %squeeze3A_381 : f32 to vector<16xf32>
        %sub3A_1006 = arith.subf %get3A_1004, %sub3A_1005 : vector<16xf32>
        %mul3A_1007 = arith.mulf %sub3A_1006, %sub3A_1006 : vector<16xf32>
        %add3A_1008 = arith.addf %add3A_1002, %mul3A_1007 : vector<16xf32>
        %lt3A = vector.broadcast %scan3A_990 : f32 to vector<16xf32>
        %lt3A_1009 = arith.cmpf olt, %add3A_1008, %lt3A : vector<16xf32>
        %reduce_or3A = arith.constant 1.000000e+00 : f32
        %reduce_or3A_1010 = arith.constant 0.000000e+00 : f32
        %reduce_or3A_1011 = vector.broadcast %reduce_or3A : f32 to vector<16xf32>
        %reduce_or3A_1012 = vector.broadcast %reduce_or3A_1010 : f32 to vector<16xf32>
        %reduce_or3A_1013 = arith.select %lt3A_1009, %reduce_or3A_1011, %reduce_or3A_1012 : vector<16xi1>, vector<16xf32>
        %reduce_or3A_1014 = arith.constant true
        %reduce_or3A_1015 = vector.broadcast %reduce_or3A_1014 : i1 to vector<16xi1>
        %reduce_or3A_1016 = tpu.scan <max>, %reduce_or3A_1013 masked %reduce_or3A_1015 : vector<16xf32>, vector<16xi1> -> vector<16xf32>
        %reduce_or3A_1017 = vector.extract %reduce_or3A_1016[15] : f32 from vector<16xf32>
        %reduce_or3A_1018 = arith.constant 0.000000e+00 : f32
        %reduce_or3A_1019 = arith.cmpf ogt, %reduce_or3A_1017, %reduce_or3A_1018 : f32
        %convert_element_type3A = arith.extui %reduce_or3A_1019 : i1 to i32
        %cond3A = arith.constant 0 : i32
        %cond3A_1020 = arith.cmpi ne, %convert_element_type3A, %cond3A : i32
        %cond3A_1021:3 = scf.if %cond3A_1020 -> (vector<16xf32>, vector<16xi32>, f32) {
          %add3A_1022 = vector.broadcast %mul3A_992 : i32 to vector<16xi32>
          %add3A_1023 = arith.addi %iota3A, %add3A_1022 : vector<16xi32>
          %masked_sort3A = arith.constant dense<true> : vector<16xi1>
          %masked_sort3A_1024, %masked_sort3A_1025, %masked_sort3A_1026 = tpu.sort %add3A_1008, %add3A_1023 masked %masked_sort3A : (vector<16xf32>, vector<16xi32>, vector<16xi1>) -> (vector<16xi1>, vector<16xf32>, vector<16xi32>)
          %rev3A = arith.constant 15 : i32
          %rev3A_1027 = vector.broadcast %rev3A : i32 to vector<16xi32>
          %rev3A_1028 = tpu.iota {dimensions = array<i32: 0>} : vector<16xi32>
          %rev3A_1029 = arith.subi %rev3A_1027, %rev3A_1028 : vector<16xi32>
          %rev3A_1030 = tpu.dynamic_gather %scan3A_988[%rev3A_1029] in [0] : vector<16xf32>, vector<16xi32> -> vector<16xf32>
          %rev3A_1031 = arith.constant 15 : i32
          %rev3A_1032 = vector.broadcast %rev3A_1031 : i32 to vector<16xi32>
          %rev3A_1033 = tpu.iota {dimensions = array<i32: 0>} : vector<16xi32>
          %rev3A_1034 = arith.subi %rev3A_1032, %rev3A_1033 : vector<16xi32>
          %rev3A_1035 = tpu.dynamic_gather %scan3A_989[%rev3A_1034] in [0] : vector<16xi32>, vector<16xi32> -> vector<16xi32>
          %lt3A_1036 = arith.cmpf olt, %masked_sort3A_1025, %rev3A_1030 : vector<16xf32>
          %select_n3A_1037 = arith.select %lt3A_1036, %masked_sort3A_1025, %rev3A_1030 : vector<16xi1>, vector<16xf32>
          %select_n3A_1038 = arith.select %lt3A_1036, %masked_sort3A_1026, %rev3A_1035 : vector<16xi1>, vector<16xi32>
          %masked_sort3A_1039 = arith.constant dense<true> : vector<16xi1>
          %masked_sort3A_1040, %masked_sort3A_1041, %masked_sort3A_1042 = tpu.sort %select_n3A_1037, %select_n3A_1038 masked %masked_sort3A_1039 : (vector<16xf32>, vector<16xi32>, vector<16xi1>) -> (vector<16xi1>, vector<16xf32>, vector<16xi32>)
          %slice3A_1043 = vector.extract_strided_slice %masked_sort3A_1041 {offsets = [15], sizes = [1], strides = [1]} : vector<16xf32> to vector<1xf32>
          %squeeze3A_1044 = vector.extract %slice3A_1043[0] : f32 from vector<1xf32>
          scf.yield %masked_sort3A_1041, %masked_sort3A_1042, %squeeze3A_1044 : vector<16xf32>, vector<16xi32>, f32
        } else {
          scf.yield %scan3A_988, %scan3A_989, %scan3A_990 : vector<16xf32>, vector<16xi32>, f32
        }
        scf.yield %cond3A_1021#0, %cond3A_1021#1, %cond3A_1021#2 : vector<16xf32>, vector<16xi32>, f32
      }
      %scan3A_394 = arith.constant 512 : i32
      %mul3A_395 = arith.constant 16 : i32
      %mul3A_396 = arith.muli %add3A_383, %mul3A_395 : i32
      %bitcast_convert_type3A_397 = tpu.bitcast %scan3A_393#0 : vector<16xf32> -> vector<16xi32>
      %shift_right_logical3A_398 = arith.constant 1 : i32
      %shift_right_logical3A_399 = vector.broadcast %shift_right_logical3A_398 : i32 to vector<16xi32>
      %shift_right_logical3A_400 = arith.shrui %bitcast_convert_type3A_397, %shift_right_logical3A_399 : vector<16xi32>
      %add3A_401 = arith.constant 532487670 : i32
      %add3A_402 = vector.broadcast %add3A_401 : i32 to vector<16xi32>
      %add3A_403 = arith.addi %shift_right_logical3A_400, %add3A_402 : vector<16xi32>
      %bitcast_convert_type3A_404 = tpu.bitcast %add3A_403 : vector<16xi32> -> vector<16xf32>
      %div3A_405 = arith.divf %scan3A_393#0, %bitcast_convert_type3A_404 : vector<16xf32>
      %add3A_406 = arith.addf %bitcast_convert_type3A_404, %div3A_405 : vector<16xf32>
      %mul3A_407 = arith.constant 5.000000e-01 : f32
      %mul3A_408 = vector.broadcast %mul3A_407 : f32 to vector<16xf32>
      %mul3A_409 = arith.mulf %mul3A_408, %add3A_406 : vector<16xf32>
      %div3A_410 = arith.divf %scan3A_393#0, %mul3A_409 : vector<16xf32>
      %add3A_411 = arith.addf %mul3A_409, %div3A_410 : vector<16xf32>
      %mul3A_412 = arith.constant 5.000000e-01 : f32
      %mul3A_413 = vector.broadcast %mul3A_412 : f32 to vector<16xf32>
      %mul3A_414 = arith.mulf %mul3A_413, %add3A_411 : vector<16xf32>
      %div3A_415 = arith.divf %scan3A_393#0, %mul3A_414 : vector<16xf32>
      %add3A_416 = arith.addf %mul3A_414, %div3A_415 : vector<16xf32>
      %mul3A_417 = arith.constant 5.000000e-01 : f32
      %mul3A_418 = vector.broadcast %mul3A_417 : f32 to vector<16xf32>
      %mul3A_419 = arith.mulf %mul3A_418, %add3A_416 : vector<16xf32>
      %gt3A_420 = arith.constant 0.000000e+00 : f32
      %gt3A_421 = vector.broadcast %gt3A_420 : f32 to vector<16xf32>
      %gt3A_422 = arith.cmpf ogt, %scan3A_393#0, %gt3A_421 : vector<16xf32>
      %broadcast_in_dim3A_423 = arith.constant 0.000000e+00 : f32
      %broadcast_in_dim3A_424 = vector.broadcast %broadcast_in_dim3A_423 : f32 to vector<16xf32>
      %select_n3A_425 = arith.select %gt3A_422, %mul3A_419, %broadcast_in_dim3A_424 : vector<16xi1>, vector<16xf32>
      %swap3A_426 = arith.index_cast %mul3A_396 : i32 to index
      %swap3A_427 = tpu.vector_load %arg18[%swap3A_426] {strides = array<i32>} : memref<4096xf32, #tpu.memory_space<vmem>>, vector<16xf32>,
      tpu.vector_store %arg18[%swap3A_426], %select_n3A_425 {strides = array<i32>} : memref<4096xf32, #tpu.memory_space<vmem>>, vector<16xf32>,
      %gather3A_428 = tpu.vector_load_idx %arg12[%scan3A_393#1] : memref<8192xf32, #tpu.memory_space<vmem>>[vector<16xi32>], vector<16xf32>,
      %swap3A_429 = arith.index_cast %mul3A_396 : i32 to index
      %swap3A_430 = tpu.vector_load %arg19[%swap3A_429] {strides = array<i32>} : memref<4096xf32, #tpu.memory_space<vmem>>, vector<16xf32>,
      tpu.vector_store %arg19[%swap3A_429], %gather3A_428 {strides = array<i32>} : memref<4096xf32, #tpu.memory_space<vmem>>, vector<16xf32>,
      %gather3A_431 = tpu.vector_load_idx %arg13[%scan3A_393#1] : memref<8192xf32, #tpu.memory_space<vmem>>[vector<16xi32>], vector<16xf32>,
      %swap3A_432 = arith.index_cast %mul3A_396 : i32 to index
      %swap3A_433 = tpu.vector_load %arg20[%swap3A_432] {strides = array<i32>} : memref<4096xf32, #tpu.memory_space<vmem>>, vector<16xf32>,
      tpu.vector_store %arg20[%swap3A_432], %gather3A_431 {strides = array<i32>} : memref<4096xf32, #tpu.memory_space<vmem>>, vector<16xf32>,
      %gather3A_434 = tpu.vector_load_idx %arg14[%scan3A_393#1] : memref<8192xf32, #tpu.memory_space<vmem>>[vector<16xi32>], vector<16xf32>,
      %swap3A_435 = arith.index_cast %mul3A_396 : i32 to index
      %swap3A_436 = tpu.vector_load %arg21[%swap3A_435] {strides = array<i32>} : memref<4096xf32, #tpu.memory_space<vmem>>, vector<16xf32>,
      tpu.vector_store %arg21[%swap3A_435], %gather3A_434 {strides = array<i32>} : memref<4096xf32, #tpu.memory_space<vmem>>, vector<16xf32>,
      %slice3A_437 = vector.extract_strided_slice %get3A_15 {offsets = [7], sizes = [1], strides = [1]} : vector<16xf32> to vector<1xf32>
      %squeeze3A_438 = vector.extract %slice3A_437[0] : f32 from vector<1xf32>
      %slice3A_439 = vector.extract_strided_slice %get3A_17 {offsets = [7], sizes = [1], strides = [1]} : vector<16xf32> to vector<1xf32>
      %squeeze3A_440 = vector.extract %slice3A_439[0] : f32 from vector<1xf32>
      %slice3A_441 = vector.extract_strided_slice %get3A_19 {offsets = [7], sizes = [1], strides = [1]} : vector<16xf32> to vector<1xf32>
      %squeeze3A_442 = vector.extract %slice3A_441[0] : f32 from vector<1xf32>
      %add3A_443 = arith.constant 7 : i32
      %add3A_444 = arith.addi %mul3A_14, %add3A_443 : i32
      %broadcast_in_dim3A_445 = arith.constant 0x7F800000 : f32
      %broadcast_in_dim3A_446 = vector.broadcast %broadcast_in_dim3A_445 : f32 to vector<16xf32>
      %broadcast_in_dim3A_447 = arith.constant 0 : i32
      %broadcast_in_dim3A_448 = vector.broadcast %broadcast_in_dim3A_447 : i32 to vector<16xi32>
      %scan3A_449 = arith.constant 0x7F800000 : f32
      %scan3A_450 = arith.constant 0 : i32
      %scan3A_451 = arith.constant 512 : i32
      %scan3A_452 = arith.addi %scan3A_450, %scan3A_451 : i32
      %scan3A_453 = arith.constant 1 : i32
      %scan3A_454:3 = scf.for %scan3A_987 = %scan3A_450 to %scan3A_452 step %scan3A_453 iter_args(%scan3A_988 = %broadcast_in_dim3A_446, %scan3A_989 = %broadcast_in_dim3A_448, %scan3A_990 = %scan3A_449) -> (vector<16xf32>, vector<16xi32>, f32)  : i32 {
        %mul3A_991 = arith.constant 16 : i32
        %mul3A_992 = arith.muli %scan3A_987, %mul3A_991 : i32
        %get3A_993 = arith.index_cast %mul3A_992 : i32 to index
        %get3A_994 = tpu.vector_load %arg12[%get3A_993] {strides = array<i32>} : memref<8192xf32, #tpu.memory_space<vmem>>, vector<16xf32>,
        %sub3A = vector.broadcast %squeeze3A_438 : f32 to vector<16xf32>
        %sub3A_995 = arith.subf %get3A_994, %sub3A : vector<16xf32>
        %mul3A_996 = arith.mulf %sub3A_995, %sub3A_995 : vector<16xf32>
        %get3A_997 = arith.index_cast %mul3A_992 : i32 to index
        %get3A_998 = tpu.vector_load %arg13[%get3A_997] {strides = array<i32>} : memref<8192xf32, #tpu.memory_space<vmem>>, vector<16xf32>,
        %sub3A_999 = vector.broadcast %squeeze3A_440 : f32 to vector<16xf32>
        %sub3A_1000 = arith.subf %get3A_998, %sub3A_999 : vector<16xf32>
        %mul3A_1001 = arith.mulf %sub3A_1000, %sub3A_1000 : vector<16xf32>
        %add3A_1002 = arith.addf %mul3A_996, %mul3A_1001 : vector<16xf32>
        %get3A_1003 = arith.index_cast %mul3A_992 : i32 to index
        %get3A_1004 = tpu.vector_load %arg14[%get3A_1003] {strides = array<i32>} : memref<8192xf32, #tpu.memory_space<vmem>>, vector<16xf32>,
        %sub3A_1005 = vector.broadcast %squeeze3A_442 : f32 to vector<16xf32>
        %sub3A_1006 = arith.subf %get3A_1004, %sub3A_1005 : vector<16xf32>
        %mul3A_1007 = arith.mulf %sub3A_1006, %sub3A_1006 : vector<16xf32>
        %add3A_1008 = arith.addf %add3A_1002, %mul3A_1007 : vector<16xf32>
        %lt3A = vector.broadcast %scan3A_990 : f32 to vector<16xf32>
        %lt3A_1009 = arith.cmpf olt, %add3A_1008, %lt3A : vector<16xf32>
        %reduce_or3A = arith.constant 1.000000e+00 : f32
        %reduce_or3A_1010 = arith.constant 0.000000e+00 : f32
        %reduce_or3A_1011 = vector.broadcast %reduce_or3A : f32 to vector<16xf32>
        %reduce_or3A_1012 = vector.broadcast %reduce_or3A_1010 : f32 to vector<16xf32>
        %reduce_or3A_1013 = arith.select %lt3A_1009, %reduce_or3A_1011, %reduce_or3A_1012 : vector<16xi1>, vector<16xf32>
        %reduce_or3A_1014 = arith.constant true
        %reduce_or3A_1015 = vector.broadcast %reduce_or3A_1014 : i1 to vector<16xi1>
        %reduce_or3A_1016 = tpu.scan <max>, %reduce_or3A_1013 masked %reduce_or3A_1015 : vector<16xf32>, vector<16xi1> -> vector<16xf32>
        %reduce_or3A_1017 = vector.extract %reduce_or3A_1016[15] : f32 from vector<16xf32>
        %reduce_or3A_1018 = arith.constant 0.000000e+00 : f32
        %reduce_or3A_1019 = arith.cmpf ogt, %reduce_or3A_1017, %reduce_or3A_1018 : f32
        %convert_element_type3A = arith.extui %reduce_or3A_1019 : i1 to i32
        %cond3A = arith.constant 0 : i32
        %cond3A_1020 = arith.cmpi ne, %convert_element_type3A, %cond3A : i32
        %cond3A_1021:3 = scf.if %cond3A_1020 -> (vector<16xf32>, vector<16xi32>, f32) {
          %add3A_1022 = vector.broadcast %mul3A_992 : i32 to vector<16xi32>
          %add3A_1023 = arith.addi %iota3A, %add3A_1022 : vector<16xi32>
          %masked_sort3A = arith.constant dense<true> : vector<16xi1>
          %masked_sort3A_1024, %masked_sort3A_1025, %masked_sort3A_1026 = tpu.sort %add3A_1008, %add3A_1023 masked %masked_sort3A : (vector<16xf32>, vector<16xi32>, vector<16xi1>) -> (vector<16xi1>, vector<16xf32>, vector<16xi32>)
          %rev3A = arith.constant 15 : i32
          %rev3A_1027 = vector.broadcast %rev3A : i32 to vector<16xi32>
          %rev3A_1028 = tpu.iota {dimensions = array<i32: 0>} : vector<16xi32>
          %rev3A_1029 = arith.subi %rev3A_1027, %rev3A_1028 : vector<16xi32>
          %rev3A_1030 = tpu.dynamic_gather %scan3A_988[%rev3A_1029] in [0] : vector<16xf32>, vector<16xi32> -> vector<16xf32>
          %rev3A_1031 = arith.constant 15 : i32
          %rev3A_1032 = vector.broadcast %rev3A_1031 : i32 to vector<16xi32>
          %rev3A_1033 = tpu.iota {dimensions = array<i32: 0>} : vector<16xi32>
          %rev3A_1034 = arith.subi %rev3A_1032, %rev3A_1033 : vector<16xi32>
          %rev3A_1035 = tpu.dynamic_gather %scan3A_989[%rev3A_1034] in [0] : vector<16xi32>, vector<16xi32> -> vector<16xi32>
          %lt3A_1036 = arith.cmpf olt, %masked_sort3A_1025, %rev3A_1030 : vector<16xf32>
          %select_n3A_1037 = arith.select %lt3A_1036, %masked_sort3A_1025, %rev3A_1030 : vector<16xi1>, vector<16xf32>
          %select_n3A_1038 = arith.select %lt3A_1036, %masked_sort3A_1026, %rev3A_1035 : vector<16xi1>, vector<16xi32>
          %masked_sort3A_1039 = arith.constant dense<true> : vector<16xi1>
          %masked_sort3A_1040, %masked_sort3A_1041, %masked_sort3A_1042 = tpu.sort %select_n3A_1037, %select_n3A_1038 masked %masked_sort3A_1039 : (vector<16xf32>, vector<16xi32>, vector<16xi1>) -> (vector<16xi1>, vector<16xf32>, vector<16xi32>)
          %slice3A_1043 = vector.extract_strided_slice %masked_sort3A_1041 {offsets = [15], sizes = [1], strides = [1]} : vector<16xf32> to vector<1xf32>
          %squeeze3A_1044 = vector.extract %slice3A_1043[0] : f32 from vector<1xf32>
          scf.yield %masked_sort3A_1041, %masked_sort3A_1042, %squeeze3A_1044 : vector<16xf32>, vector<16xi32>, f32
        } else {
          scf.yield %scan3A_988, %scan3A_989, %scan3A_990 : vector<16xf32>, vector<16xi32>, f32
        }
        scf.yield %cond3A_1021#0, %cond3A_1021#1, %cond3A_1021#2 : vector<16xf32>, vector<16xi32>, f32
      }
      %scan3A_455 = arith.constant 512 : i32
      %mul3A_456 = arith.constant 16 : i32
      %mul3A_457 = arith.muli %add3A_444, %mul3A_456 : i32
      %bitcast_convert_type3A_458 = tpu.bitcast %scan3A_454#0 : vector<16xf32> -> vector<16xi32>
      %shift_right_logical3A_459 = arith.constant 1 : i32
      %shift_right_logical3A_460 = vector.broadcast %shift_right_logical3A_459 : i32 to vector<16xi32>
      %shift_right_logical3A_461 = arith.shrui %bitcast_convert_type3A_458, %shift_right_logical3A_460 : vector<16xi32>
      %add3A_462 = arith.constant 532487670 : i32
      %add3A_463 = vector.broadcast %add3A_462 : i32 to vector<16xi32>
      %add3A_464 = arith.addi %shift_right_logical3A_461, %add3A_463 : vector<16xi32>
      %bitcast_convert_type3A_465 = tpu.bitcast %add3A_464 : vector<16xi32> -> vector<16xf32>
      %div3A_466 = arith.divf %scan3A_454#0, %bitcast_convert_type3A_465 : vector<16xf32>
      %add3A_467 = arith.addf %bitcast_convert_type3A_465, %div3A_466 : vector<16xf32>
      %mul3A_468 = arith.constant 5.000000e-01 : f32
      %mul3A_469 = vector.broadcast %mul3A_468 : f32 to vector<16xf32>
      %mul3A_470 = arith.mulf %mul3A_469, %add3A_467 : vector<16xf32>
      %div3A_471 = arith.divf %scan3A_454#0, %mul3A_470 : vector<16xf32>
      %add3A_472 = arith.addf %mul3A_470, %div3A_471 : vector<16xf32>
      %mul3A_473 = arith.constant 5.000000e-01 : f32
      %mul3A_474 = vector.broadcast %mul3A_473 : f32 to vector<16xf32>
      %mul3A_475 = arith.mulf %mul3A_474, %add3A_472 : vector<16xf32>
      %div3A_476 = arith.divf %scan3A_454#0, %mul3A_475 : vector<16xf32>
      %add3A_477 = arith.addf %mul3A_475, %div3A_476 : vector<16xf32>
      %mul3A_478 = arith.constant 5.000000e-01 : f32
      %mul3A_479 = vector.broadcast %mul3A_478 : f32 to vector<16xf32>
      %mul3A_480 = arith.mulf %mul3A_479, %add3A_477 : vector<16xf32>
      %gt3A_481 = arith.constant 0.000000e+00 : f32
      %gt3A_482 = vector.broadcast %gt3A_481 : f32 to vector<16xf32>
      %gt3A_483 = arith.cmpf ogt, %scan3A_454#0, %gt3A_482 : vector<16xf32>
      %broadcast_in_dim3A_484 = arith.constant 0.000000e+00 : f32
      %broadcast_in_dim3A_485 = vector.broadcast %broadcast_in_dim3A_484 : f32 to vector<16xf32>
      %select_n3A_486 = arith.select %gt3A_483, %mul3A_480, %broadcast_in_dim3A_485 : vector<16xi1>, vector<16xf32>
      %swap3A_487 = arith.index_cast %mul3A_457 : i32 to index
      %swap3A_488 = tpu.vector_load %arg18[%swap3A_487] {strides = array<i32>} : memref<4096xf32, #tpu.memory_space<vmem>>, vector<16xf32>,
      tpu.vector_store %arg18[%swap3A_487], %select_n3A_486 {strides = array<i32>} : memref<4096xf32, #tpu.memory_space<vmem>>, vector<16xf32>,
      %gather3A_489 = tpu.vector_load_idx %arg12[%scan3A_454#1] : memref<8192xf32, #tpu.memory_space<vmem>>[vector<16xi32>], vector<16xf32>,
      %swap3A_490 = arith.index_cast %mul3A_457 : i32 to index
      %swap3A_491 = tpu.vector_load %arg19[%swap3A_490] {strides = array<i32>} : memref<4096xf32, #tpu.memory_space<vmem>>, vector<16xf32>,
      tpu.vector_store %arg19[%swap3A_490], %gather3A_489 {strides = array<i32>} : memref<4096xf32, #tpu.memory_space<vmem>>, vector<16xf32>,
      %gather3A_492 = tpu.vector_load_idx %arg13[%scan3A_454#1] : memref<8192xf32, #tpu.memory_space<vmem>>[vector<16xi32>], vector<16xf32>,
      %swap3A_493 = arith.index_cast %mul3A_457 : i32 to index
      %swap3A_494 = tpu.vector_load %arg20[%swap3A_493] {strides = array<i32>} : memref<4096xf32, #tpu.memory_space<vmem>>, vector<16xf32>,
      tpu.vector_store %arg20[%swap3A_493], %gather3A_492 {strides = array<i32>} : memref<4096xf32, #tpu.memory_space<vmem>>, vector<16xf32>,
      %gather3A_495 = tpu.vector_load_idx %arg14[%scan3A_454#1] : memref<8192xf32, #tpu.memory_space<vmem>>[vector<16xi32>], vector<16xf32>,
      %swap3A_496 = arith.index_cast %mul3A_457 : i32 to index
      %swap3A_497 = tpu.vector_load %arg21[%swap3A_496] {strides = array<i32>} : memref<4096xf32, #tpu.memory_space<vmem>>, vector<16xf32>,
      tpu.vector_store %arg21[%swap3A_496], %gather3A_495 {strides = array<i32>} : memref<4096xf32, #tpu.memory_space<vmem>>, vector<16xf32>,
      %slice3A_498 = vector.extract_strided_slice %get3A_15 {offsets = [8], sizes = [1], strides = [1]} : vector<16xf32> to vector<1xf32>
      %squeeze3A_499 = vector.extract %slice3A_498[0] : f32 from vector<1xf32>
      %slice3A_500 = vector.extract_strided_slice %get3A_17 {offsets = [8], sizes = [1], strides = [1]} : vector<16xf32> to vector<1xf32>
      %squeeze3A_501 = vector.extract %slice3A_500[0] : f32 from vector<1xf32>
      %slice3A_502 = vector.extract_strided_slice %get3A_19 {offsets = [8], sizes = [1], strides = [1]} : vector<16xf32> to vector<1xf32>
      %squeeze3A_503 = vector.extract %slice3A_502[0] : f32 from vector<1xf32>
      %add3A_504 = arith.constant 8 : i32
      %add3A_505 = arith.addi %mul3A_14, %add3A_504 : i32
      %broadcast_in_dim3A_506 = arith.constant 0x7F800000 : f32
      %broadcast_in_dim3A_507 = vector.broadcast %broadcast_in_dim3A_506 : f32 to vector<16xf32>
      %broadcast_in_dim3A_508 = arith.constant 0 : i32
      %broadcast_in_dim3A_509 = vector.broadcast %broadcast_in_dim3A_508 : i32 to vector<16xi32>
      %scan3A_510 = arith.constant 0x7F800000 : f32
      %scan3A_511 = arith.constant 0 : i32
      %scan3A_512 = arith.constant 512 : i32
      %scan3A_513 = arith.addi %scan3A_511, %scan3A_512 : i32
      %scan3A_514 = arith.constant 1 : i32
      %scan3A_515:3 = scf.for %scan3A_987 = %scan3A_511 to %scan3A_513 step %scan3A_514 iter_args(%scan3A_988 = %broadcast_in_dim3A_507, %scan3A_989 = %broadcast_in_dim3A_509, %scan3A_990 = %scan3A_510) -> (vector<16xf32>, vector<16xi32>, f32)  : i32 {
        %mul3A_991 = arith.constant 16 : i32
        %mul3A_992 = arith.muli %scan3A_987, %mul3A_991 : i32
        %get3A_993 = arith.index_cast %mul3A_992 : i32 to index
        %get3A_994 = tpu.vector_load %arg12[%get3A_993] {strides = array<i32>} : memref<8192xf32, #tpu.memory_space<vmem>>, vector<16xf32>,
        %sub3A = vector.broadcast %squeeze3A_499 : f32 to vector<16xf32>
        %sub3A_995 = arith.subf %get3A_994, %sub3A : vector<16xf32>
        %mul3A_996 = arith.mulf %sub3A_995, %sub3A_995 : vector<16xf32>
        %get3A_997 = arith.index_cast %mul3A_992 : i32 to index
        %get3A_998 = tpu.vector_load %arg13[%get3A_997] {strides = array<i32>} : memref<8192xf32, #tpu.memory_space<vmem>>, vector<16xf32>,
        %sub3A_999 = vector.broadcast %squeeze3A_501 : f32 to vector<16xf32>
        %sub3A_1000 = arith.subf %get3A_998, %sub3A_999 : vector<16xf32>
        %mul3A_1001 = arith.mulf %sub3A_1000, %sub3A_1000 : vector<16xf32>
        %add3A_1002 = arith.addf %mul3A_996, %mul3A_1001 : vector<16xf32>
        %get3A_1003 = arith.index_cast %mul3A_992 : i32 to index
        %get3A_1004 = tpu.vector_load %arg14[%get3A_1003] {strides = array<i32>} : memref<8192xf32, #tpu.memory_space<vmem>>, vector<16xf32>,
        %sub3A_1005 = vector.broadcast %squeeze3A_503 : f32 to vector<16xf32>
        %sub3A_1006 = arith.subf %get3A_1004, %sub3A_1005 : vector<16xf32>
        %mul3A_1007 = arith.mulf %sub3A_1006, %sub3A_1006 : vector<16xf32>
        %add3A_1008 = arith.addf %add3A_1002, %mul3A_1007 : vector<16xf32>
        %lt3A = vector.broadcast %scan3A_990 : f32 to vector<16xf32>
        %lt3A_1009 = arith.cmpf olt, %add3A_1008, %lt3A : vector<16xf32>
        %reduce_or3A = arith.constant 1.000000e+00 : f32
        %reduce_or3A_1010 = arith.constant 0.000000e+00 : f32
        %reduce_or3A_1011 = vector.broadcast %reduce_or3A : f32 to vector<16xf32>
        %reduce_or3A_1012 = vector.broadcast %reduce_or3A_1010 : f32 to vector<16xf32>
        %reduce_or3A_1013 = arith.select %lt3A_1009, %reduce_or3A_1011, %reduce_or3A_1012 : vector<16xi1>, vector<16xf32>
        %reduce_or3A_1014 = arith.constant true
        %reduce_or3A_1015 = vector.broadcast %reduce_or3A_1014 : i1 to vector<16xi1>
        %reduce_or3A_1016 = tpu.scan <max>, %reduce_or3A_1013 masked %reduce_or3A_1015 : vector<16xf32>, vector<16xi1> -> vector<16xf32>
        %reduce_or3A_1017 = vector.extract %reduce_or3A_1016[15] : f32 from vector<16xf32>
        %reduce_or3A_1018 = arith.constant 0.000000e+00 : f32
        %reduce_or3A_1019 = arith.cmpf ogt, %reduce_or3A_1017, %reduce_or3A_1018 : f32
        %convert_element_type3A = arith.extui %reduce_or3A_1019 : i1 to i32
        %cond3A = arith.constant 0 : i32
        %cond3A_1020 = arith.cmpi ne, %convert_element_type3A, %cond3A : i32
        %cond3A_1021:3 = scf.if %cond3A_1020 -> (vector<16xf32>, vector<16xi32>, f32) {
          %add3A_1022 = vector.broadcast %mul3A_992 : i32 to vector<16xi32>
          %add3A_1023 = arith.addi %iota3A, %add3A_1022 : vector<16xi32>
          %masked_sort3A = arith.constant dense<true> : vector<16xi1>
          %masked_sort3A_1024, %masked_sort3A_1025, %masked_sort3A_1026 = tpu.sort %add3A_1008, %add3A_1023 masked %masked_sort3A : (vector<16xf32>, vector<16xi32>, vector<16xi1>) -> (vector<16xi1>, vector<16xf32>, vector<16xi32>)
          %rev3A = arith.constant 15 : i32
          %rev3A_1027 = vector.broadcast %rev3A : i32 to vector<16xi32>
          %rev3A_1028 = tpu.iota {dimensions = array<i32: 0>} : vector<16xi32>
          %rev3A_1029 = arith.subi %rev3A_1027, %rev3A_1028 : vector<16xi32>
          %rev3A_1030 = tpu.dynamic_gather %scan3A_988[%rev3A_1029] in [0] : vector<16xf32>, vector<16xi32> -> vector<16xf32>
          %rev3A_1031 = arith.constant 15 : i32
          %rev3A_1032 = vector.broadcast %rev3A_1031 : i32 to vector<16xi32>
          %rev3A_1033 = tpu.iota {dimensions = array<i32: 0>} : vector<16xi32>
          %rev3A_1034 = arith.subi %rev3A_1032, %rev3A_1033 : vector<16xi32>
          %rev3A_1035 = tpu.dynamic_gather %scan3A_989[%rev3A_1034] in [0] : vector<16xi32>, vector<16xi32> -> vector<16xi32>
          %lt3A_1036 = arith.cmpf olt, %masked_sort3A_1025, %rev3A_1030 : vector<16xf32>
          %select_n3A_1037 = arith.select %lt3A_1036, %masked_sort3A_1025, %rev3A_1030 : vector<16xi1>, vector<16xf32>
          %select_n3A_1038 = arith.select %lt3A_1036, %masked_sort3A_1026, %rev3A_1035 : vector<16xi1>, vector<16xi32>
          %masked_sort3A_1039 = arith.constant dense<true> : vector<16xi1>
          %masked_sort3A_1040, %masked_sort3A_1041, %masked_sort3A_1042 = tpu.sort %select_n3A_1037, %select_n3A_1038 masked %masked_sort3A_1039 : (vector<16xf32>, vector<16xi32>, vector<16xi1>) -> (vector<16xi1>, vector<16xf32>, vector<16xi32>)
          %slice3A_1043 = vector.extract_strided_slice %masked_sort3A_1041 {offsets = [15], sizes = [1], strides = [1]} : vector<16xf32> to vector<1xf32>
          %squeeze3A_1044 = vector.extract %slice3A_1043[0] : f32 from vector<1xf32>
          scf.yield %masked_sort3A_1041, %masked_sort3A_1042, %squeeze3A_1044 : vector<16xf32>, vector<16xi32>, f32
        } else {
          scf.yield %scan3A_988, %scan3A_989, %scan3A_990 : vector<16xf32>, vector<16xi32>, f32
        }
        scf.yield %cond3A_1021#0, %cond3A_1021#1, %cond3A_1021#2 : vector<16xf32>, vector<16xi32>, f32
      }
      %scan3A_516 = arith.constant 512 : i32
      %mul3A_517 = arith.constant 16 : i32
      %mul3A_518 = arith.muli %add3A_505, %mul3A_517 : i32
      %bitcast_convert_type3A_519 = tpu.bitcast %scan3A_515#0 : vector<16xf32> -> vector<16xi32>
      %shift_right_logical3A_520 = arith.constant 1 : i32
      %shift_right_logical3A_521 = vector.broadcast %shift_right_logical3A_520 : i32 to vector<16xi32>
      %shift_right_logical3A_522 = arith.shrui %bitcast_convert_type3A_519, %shift_right_logical3A_521 : vector<16xi32>
      %add3A_523 = arith.constant 532487670 : i32
      %add3A_524 = vector.broadcast %add3A_523 : i32 to vector<16xi32>
      %add3A_525 = arith.addi %shift_right_logical3A_522, %add3A_524 : vector<16xi32>
      %bitcast_convert_type3A_526 = tpu.bitcast %add3A_525 : vector<16xi32> -> vector<16xf32>
      %div3A_527 = arith.divf %scan3A_515#0, %bitcast_convert_type3A_526 : vector<16xf32>
      %add3A_528 = arith.addf %bitcast_convert_type3A_526, %div3A_527 : vector<16xf32>
      %mul3A_529 = arith.constant 5.000000e-01 : f32
      %mul3A_530 = vector.broadcast %mul3A_529 : f32 to vector<16xf32>
      %mul3A_531 = arith.mulf %mul3A_530, %add3A_528 : vector<16xf32>
      %div3A_532 = arith.divf %scan3A_515#0, %mul3A_531 : vector<16xf32>
      %add3A_533 = arith.addf %mul3A_531, %div3A_532 : vector<16xf32>
      %mul3A_534 = arith.constant 5.000000e-01 : f32
      %mul3A_535 = vector.broadcast %mul3A_534 : f32 to vector<16xf32>
      %mul3A_536 = arith.mulf %mul3A_535, %add3A_533 : vector<16xf32>
      %div3A_537 = arith.divf %scan3A_515#0, %mul3A_536 : vector<16xf32>
      %add3A_538 = arith.addf %mul3A_536, %div3A_537 : vector<16xf32>
      %mul3A_539 = arith.constant 5.000000e-01 : f32
      %mul3A_540 = vector.broadcast %mul3A_539 : f32 to vector<16xf32>
      %mul3A_541 = arith.mulf %mul3A_540, %add3A_538 : vector<16xf32>
      %gt3A_542 = arith.constant 0.000000e+00 : f32
      %gt3A_543 = vector.broadcast %gt3A_542 : f32 to vector<16xf32>
      %gt3A_544 = arith.cmpf ogt, %scan3A_515#0, %gt3A_543 : vector<16xf32>
      %broadcast_in_dim3A_545 = arith.constant 0.000000e+00 : f32
      %broadcast_in_dim3A_546 = vector.broadcast %broadcast_in_dim3A_545 : f32 to vector<16xf32>
      %select_n3A_547 = arith.select %gt3A_544, %mul3A_541, %broadcast_in_dim3A_546 : vector<16xi1>, vector<16xf32>
      %swap3A_548 = arith.index_cast %mul3A_518 : i32 to index
      %swap3A_549 = tpu.vector_load %arg18[%swap3A_548] {strides = array<i32>} : memref<4096xf32, #tpu.memory_space<vmem>>, vector<16xf32>,
      tpu.vector_store %arg18[%swap3A_548], %select_n3A_547 {strides = array<i32>} : memref<4096xf32, #tpu.memory_space<vmem>>, vector<16xf32>,
      %gather3A_550 = tpu.vector_load_idx %arg12[%scan3A_515#1] : memref<8192xf32, #tpu.memory_space<vmem>>[vector<16xi32>], vector<16xf32>,
      %swap3A_551 = arith.index_cast %mul3A_518 : i32 to index
      %swap3A_552 = tpu.vector_load %arg19[%swap3A_551] {strides = array<i32>} : memref<4096xf32, #tpu.memory_space<vmem>>, vector<16xf32>,
      tpu.vector_store %arg19[%swap3A_551], %gather3A_550 {strides = array<i32>} : memref<4096xf32, #tpu.memory_space<vmem>>, vector<16xf32>,
      %gather3A_553 = tpu.vector_load_idx %arg13[%scan3A_515#1] : memref<8192xf32, #tpu.memory_space<vmem>>[vector<16xi32>], vector<16xf32>,
      %swap3A_554 = arith.index_cast %mul3A_518 : i32 to index
      %swap3A_555 = tpu.vector_load %arg20[%swap3A_554] {strides = array<i32>} : memref<4096xf32, #tpu.memory_space<vmem>>, vector<16xf32>,
      tpu.vector_store %arg20[%swap3A_554], %gather3A_553 {strides = array<i32>} : memref<4096xf32, #tpu.memory_space<vmem>>, vector<16xf32>,
      %gather3A_556 = tpu.vector_load_idx %arg14[%scan3A_515#1] : memref<8192xf32, #tpu.memory_space<vmem>>[vector<16xi32>], vector<16xf32>,
      %swap3A_557 = arith.index_cast %mul3A_518 : i32 to index
      %swap3A_558 = tpu.vector_load %arg21[%swap3A_557] {strides = array<i32>} : memref<4096xf32, #tpu.memory_space<vmem>>, vector<16xf32>,
      tpu.vector_store %arg21[%swap3A_557], %gather3A_556 {strides = array<i32>} : memref<4096xf32, #tpu.memory_space<vmem>>, vector<16xf32>,
      %slice3A_559 = vector.extract_strided_slice %get3A_15 {offsets = [9], sizes = [1], strides = [1]} : vector<16xf32> to vector<1xf32>
      %squeeze3A_560 = vector.extract %slice3A_559[0] : f32 from vector<1xf32>
      %slice3A_561 = vector.extract_strided_slice %get3A_17 {offsets = [9], sizes = [1], strides = [1]} : vector<16xf32> to vector<1xf32>
      %squeeze3A_562 = vector.extract %slice3A_561[0] : f32 from vector<1xf32>
      %slice3A_563 = vector.extract_strided_slice %get3A_19 {offsets = [9], sizes = [1], strides = [1]} : vector<16xf32> to vector<1xf32>
      %squeeze3A_564 = vector.extract %slice3A_563[0] : f32 from vector<1xf32>
      %add3A_565 = arith.constant 9 : i32
      %add3A_566 = arith.addi %mul3A_14, %add3A_565 : i32
      %broadcast_in_dim3A_567 = arith.constant 0x7F800000 : f32
      %broadcast_in_dim3A_568 = vector.broadcast %broadcast_in_dim3A_567 : f32 to vector<16xf32>
      %broadcast_in_dim3A_569 = arith.constant 0 : i32
      %broadcast_in_dim3A_570 = vector.broadcast %broadcast_in_dim3A_569 : i32 to vector<16xi32>
      %scan3A_571 = arith.constant 0x7F800000 : f32
      %scan3A_572 = arith.constant 0 : i32
      %scan3A_573 = arith.constant 512 : i32
      %scan3A_574 = arith.addi %scan3A_572, %scan3A_573 : i32
      %scan3A_575 = arith.constant 1 : i32
      %scan3A_576:3 = scf.for %scan3A_987 = %scan3A_572 to %scan3A_574 step %scan3A_575 iter_args(%scan3A_988 = %broadcast_in_dim3A_568, %scan3A_989 = %broadcast_in_dim3A_570, %scan3A_990 = %scan3A_571) -> (vector<16xf32>, vector<16xi32>, f32)  : i32 {
        %mul3A_991 = arith.constant 16 : i32
        %mul3A_992 = arith.muli %scan3A_987, %mul3A_991 : i32
        %get3A_993 = arith.index_cast %mul3A_992 : i32 to index
        %get3A_994 = tpu.vector_load %arg12[%get3A_993] {strides = array<i32>} : memref<8192xf32, #tpu.memory_space<vmem>>, vector<16xf32>,
        %sub3A = vector.broadcast %squeeze3A_560 : f32 to vector<16xf32>
        %sub3A_995 = arith.subf %get3A_994, %sub3A : vector<16xf32>
        %mul3A_996 = arith.mulf %sub3A_995, %sub3A_995 : vector<16xf32>
        %get3A_997 = arith.index_cast %mul3A_992 : i32 to index
        %get3A_998 = tpu.vector_load %arg13[%get3A_997] {strides = array<i32>} : memref<8192xf32, #tpu.memory_space<vmem>>, vector<16xf32>,
        %sub3A_999 = vector.broadcast %squeeze3A_562 : f32 to vector<16xf32>
        %sub3A_1000 = arith.subf %get3A_998, %sub3A_999 : vector<16xf32>
        %mul3A_1001 = arith.mulf %sub3A_1000, %sub3A_1000 : vector<16xf32>
        %add3A_1002 = arith.addf %mul3A_996, %mul3A_1001 : vector<16xf32>
        %get3A_1003 = arith.index_cast %mul3A_992 : i32 to index
        %get3A_1004 = tpu.vector_load %arg14[%get3A_1003] {strides = array<i32>} : memref<8192xf32, #tpu.memory_space<vmem>>, vector<16xf32>,
        %sub3A_1005 = vector.broadcast %squeeze3A_564 : f32 to vector<16xf32>
        %sub3A_1006 = arith.subf %get3A_1004, %sub3A_1005 : vector<16xf32>
        %mul3A_1007 = arith.mulf %sub3A_1006, %sub3A_1006 : vector<16xf32>
        %add3A_1008 = arith.addf %add3A_1002, %mul3A_1007 : vector<16xf32>
        %lt3A = vector.broadcast %scan3A_990 : f32 to vector<16xf32>
        %lt3A_1009 = arith.cmpf olt, %add3A_1008, %lt3A : vector<16xf32>
        %reduce_or3A = arith.constant 1.000000e+00 : f32
        %reduce_or3A_1010 = arith.constant 0.000000e+00 : f32
        %reduce_or3A_1011 = vector.broadcast %reduce_or3A : f32 to vector<16xf32>
        %reduce_or3A_1012 = vector.broadcast %reduce_or3A_1010 : f32 to vector<16xf32>
        %reduce_or3A_1013 = arith.select %lt3A_1009, %reduce_or3A_1011, %reduce_or3A_1012 : vector<16xi1>, vector<16xf32>
        %reduce_or3A_1014 = arith.constant true
        %reduce_or3A_1015 = vector.broadcast %reduce_or3A_1014 : i1 to vector<16xi1>
        %reduce_or3A_1016 = tpu.scan <max>, %reduce_or3A_1013 masked %reduce_or3A_1015 : vector<16xf32>, vector<16xi1> -> vector<16xf32>
        %reduce_or3A_1017 = vector.extract %reduce_or3A_1016[15] : f32 from vector<16xf32>
        %reduce_or3A_1018 = arith.constant 0.000000e+00 : f32
        %reduce_or3A_1019 = arith.cmpf ogt, %reduce_or3A_1017, %reduce_or3A_1018 : f32
        %convert_element_type3A = arith.extui %reduce_or3A_1019 : i1 to i32
        %cond3A = arith.constant 0 : i32
        %cond3A_1020 = arith.cmpi ne, %convert_element_type3A, %cond3A : i32
        %cond3A_1021:3 = scf.if %cond3A_1020 -> (vector<16xf32>, vector<16xi32>, f32) {
          %add3A_1022 = vector.broadcast %mul3A_992 : i32 to vector<16xi32>
          %add3A_1023 = arith.addi %iota3A, %add3A_1022 : vector<16xi32>
          %masked_sort3A = arith.constant dense<true> : vector<16xi1>
          %masked_sort3A_1024, %masked_sort3A_1025, %masked_sort3A_1026 = tpu.sort %add3A_1008, %add3A_1023 masked %masked_sort3A : (vector<16xf32>, vector<16xi32>, vector<16xi1>) -> (vector<16xi1>, vector<16xf32>, vector<16xi32>)
          %rev3A = arith.constant 15 : i32
          %rev3A_1027 = vector.broadcast %rev3A : i32 to vector<16xi32>
          %rev3A_1028 = tpu.iota {dimensions = array<i32: 0>} : vector<16xi32>
          %rev3A_1029 = arith.subi %rev3A_1027, %rev3A_1028 : vector<16xi32>
          %rev3A_1030 = tpu.dynamic_gather %scan3A_988[%rev3A_1029] in [0] : vector<16xf32>, vector<16xi32> -> vector<16xf32>
          %rev3A_1031 = arith.constant 15 : i32
          %rev3A_1032 = vector.broadcast %rev3A_1031 : i32 to vector<16xi32>
          %rev3A_1033 = tpu.iota {dimensions = array<i32: 0>} : vector<16xi32>
          %rev3A_1034 = arith.subi %rev3A_1032, %rev3A_1033 : vector<16xi32>
          %rev3A_1035 = tpu.dynamic_gather %scan3A_989[%rev3A_1034] in [0] : vector<16xi32>, vector<16xi32> -> vector<16xi32>
          %lt3A_1036 = arith.cmpf olt, %masked_sort3A_1025, %rev3A_1030 : vector<16xf32>
          %select_n3A_1037 = arith.select %lt3A_1036, %masked_sort3A_1025, %rev3A_1030 : vector<16xi1>, vector<16xf32>
          %select_n3A_1038 = arith.select %lt3A_1036, %masked_sort3A_1026, %rev3A_1035 : vector<16xi1>, vector<16xi32>
          %masked_sort3A_1039 = arith.constant dense<true> : vector<16xi1>
          %masked_sort3A_1040, %masked_sort3A_1041, %masked_sort3A_1042 = tpu.sort %select_n3A_1037, %select_n3A_1038 masked %masked_sort3A_1039 : (vector<16xf32>, vector<16xi32>, vector<16xi1>) -> (vector<16xi1>, vector<16xf32>, vector<16xi32>)
          %slice3A_1043 = vector.extract_strided_slice %masked_sort3A_1041 {offsets = [15], sizes = [1], strides = [1]} : vector<16xf32> to vector<1xf32>
          %squeeze3A_1044 = vector.extract %slice3A_1043[0] : f32 from vector<1xf32>
          scf.yield %masked_sort3A_1041, %masked_sort3A_1042, %squeeze3A_1044 : vector<16xf32>, vector<16xi32>, f32
        } else {
          scf.yield %scan3A_988, %scan3A_989, %scan3A_990 : vector<16xf32>, vector<16xi32>, f32
        }
        scf.yield %cond3A_1021#0, %cond3A_1021#1, %cond3A_1021#2 : vector<16xf32>, vector<16xi32>, f32
      }
      %scan3A_577 = arith.constant 512 : i32
      %mul3A_578 = arith.constant 16 : i32
      %mul3A_579 = arith.muli %add3A_566, %mul3A_578 : i32
      %bitcast_convert_type3A_580 = tpu.bitcast %scan3A_576#0 : vector<16xf32> -> vector<16xi32>
      %shift_right_logical3A_581 = arith.constant 1 : i32
      %shift_right_logical3A_582 = vector.broadcast %shift_right_logical3A_581 : i32 to vector<16xi32>
      %shift_right_logical3A_583 = arith.shrui %bitcast_convert_type3A_580, %shift_right_logical3A_582 : vector<16xi32>
      %add3A_584 = arith.constant 532487670 : i32
      %add3A_585 = vector.broadcast %add3A_584 : i32 to vector<16xi32>
      %add3A_586 = arith.addi %shift_right_logical3A_583, %add3A_585 : vector<16xi32>
      %bitcast_convert_type3A_587 = tpu.bitcast %add3A_586 : vector<16xi32> -> vector<16xf32>
      %div3A_588 = arith.divf %scan3A_576#0, %bitcast_convert_type3A_587 : vector<16xf32>
      %add3A_589 = arith.addf %bitcast_convert_type3A_587, %div3A_588 : vector<16xf32>
      %mul3A_590 = arith.constant 5.000000e-01 : f32
      %mul3A_591 = vector.broadcast %mul3A_590 : f32 to vector<16xf32>
      %mul3A_592 = arith.mulf %mul3A_591, %add3A_589 : vector<16xf32>
      %div3A_593 = arith.divf %scan3A_576#0, %mul3A_592 : vector<16xf32>
      %add3A_594 = arith.addf %mul3A_592, %div3A_593 : vector<16xf32>
      %mul3A_595 = arith.constant 5.000000e-01 : f32
      %mul3A_596 = vector.broadcast %mul3A_595 : f32 to vector<16xf32>
      %mul3A_597 = arith.mulf %mul3A_596, %add3A_594 : vector<16xf32>
      %div3A_598 = arith.divf %scan3A_576#0, %mul3A_597 : vector<16xf32>
      %add3A_599 = arith.addf %mul3A_597, %div3A_598 : vector<16xf32>
      %mul3A_600 = arith.constant 5.000000e-01 : f32
      %mul3A_601 = vector.broadcast %mul3A_600 : f32 to vector<16xf32>
      %mul3A_602 = arith.mulf %mul3A_601, %add3A_599 : vector<16xf32>
      %gt3A_603 = arith.constant 0.000000e+00 : f32
      %gt3A_604 = vector.broadcast %gt3A_603 : f32 to vector<16xf32>
      %gt3A_605 = arith.cmpf ogt, %scan3A_576#0, %gt3A_604 : vector<16xf32>
      %broadcast_in_dim3A_606 = arith.constant 0.000000e+00 : f32
      %broadcast_in_dim3A_607 = vector.broadcast %broadcast_in_dim3A_606 : f32 to vector<16xf32>
      %select_n3A_608 = arith.select %gt3A_605, %mul3A_602, %broadcast_in_dim3A_607 : vector<16xi1>, vector<16xf32>
      %swap3A_609 = arith.index_cast %mul3A_579 : i32 to index
      %swap3A_610 = tpu.vector_load %arg18[%swap3A_609] {strides = array<i32>} : memref<4096xf32, #tpu.memory_space<vmem>>, vector<16xf32>,
      tpu.vector_store %arg18[%swap3A_609], %select_n3A_608 {strides = array<i32>} : memref<4096xf32, #tpu.memory_space<vmem>>, vector<16xf32>,
      %gather3A_611 = tpu.vector_load_idx %arg12[%scan3A_576#1] : memref<8192xf32, #tpu.memory_space<vmem>>[vector<16xi32>], vector<16xf32>,
      %swap3A_612 = arith.index_cast %mul3A_579 : i32 to index
      %swap3A_613 = tpu.vector_load %arg19[%swap3A_612] {strides = array<i32>} : memref<4096xf32, #tpu.memory_space<vmem>>, vector<16xf32>,
      tpu.vector_store %arg19[%swap3A_612], %gather3A_611 {strides = array<i32>} : memref<4096xf32, #tpu.memory_space<vmem>>, vector<16xf32>,
      %gather3A_614 = tpu.vector_load_idx %arg13[%scan3A_576#1] : memref<8192xf32, #tpu.memory_space<vmem>>[vector<16xi32>], vector<16xf32>,
      %swap3A_615 = arith.index_cast %mul3A_579 : i32 to index
      %swap3A_616 = tpu.vector_load %arg20[%swap3A_615] {strides = array<i32>} : memref<4096xf32, #tpu.memory_space<vmem>>, vector<16xf32>,
      tpu.vector_store %arg20[%swap3A_615], %gather3A_614 {strides = array<i32>} : memref<4096xf32, #tpu.memory_space<vmem>>, vector<16xf32>,
      %gather3A_617 = tpu.vector_load_idx %arg14[%scan3A_576#1] : memref<8192xf32, #tpu.memory_space<vmem>>[vector<16xi32>], vector<16xf32>,
      %swap3A_618 = arith.index_cast %mul3A_579 : i32 to index
      %swap3A_619 = tpu.vector_load %arg21[%swap3A_618] {strides = array<i32>} : memref<4096xf32, #tpu.memory_space<vmem>>, vector<16xf32>,
      tpu.vector_store %arg21[%swap3A_618], %gather3A_617 {strides = array<i32>} : memref<4096xf32, #tpu.memory_space<vmem>>, vector<16xf32>,
      %slice3A_620 = vector.extract_strided_slice %get3A_15 {offsets = [10], sizes = [1], strides = [1]} : vector<16xf32> to vector<1xf32>
      %squeeze3A_621 = vector.extract %slice3A_620[0] : f32 from vector<1xf32>
      %slice3A_622 = vector.extract_strided_slice %get3A_17 {offsets = [10], sizes = [1], strides = [1]} : vector<16xf32> to vector<1xf32>
      %squeeze3A_623 = vector.extract %slice3A_622[0] : f32 from vector<1xf32>
      %slice3A_624 = vector.extract_strided_slice %get3A_19 {offsets = [10], sizes = [1], strides = [1]} : vector<16xf32> to vector<1xf32>
      %squeeze3A_625 = vector.extract %slice3A_624[0] : f32 from vector<1xf32>
      %add3A_626 = arith.constant 10 : i32
      %add3A_627 = arith.addi %mul3A_14, %add3A_626 : i32
      %broadcast_in_dim3A_628 = arith.constant 0x7F800000 : f32
      %broadcast_in_dim3A_629 = vector.broadcast %broadcast_in_dim3A_628 : f32 to vector<16xf32>
      %broadcast_in_dim3A_630 = arith.constant 0 : i32
      %broadcast_in_dim3A_631 = vector.broadcast %broadcast_in_dim3A_630 : i32 to vector<16xi32>
      %scan3A_632 = arith.constant 0x7F800000 : f32
      %scan3A_633 = arith.constant 0 : i32
      %scan3A_634 = arith.constant 512 : i32
      %scan3A_635 = arith.addi %scan3A_633, %scan3A_634 : i32
      %scan3A_636 = arith.constant 1 : i32
      %scan3A_637:3 = scf.for %scan3A_987 = %scan3A_633 to %scan3A_635 step %scan3A_636 iter_args(%scan3A_988 = %broadcast_in_dim3A_629, %scan3A_989 = %broadcast_in_dim3A_631, %scan3A_990 = %scan3A_632) -> (vector<16xf32>, vector<16xi32>, f32)  : i32 {
        %mul3A_991 = arith.constant 16 : i32
        %mul3A_992 = arith.muli %scan3A_987, %mul3A_991 : i32
        %get3A_993 = arith.index_cast %mul3A_992 : i32 to index
        %get3A_994 = tpu.vector_load %arg12[%get3A_993] {strides = array<i32>} : memref<8192xf32, #tpu.memory_space<vmem>>, vector<16xf32>,
        %sub3A = vector.broadcast %squeeze3A_621 : f32 to vector<16xf32>
        %sub3A_995 = arith.subf %get3A_994, %sub3A : vector<16xf32>
        %mul3A_996 = arith.mulf %sub3A_995, %sub3A_995 : vector<16xf32>
        %get3A_997 = arith.index_cast %mul3A_992 : i32 to index
        %get3A_998 = tpu.vector_load %arg13[%get3A_997] {strides = array<i32>} : memref<8192xf32, #tpu.memory_space<vmem>>, vector<16xf32>,
        %sub3A_999 = vector.broadcast %squeeze3A_623 : f32 to vector<16xf32>
        %sub3A_1000 = arith.subf %get3A_998, %sub3A_999 : vector<16xf32>
        %mul3A_1001 = arith.mulf %sub3A_1000, %sub3A_1000 : vector<16xf32>
        %add3A_1002 = arith.addf %mul3A_996, %mul3A_1001 : vector<16xf32>
        %get3A_1003 = arith.index_cast %mul3A_992 : i32 to index
        %get3A_1004 = tpu.vector_load %arg14[%get3A_1003] {strides = array<i32>} : memref<8192xf32, #tpu.memory_space<vmem>>, vector<16xf32>,
        %sub3A_1005 = vector.broadcast %squeeze3A_625 : f32 to vector<16xf32>
        %sub3A_1006 = arith.subf %get3A_1004, %sub3A_1005 : vector<16xf32>
        %mul3A_1007 = arith.mulf %sub3A_1006, %sub3A_1006 : vector<16xf32>
        %add3A_1008 = arith.addf %add3A_1002, %mul3A_1007 : vector<16xf32>
        %lt3A = vector.broadcast %scan3A_990 : f32 to vector<16xf32>
        %lt3A_1009 = arith.cmpf olt, %add3A_1008, %lt3A : vector<16xf32>
        %reduce_or3A = arith.constant 1.000000e+00 : f32
        %reduce_or3A_1010 = arith.constant 0.000000e+00 : f32
        %reduce_or3A_1011 = vector.broadcast %reduce_or3A : f32 to vector<16xf32>
        %reduce_or3A_1012 = vector.broadcast %reduce_or3A_1010 : f32 to vector<16xf32>
        %reduce_or3A_1013 = arith.select %lt3A_1009, %reduce_or3A_1011, %reduce_or3A_1012 : vector<16xi1>, vector<16xf32>
        %reduce_or3A_1014 = arith.constant true
        %reduce_or3A_1015 = vector.broadcast %reduce_or3A_1014 : i1 to vector<16xi1>
        %reduce_or3A_1016 = tpu.scan <max>, %reduce_or3A_1013 masked %reduce_or3A_1015 : vector<16xf32>, vector<16xi1> -> vector<16xf32>
        %reduce_or3A_1017 = vector.extract %reduce_or3A_1016[15] : f32 from vector<16xf32>
        %reduce_or3A_1018 = arith.constant 0.000000e+00 : f32
        %reduce_or3A_1019 = arith.cmpf ogt, %reduce_or3A_1017, %reduce_or3A_1018 : f32
        %convert_element_type3A = arith.extui %reduce_or3A_1019 : i1 to i32
        %cond3A = arith.constant 0 : i32
        %cond3A_1020 = arith.cmpi ne, %convert_element_type3A, %cond3A : i32
        %cond3A_1021:3 = scf.if %cond3A_1020 -> (vector<16xf32>, vector<16xi32>, f32) {
          %add3A_1022 = vector.broadcast %mul3A_992 : i32 to vector<16xi32>
          %add3A_1023 = arith.addi %iota3A, %add3A_1022 : vector<16xi32>
          %masked_sort3A = arith.constant dense<true> : vector<16xi1>
          %masked_sort3A_1024, %masked_sort3A_1025, %masked_sort3A_1026 = tpu.sort %add3A_1008, %add3A_1023 masked %masked_sort3A : (vector<16xf32>, vector<16xi32>, vector<16xi1>) -> (vector<16xi1>, vector<16xf32>, vector<16xi32>)
          %rev3A = arith.constant 15 : i32
          %rev3A_1027 = vector.broadcast %rev3A : i32 to vector<16xi32>
          %rev3A_1028 = tpu.iota {dimensions = array<i32: 0>} : vector<16xi32>
          %rev3A_1029 = arith.subi %rev3A_1027, %rev3A_1028 : vector<16xi32>
          %rev3A_1030 = tpu.dynamic_gather %scan3A_988[%rev3A_1029] in [0] : vector<16xf32>, vector<16xi32> -> vector<16xf32>
          %rev3A_1031 = arith.constant 15 : i32
          %rev3A_1032 = vector.broadcast %rev3A_1031 : i32 to vector<16xi32>
          %rev3A_1033 = tpu.iota {dimensions = array<i32: 0>} : vector<16xi32>
          %rev3A_1034 = arith.subi %rev3A_1032, %rev3A_1033 : vector<16xi32>
          %rev3A_1035 = tpu.dynamic_gather %scan3A_989[%rev3A_1034] in [0] : vector<16xi32>, vector<16xi32> -> vector<16xi32>
          %lt3A_1036 = arith.cmpf olt, %masked_sort3A_1025, %rev3A_1030 : vector<16xf32>
          %select_n3A_1037 = arith.select %lt3A_1036, %masked_sort3A_1025, %rev3A_1030 : vector<16xi1>, vector<16xf32>
          %select_n3A_1038 = arith.select %lt3A_1036, %masked_sort3A_1026, %rev3A_1035 : vector<16xi1>, vector<16xi32>
          %masked_sort3A_1039 = arith.constant dense<true> : vector<16xi1>
          %masked_sort3A_1040, %masked_sort3A_1041, %masked_sort3A_1042 = tpu.sort %select_n3A_1037, %select_n3A_1038 masked %masked_sort3A_1039 : (vector<16xf32>, vector<16xi32>, vector<16xi1>) -> (vector<16xi1>, vector<16xf32>, vector<16xi32>)
          %slice3A_1043 = vector.extract_strided_slice %masked_sort3A_1041 {offsets = [15], sizes = [1], strides = [1]} : vector<16xf32> to vector<1xf32>
          %squeeze3A_1044 = vector.extract %slice3A_1043[0] : f32 from vector<1xf32>
          scf.yield %masked_sort3A_1041, %masked_sort3A_1042, %squeeze3A_1044 : vector<16xf32>, vector<16xi32>, f32
        } else {
          scf.yield %scan3A_988, %scan3A_989, %scan3A_990 : vector<16xf32>, vector<16xi32>, f32
        }
        scf.yield %cond3A_1021#0, %cond3A_1021#1, %cond3A_1021#2 : vector<16xf32>, vector<16xi32>, f32
      }
      %scan3A_638 = arith.constant 512 : i32
      %mul3A_639 = arith.constant 16 : i32
      %mul3A_640 = arith.muli %add3A_627, %mul3A_639 : i32
      %bitcast_convert_type3A_641 = tpu.bitcast %scan3A_637#0 : vector<16xf32> -> vector<16xi32>
      %shift_right_logical3A_642 = arith.constant 1 : i32
      %shift_right_logical3A_643 = vector.broadcast %shift_right_logical3A_642 : i32 to vector<16xi32>
      %shift_right_logical3A_644 = arith.shrui %bitcast_convert_type3A_641, %shift_right_logical3A_643 : vector<16xi32>
      %add3A_645 = arith.constant 532487670 : i32
      %add3A_646 = vector.broadcast %add3A_645 : i32 to vector<16xi32>
      %add3A_647 = arith.addi %shift_right_logical3A_644, %add3A_646 : vector<16xi32>
      %bitcast_convert_type3A_648 = tpu.bitcast %add3A_647 : vector<16xi32> -> vector<16xf32>
      %div3A_649 = arith.divf %scan3A_637#0, %bitcast_convert_type3A_648 : vector<16xf32>
      %add3A_650 = arith.addf %bitcast_convert_type3A_648, %div3A_649 : vector<16xf32>
      %mul3A_651 = arith.constant 5.000000e-01 : f32
      %mul3A_652 = vector.broadcast %mul3A_651 : f32 to vector<16xf32>
      %mul3A_653 = arith.mulf %mul3A_652, %add3A_650 : vector<16xf32>
      %div3A_654 = arith.divf %scan3A_637#0, %mul3A_653 : vector<16xf32>
      %add3A_655 = arith.addf %mul3A_653, %div3A_654 : vector<16xf32>
      %mul3A_656 = arith.constant 5.000000e-01 : f32
      %mul3A_657 = vector.broadcast %mul3A_656 : f32 to vector<16xf32>
      %mul3A_658 = arith.mulf %mul3A_657, %add3A_655 : vector<16xf32>
      %div3A_659 = arith.divf %scan3A_637#0, %mul3A_658 : vector<16xf32>
      %add3A_660 = arith.addf %mul3A_658, %div3A_659 : vector<16xf32>
      %mul3A_661 = arith.constant 5.000000e-01 : f32
      %mul3A_662 = vector.broadcast %mul3A_661 : f32 to vector<16xf32>
      %mul3A_663 = arith.mulf %mul3A_662, %add3A_660 : vector<16xf32>
      %gt3A_664 = arith.constant 0.000000e+00 : f32
      %gt3A_665 = vector.broadcast %gt3A_664 : f32 to vector<16xf32>
      %gt3A_666 = arith.cmpf ogt, %scan3A_637#0, %gt3A_665 : vector<16xf32>
      %broadcast_in_dim3A_667 = arith.constant 0.000000e+00 : f32
      %broadcast_in_dim3A_668 = vector.broadcast %broadcast_in_dim3A_667 : f32 to vector<16xf32>
      %select_n3A_669 = arith.select %gt3A_666, %mul3A_663, %broadcast_in_dim3A_668 : vector<16xi1>, vector<16xf32>
      %swap3A_670 = arith.index_cast %mul3A_640 : i32 to index
      %swap3A_671 = tpu.vector_load %arg18[%swap3A_670] {strides = array<i32>} : memref<4096xf32, #tpu.memory_space<vmem>>, vector<16xf32>,
      tpu.vector_store %arg18[%swap3A_670], %select_n3A_669 {strides = array<i32>} : memref<4096xf32, #tpu.memory_space<vmem>>, vector<16xf32>,
      %gather3A_672 = tpu.vector_load_idx %arg12[%scan3A_637#1] : memref<8192xf32, #tpu.memory_space<vmem>>[vector<16xi32>], vector<16xf32>,
      %swap3A_673 = arith.index_cast %mul3A_640 : i32 to index
      %swap3A_674 = tpu.vector_load %arg19[%swap3A_673] {strides = array<i32>} : memref<4096xf32, #tpu.memory_space<vmem>>, vector<16xf32>,
      tpu.vector_store %arg19[%swap3A_673], %gather3A_672 {strides = array<i32>} : memref<4096xf32, #tpu.memory_space<vmem>>, vector<16xf32>,
      %gather3A_675 = tpu.vector_load_idx %arg13[%scan3A_637#1] : memref<8192xf32, #tpu.memory_space<vmem>>[vector<16xi32>], vector<16xf32>,
      %swap3A_676 = arith.index_cast %mul3A_640 : i32 to index
      %swap3A_677 = tpu.vector_load %arg20[%swap3A_676] {strides = array<i32>} : memref<4096xf32, #tpu.memory_space<vmem>>, vector<16xf32>,
      tpu.vector_store %arg20[%swap3A_676], %gather3A_675 {strides = array<i32>} : memref<4096xf32, #tpu.memory_space<vmem>>, vector<16xf32>,
      %gather3A_678 = tpu.vector_load_idx %arg14[%scan3A_637#1] : memref<8192xf32, #tpu.memory_space<vmem>>[vector<16xi32>], vector<16xf32>,
      %swap3A_679 = arith.index_cast %mul3A_640 : i32 to index
      %swap3A_680 = tpu.vector_load %arg21[%swap3A_679] {strides = array<i32>} : memref<4096xf32, #tpu.memory_space<vmem>>, vector<16xf32>,
      tpu.vector_store %arg21[%swap3A_679], %gather3A_678 {strides = array<i32>} : memref<4096xf32, #tpu.memory_space<vmem>>, vector<16xf32>,
      %slice3A_681 = vector.extract_strided_slice %get3A_15 {offsets = [11], sizes = [1], strides = [1]} : vector<16xf32> to vector<1xf32>
      %squeeze3A_682 = vector.extract %slice3A_681[0] : f32 from vector<1xf32>
      %slice3A_683 = vector.extract_strided_slice %get3A_17 {offsets = [11], sizes = [1], strides = [1]} : vector<16xf32> to vector<1xf32>
      %squeeze3A_684 = vector.extract %slice3A_683[0] : f32 from vector<1xf32>
      %slice3A_685 = vector.extract_strided_slice %get3A_19 {offsets = [11], sizes = [1], strides = [1]} : vector<16xf32> to vector<1xf32>
      %squeeze3A_686 = vector.extract %slice3A_685[0] : f32 from vector<1xf32>
      %add3A_687 = arith.constant 11 : i32
      %add3A_688 = arith.addi %mul3A_14, %add3A_687 : i32
      %broadcast_in_dim3A_689 = arith.constant 0x7F800000 : f32
      %broadcast_in_dim3A_690 = vector.broadcast %broadcast_in_dim3A_689 : f32 to vector<16xf32>
      %broadcast_in_dim3A_691 = arith.constant 0 : i32
      %broadcast_in_dim3A_692 = vector.broadcast %broadcast_in_dim3A_691 : i32 to vector<16xi32>
      %scan3A_693 = arith.constant 0x7F800000 : f32
      %scan3A_694 = arith.constant 0 : i32
      %scan3A_695 = arith.constant 512 : i32
      %scan3A_696 = arith.addi %scan3A_694, %scan3A_695 : i32
      %scan3A_697 = arith.constant 1 : i32
      %scan3A_698:3 = scf.for %scan3A_987 = %scan3A_694 to %scan3A_696 step %scan3A_697 iter_args(%scan3A_988 = %broadcast_in_dim3A_690, %scan3A_989 = %broadcast_in_dim3A_692, %scan3A_990 = %scan3A_693) -> (vector<16xf32>, vector<16xi32>, f32)  : i32 {
        %mul3A_991 = arith.constant 16 : i32
        %mul3A_992 = arith.muli %scan3A_987, %mul3A_991 : i32
        %get3A_993 = arith.index_cast %mul3A_992 : i32 to index
        %get3A_994 = tpu.vector_load %arg12[%get3A_993] {strides = array<i32>} : memref<8192xf32, #tpu.memory_space<vmem>>, vector<16xf32>,
        %sub3A = vector.broadcast %squeeze3A_682 : f32 to vector<16xf32>
        %sub3A_995 = arith.subf %get3A_994, %sub3A : vector<16xf32>
        %mul3A_996 = arith.mulf %sub3A_995, %sub3A_995 : vector<16xf32>
        %get3A_997 = arith.index_cast %mul3A_992 : i32 to index
        %get3A_998 = tpu.vector_load %arg13[%get3A_997] {strides = array<i32>} : memref<8192xf32, #tpu.memory_space<vmem>>, vector<16xf32>,
        %sub3A_999 = vector.broadcast %squeeze3A_684 : f32 to vector<16xf32>
        %sub3A_1000 = arith.subf %get3A_998, %sub3A_999 : vector<16xf32>
        %mul3A_1001 = arith.mulf %sub3A_1000, %sub3A_1000 : vector<16xf32>
        %add3A_1002 = arith.addf %mul3A_996, %mul3A_1001 : vector<16xf32>
        %get3A_1003 = arith.index_cast %mul3A_992 : i32 to index
        %get3A_1004 = tpu.vector_load %arg14[%get3A_1003] {strides = array<i32>} : memref<8192xf32, #tpu.memory_space<vmem>>, vector<16xf32>,
        %sub3A_1005 = vector.broadcast %squeeze3A_686 : f32 to vector<16xf32>
        %sub3A_1006 = arith.subf %get3A_1004, %sub3A_1005 : vector<16xf32>
        %mul3A_1007 = arith.mulf %sub3A_1006, %sub3A_1006 : vector<16xf32>
        %add3A_1008 = arith.addf %add3A_1002, %mul3A_1007 : vector<16xf32>
        %lt3A = vector.broadcast %scan3A_990 : f32 to vector<16xf32>
        %lt3A_1009 = arith.cmpf olt, %add3A_1008, %lt3A : vector<16xf32>
        %reduce_or3A = arith.constant 1.000000e+00 : f32
        %reduce_or3A_1010 = arith.constant 0.000000e+00 : f32
        %reduce_or3A_1011 = vector.broadcast %reduce_or3A : f32 to vector<16xf32>
        %reduce_or3A_1012 = vector.broadcast %reduce_or3A_1010 : f32 to vector<16xf32>
        %reduce_or3A_1013 = arith.select %lt3A_1009, %reduce_or3A_1011, %reduce_or3A_1012 : vector<16xi1>, vector<16xf32>
        %reduce_or3A_1014 = arith.constant true
        %reduce_or3A_1015 = vector.broadcast %reduce_or3A_1014 : i1 to vector<16xi1>
        %reduce_or3A_1016 = tpu.scan <max>, %reduce_or3A_1013 masked %reduce_or3A_1015 : vector<16xf32>, vector<16xi1> -> vector<16xf32>
        %reduce_or3A_1017 = vector.extract %reduce_or3A_1016[15] : f32 from vector<16xf32>
        %reduce_or3A_1018 = arith.constant 0.000000e+00 : f32
        %reduce_or3A_1019 = arith.cmpf ogt, %reduce_or3A_1017, %reduce_or3A_1018 : f32
        %convert_element_type3A = arith.extui %reduce_or3A_1019 : i1 to i32
        %cond3A = arith.constant 0 : i32
        %cond3A_1020 = arith.cmpi ne, %convert_element_type3A, %cond3A : i32
        %cond3A_1021:3 = scf.if %cond3A_1020 -> (vector<16xf32>, vector<16xi32>, f32) {
          %add3A_1022 = vector.broadcast %mul3A_992 : i32 to vector<16xi32>
          %add3A_1023 = arith.addi %iota3A, %add3A_1022 : vector<16xi32>
          %masked_sort3A = arith.constant dense<true> : vector<16xi1>
          %masked_sort3A_1024, %masked_sort3A_1025, %masked_sort3A_1026 = tpu.sort %add3A_1008, %add3A_1023 masked %masked_sort3A : (vector<16xf32>, vector<16xi32>, vector<16xi1>) -> (vector<16xi1>, vector<16xf32>, vector<16xi32>)
          %rev3A = arith.constant 15 : i32
          %rev3A_1027 = vector.broadcast %rev3A : i32 to vector<16xi32>
          %rev3A_1028 = tpu.iota {dimensions = array<i32: 0>} : vector<16xi32>
          %rev3A_1029 = arith.subi %rev3A_1027, %rev3A_1028 : vector<16xi32>
          %rev3A_1030 = tpu.dynamic_gather %scan3A_988[%rev3A_1029] in [0] : vector<16xf32>, vector<16xi32> -> vector<16xf32>
          %rev3A_1031 = arith.constant 15 : i32
          %rev3A_1032 = vector.broadcast %rev3A_1031 : i32 to vector<16xi32>
          %rev3A_1033 = tpu.iota {dimensions = array<i32: 0>} : vector<16xi32>
          %rev3A_1034 = arith.subi %rev3A_1032, %rev3A_1033 : vector<16xi32>
          %rev3A_1035 = tpu.dynamic_gather %scan3A_989[%rev3A_1034] in [0] : vector<16xi32>, vector<16xi32> -> vector<16xi32>
          %lt3A_1036 = arith.cmpf olt, %masked_sort3A_1025, %rev3A_1030 : vector<16xf32>
          %select_n3A_1037 = arith.select %lt3A_1036, %masked_sort3A_1025, %rev3A_1030 : vector<16xi1>, vector<16xf32>
          %select_n3A_1038 = arith.select %lt3A_1036, %masked_sort3A_1026, %rev3A_1035 : vector<16xi1>, vector<16xi32>
          %masked_sort3A_1039 = arith.constant dense<true> : vector<16xi1>
          %masked_sort3A_1040, %masked_sort3A_1041, %masked_sort3A_1042 = tpu.sort %select_n3A_1037, %select_n3A_1038 masked %masked_sort3A_1039 : (vector<16xf32>, vector<16xi32>, vector<16xi1>) -> (vector<16xi1>, vector<16xf32>, vector<16xi32>)
          %slice3A_1043 = vector.extract_strided_slice %masked_sort3A_1041 {offsets = [15], sizes = [1], strides = [1]} : vector<16xf32> to vector<1xf32>
          %squeeze3A_1044 = vector.extract %slice3A_1043[0] : f32 from vector<1xf32>
          scf.yield %masked_sort3A_1041, %masked_sort3A_1042, %squeeze3A_1044 : vector<16xf32>, vector<16xi32>, f32
        } else {
          scf.yield %scan3A_988, %scan3A_989, %scan3A_990 : vector<16xf32>, vector<16xi32>, f32
        }
        scf.yield %cond3A_1021#0, %cond3A_1021#1, %cond3A_1021#2 : vector<16xf32>, vector<16xi32>, f32
      }
      %scan3A_699 = arith.constant 512 : i32
      %mul3A_700 = arith.constant 16 : i32
      %mul3A_701 = arith.muli %add3A_688, %mul3A_700 : i32
      %bitcast_convert_type3A_702 = tpu.bitcast %scan3A_698#0 : vector<16xf32> -> vector<16xi32>
      %shift_right_logical3A_703 = arith.constant 1 : i32
      %shift_right_logical3A_704 = vector.broadcast %shift_right_logical3A_703 : i32 to vector<16xi32>
      %shift_right_logical3A_705 = arith.shrui %bitcast_convert_type3A_702, %shift_right_logical3A_704 : vector<16xi32>
      %add3A_706 = arith.constant 532487670 : i32
      %add3A_707 = vector.broadcast %add3A_706 : i32 to vector<16xi32>
      %add3A_708 = arith.addi %shift_right_logical3A_705, %add3A_707 : vector<16xi32>
      %bitcast_convert_type3A_709 = tpu.bitcast %add3A_708 : vector<16xi32> -> vector<16xf32>
      %div3A_710 = arith.divf %scan3A_698#0, %bitcast_convert_type3A_709 : vector<16xf32>
      %add3A_711 = arith.addf %bitcast_convert_type3A_709, %div3A_710 : vector<16xf32>
      %mul3A_712 = arith.constant 5.000000e-01 : f32
      %mul3A_713 = vector.broadcast %mul3A_712 : f32 to vector<16xf32>
      %mul3A_714 = arith.mulf %mul3A_713, %add3A_711 : vector<16xf32>
      %div3A_715 = arith.divf %scan3A_698#0, %mul3A_714 : vector<16xf32>
      %add3A_716 = arith.addf %mul3A_714, %div3A_715 : vector<16xf32>
      %mul3A_717 = arith.constant 5.000000e-01 : f32
      %mul3A_718 = vector.broadcast %mul3A_717 : f32 to vector<16xf32>
      %mul3A_719 = arith.mulf %mul3A_718, %add3A_716 : vector<16xf32>
      %div3A_720 = arith.divf %scan3A_698#0, %mul3A_719 : vector<16xf32>
      %add3A_721 = arith.addf %mul3A_719, %div3A_720 : vector<16xf32>
      %mul3A_722 = arith.constant 5.000000e-01 : f32
      %mul3A_723 = vector.broadcast %mul3A_722 : f32 to vector<16xf32>
      %mul3A_724 = arith.mulf %mul3A_723, %add3A_721 : vector<16xf32>
      %gt3A_725 = arith.constant 0.000000e+00 : f32
      %gt3A_726 = vector.broadcast %gt3A_725 : f32 to vector<16xf32>
      %gt3A_727 = arith.cmpf ogt, %scan3A_698#0, %gt3A_726 : vector<16xf32>
      %broadcast_in_dim3A_728 = arith.constant 0.000000e+00 : f32
      %broadcast_in_dim3A_729 = vector.broadcast %broadcast_in_dim3A_728 : f32 to vector<16xf32>
      %select_n3A_730 = arith.select %gt3A_727, %mul3A_724, %broadcast_in_dim3A_729 : vector<16xi1>, vector<16xf32>
      %swap3A_731 = arith.index_cast %mul3A_701 : i32 to index
      %swap3A_732 = tpu.vector_load %arg18[%swap3A_731] {strides = array<i32>} : memref<4096xf32, #tpu.memory_space<vmem>>, vector<16xf32>,
      tpu.vector_store %arg18[%swap3A_731], %select_n3A_730 {strides = array<i32>} : memref<4096xf32, #tpu.memory_space<vmem>>, vector<16xf32>,
      %gather3A_733 = tpu.vector_load_idx %arg12[%scan3A_698#1] : memref<8192xf32, #tpu.memory_space<vmem>>[vector<16xi32>], vector<16xf32>,
      %swap3A_734 = arith.index_cast %mul3A_701 : i32 to index
      %swap3A_735 = tpu.vector_load %arg19[%swap3A_734] {strides = array<i32>} : memref<4096xf32, #tpu.memory_space<vmem>>, vector<16xf32>,
      tpu.vector_store %arg19[%swap3A_734], %gather3A_733 {strides = array<i32>} : memref<4096xf32, #tpu.memory_space<vmem>>, vector<16xf32>,
      %gather3A_736 = tpu.vector_load_idx %arg13[%scan3A_698#1] : memref<8192xf32, #tpu.memory_space<vmem>>[vector<16xi32>], vector<16xf32>,
      %swap3A_737 = arith.index_cast %mul3A_701 : i32 to index
      %swap3A_738 = tpu.vector_load %arg20[%swap3A_737] {strides = array<i32>} : memref<4096xf32, #tpu.memory_space<vmem>>, vector<16xf32>,
      tpu.vector_store %arg20[%swap3A_737], %gather3A_736 {strides = array<i32>} : memref<4096xf32, #tpu.memory_space<vmem>>, vector<16xf32>,
      %gather3A_739 = tpu.vector_load_idx %arg14[%scan3A_698#1] : memref<8192xf32, #tpu.memory_space<vmem>>[vector<16xi32>], vector<16xf32>,
      %swap3A_740 = arith.index_cast %mul3A_701 : i32 to index
      %swap3A_741 = tpu.vector_load %arg21[%swap3A_740] {strides = array<i32>} : memref<4096xf32, #tpu.memory_space<vmem>>, vector<16xf32>,
      tpu.vector_store %arg21[%swap3A_740], %gather3A_739 {strides = array<i32>} : memref<4096xf32, #tpu.memory_space<vmem>>, vector<16xf32>,
      %slice3A_742 = vector.extract_strided_slice %get3A_15 {offsets = [12], sizes = [1], strides = [1]} : vector<16xf32> to vector<1xf32>
      %squeeze3A_743 = vector.extract %slice3A_742[0] : f32 from vector<1xf32>
      %slice3A_744 = vector.extract_strided_slice %get3A_17 {offsets = [12], sizes = [1], strides = [1]} : vector<16xf32> to vector<1xf32>
      %squeeze3A_745 = vector.extract %slice3A_744[0] : f32 from vector<1xf32>
      %slice3A_746 = vector.extract_strided_slice %get3A_19 {offsets = [12], sizes = [1], strides = [1]} : vector<16xf32> to vector<1xf32>
      %squeeze3A_747 = vector.extract %slice3A_746[0] : f32 from vector<1xf32>
      %add3A_748 = arith.constant 12 : i32
      %add3A_749 = arith.addi %mul3A_14, %add3A_748 : i32
      %broadcast_in_dim3A_750 = arith.constant 0x7F800000 : f32
      %broadcast_in_dim3A_751 = vector.broadcast %broadcast_in_dim3A_750 : f32 to vector<16xf32>
      %broadcast_in_dim3A_752 = arith.constant 0 : i32
      %broadcast_in_dim3A_753 = vector.broadcast %broadcast_in_dim3A_752 : i32 to vector<16xi32>
      %scan3A_754 = arith.constant 0x7F800000 : f32
      %scan3A_755 = arith.constant 0 : i32
      %scan3A_756 = arith.constant 512 : i32
      %scan3A_757 = arith.addi %scan3A_755, %scan3A_756 : i32
      %scan3A_758 = arith.constant 1 : i32
      %scan3A_759:3 = scf.for %scan3A_987 = %scan3A_755 to %scan3A_757 step %scan3A_758 iter_args(%scan3A_988 = %broadcast_in_dim3A_751, %scan3A_989 = %broadcast_in_dim3A_753, %scan3A_990 = %scan3A_754) -> (vector<16xf32>, vector<16xi32>, f32)  : i32 {
        %mul3A_991 = arith.constant 16 : i32
        %mul3A_992 = arith.muli %scan3A_987, %mul3A_991 : i32
        %get3A_993 = arith.index_cast %mul3A_992 : i32 to index
        %get3A_994 = tpu.vector_load %arg12[%get3A_993] {strides = array<i32>} : memref<8192xf32, #tpu.memory_space<vmem>>, vector<16xf32>,
        %sub3A = vector.broadcast %squeeze3A_743 : f32 to vector<16xf32>
        %sub3A_995 = arith.subf %get3A_994, %sub3A : vector<16xf32>
        %mul3A_996 = arith.mulf %sub3A_995, %sub3A_995 : vector<16xf32>
        %get3A_997 = arith.index_cast %mul3A_992 : i32 to index
        %get3A_998 = tpu.vector_load %arg13[%get3A_997] {strides = array<i32>} : memref<8192xf32, #tpu.memory_space<vmem>>, vector<16xf32>,
        %sub3A_999 = vector.broadcast %squeeze3A_745 : f32 to vector<16xf32>
        %sub3A_1000 = arith.subf %get3A_998, %sub3A_999 : vector<16xf32>
        %mul3A_1001 = arith.mulf %sub3A_1000, %sub3A_1000 : vector<16xf32>
        %add3A_1002 = arith.addf %mul3A_996, %mul3A_1001 : vector<16xf32>
        %get3A_1003 = arith.index_cast %mul3A_992 : i32 to index
        %get3A_1004 = tpu.vector_load %arg14[%get3A_1003] {strides = array<i32>} : memref<8192xf32, #tpu.memory_space<vmem>>, vector<16xf32>,
        %sub3A_1005 = vector.broadcast %squeeze3A_747 : f32 to vector<16xf32>
        %sub3A_1006 = arith.subf %get3A_1004, %sub3A_1005 : vector<16xf32>
        %mul3A_1007 = arith.mulf %sub3A_1006, %sub3A_1006 : vector<16xf32>
        %add3A_1008 = arith.addf %add3A_1002, %mul3A_1007 : vector<16xf32>
        %lt3A = vector.broadcast %scan3A_990 : f32 to vector<16xf32>
        %lt3A_1009 = arith.cmpf olt, %add3A_1008, %lt3A : vector<16xf32>
        %reduce_or3A = arith.constant 1.000000e+00 : f32
        %reduce_or3A_1010 = arith.constant 0.000000e+00 : f32
        %reduce_or3A_1011 = vector.broadcast %reduce_or3A : f32 to vector<16xf32>
        %reduce_or3A_1012 = vector.broadcast %reduce_or3A_1010 : f32 to vector<16xf32>
        %reduce_or3A_1013 = arith.select %lt3A_1009, %reduce_or3A_1011, %reduce_or3A_1012 : vector<16xi1>, vector<16xf32>
        %reduce_or3A_1014 = arith.constant true
        %reduce_or3A_1015 = vector.broadcast %reduce_or3A_1014 : i1 to vector<16xi1>
        %reduce_or3A_1016 = tpu.scan <max>, %reduce_or3A_1013 masked %reduce_or3A_1015 : vector<16xf32>, vector<16xi1> -> vector<16xf32>
        %reduce_or3A_1017 = vector.extract %reduce_or3A_1016[15] : f32 from vector<16xf32>
        %reduce_or3A_1018 = arith.constant 0.000000e+00 : f32
        %reduce_or3A_1019 = arith.cmpf ogt, %reduce_or3A_1017, %reduce_or3A_1018 : f32
        %convert_element_type3A = arith.extui %reduce_or3A_1019 : i1 to i32
        %cond3A = arith.constant 0 : i32
        %cond3A_1020 = arith.cmpi ne, %convert_element_type3A, %cond3A : i32
        %cond3A_1021:3 = scf.if %cond3A_1020 -> (vector<16xf32>, vector<16xi32>, f32) {
          %add3A_1022 = vector.broadcast %mul3A_992 : i32 to vector<16xi32>
          %add3A_1023 = arith.addi %iota3A, %add3A_1022 : vector<16xi32>
          %masked_sort3A = arith.constant dense<true> : vector<16xi1>
          %masked_sort3A_1024, %masked_sort3A_1025, %masked_sort3A_1026 = tpu.sort %add3A_1008, %add3A_1023 masked %masked_sort3A : (vector<16xf32>, vector<16xi32>, vector<16xi1>) -> (vector<16xi1>, vector<16xf32>, vector<16xi32>)
          %rev3A = arith.constant 15 : i32
          %rev3A_1027 = vector.broadcast %rev3A : i32 to vector<16xi32>
          %rev3A_1028 = tpu.iota {dimensions = array<i32: 0>} : vector<16xi32>
          %rev3A_1029 = arith.subi %rev3A_1027, %rev3A_1028 : vector<16xi32>
          %rev3A_1030 = tpu.dynamic_gather %scan3A_988[%rev3A_1029] in [0] : vector<16xf32>, vector<16xi32> -> vector<16xf32>
          %rev3A_1031 = arith.constant 15 : i32
          %rev3A_1032 = vector.broadcast %rev3A_1031 : i32 to vector<16xi32>
          %rev3A_1033 = tpu.iota {dimensions = array<i32: 0>} : vector<16xi32>
          %rev3A_1034 = arith.subi %rev3A_1032, %rev3A_1033 : vector<16xi32>
          %rev3A_1035 = tpu.dynamic_gather %scan3A_989[%rev3A_1034] in [0] : vector<16xi32>, vector<16xi32> -> vector<16xi32>
          %lt3A_1036 = arith.cmpf olt, %masked_sort3A_1025, %rev3A_1030 : vector<16xf32>
          %select_n3A_1037 = arith.select %lt3A_1036, %masked_sort3A_1025, %rev3A_1030 : vector<16xi1>, vector<16xf32>
          %select_n3A_1038 = arith.select %lt3A_1036, %masked_sort3A_1026, %rev3A_1035 : vector<16xi1>, vector<16xi32>
          %masked_sort3A_1039 = arith.constant dense<true> : vector<16xi1>
          %masked_sort3A_1040, %masked_sort3A_1041, %masked_sort3A_1042 = tpu.sort %select_n3A_1037, %select_n3A_1038 masked %masked_sort3A_1039 : (vector<16xf32>, vector<16xi32>, vector<16xi1>) -> (vector<16xi1>, vector<16xf32>, vector<16xi32>)
          %slice3A_1043 = vector.extract_strided_slice %masked_sort3A_1041 {offsets = [15], sizes = [1], strides = [1]} : vector<16xf32> to vector<1xf32>
          %squeeze3A_1044 = vector.extract %slice3A_1043[0] : f32 from vector<1xf32>
          scf.yield %masked_sort3A_1041, %masked_sort3A_1042, %squeeze3A_1044 : vector<16xf32>, vector<16xi32>, f32
        } else {
          scf.yield %scan3A_988, %scan3A_989, %scan3A_990 : vector<16xf32>, vector<16xi32>, f32
        }
        scf.yield %cond3A_1021#0, %cond3A_1021#1, %cond3A_1021#2 : vector<16xf32>, vector<16xi32>, f32
      }
      %scan3A_760 = arith.constant 512 : i32
      %mul3A_761 = arith.constant 16 : i32
      %mul3A_762 = arith.muli %add3A_749, %mul3A_761 : i32
      %bitcast_convert_type3A_763 = tpu.bitcast %scan3A_759#0 : vector<16xf32> -> vector<16xi32>
      %shift_right_logical3A_764 = arith.constant 1 : i32
      %shift_right_logical3A_765 = vector.broadcast %shift_right_logical3A_764 : i32 to vector<16xi32>
      %shift_right_logical3A_766 = arith.shrui %bitcast_convert_type3A_763, %shift_right_logical3A_765 : vector<16xi32>
      %add3A_767 = arith.constant 532487670 : i32
      %add3A_768 = vector.broadcast %add3A_767 : i32 to vector<16xi32>
      %add3A_769 = arith.addi %shift_right_logical3A_766, %add3A_768 : vector<16xi32>
      %bitcast_convert_type3A_770 = tpu.bitcast %add3A_769 : vector<16xi32> -> vector<16xf32>
      %div3A_771 = arith.divf %scan3A_759#0, %bitcast_convert_type3A_770 : vector<16xf32>
      %add3A_772 = arith.addf %bitcast_convert_type3A_770, %div3A_771 : vector<16xf32>
      %mul3A_773 = arith.constant 5.000000e-01 : f32
      %mul3A_774 = vector.broadcast %mul3A_773 : f32 to vector<16xf32>
      %mul3A_775 = arith.mulf %mul3A_774, %add3A_772 : vector<16xf32>
      %div3A_776 = arith.divf %scan3A_759#0, %mul3A_775 : vector<16xf32>
      %add3A_777 = arith.addf %mul3A_775, %div3A_776 : vector<16xf32>
      %mul3A_778 = arith.constant 5.000000e-01 : f32
      %mul3A_779 = vector.broadcast %mul3A_778 : f32 to vector<16xf32>
      %mul3A_780 = arith.mulf %mul3A_779, %add3A_777 : vector<16xf32>
      %div3A_781 = arith.divf %scan3A_759#0, %mul3A_780 : vector<16xf32>
      %add3A_782 = arith.addf %mul3A_780, %div3A_781 : vector<16xf32>
      %mul3A_783 = arith.constant 5.000000e-01 : f32
      %mul3A_784 = vector.broadcast %mul3A_783 : f32 to vector<16xf32>
      %mul3A_785 = arith.mulf %mul3A_784, %add3A_782 : vector<16xf32>
      %gt3A_786 = arith.constant 0.000000e+00 : f32
      %gt3A_787 = vector.broadcast %gt3A_786 : f32 to vector<16xf32>
      %gt3A_788 = arith.cmpf ogt, %scan3A_759#0, %gt3A_787 : vector<16xf32>
      %broadcast_in_dim3A_789 = arith.constant 0.000000e+00 : f32
      %broadcast_in_dim3A_790 = vector.broadcast %broadcast_in_dim3A_789 : f32 to vector<16xf32>
      %select_n3A_791 = arith.select %gt3A_788, %mul3A_785, %broadcast_in_dim3A_790 : vector<16xi1>, vector<16xf32>
      %swap3A_792 = arith.index_cast %mul3A_762 : i32 to index
      %swap3A_793 = tpu.vector_load %arg18[%swap3A_792] {strides = array<i32>} : memref<4096xf32, #tpu.memory_space<vmem>>, vector<16xf32>,
      tpu.vector_store %arg18[%swap3A_792], %select_n3A_791 {strides = array<i32>} : memref<4096xf32, #tpu.memory_space<vmem>>, vector<16xf32>,
      %gather3A_794 = tpu.vector_load_idx %arg12[%scan3A_759#1] : memref<8192xf32, #tpu.memory_space<vmem>>[vector<16xi32>], vector<16xf32>,
      %swap3A_795 = arith.index_cast %mul3A_762 : i32 to index
      %swap3A_796 = tpu.vector_load %arg19[%swap3A_795] {strides = array<i32>} : memref<4096xf32, #tpu.memory_space<vmem>>, vector<16xf32>,
      tpu.vector_store %arg19[%swap3A_795], %gather3A_794 {strides = array<i32>} : memref<4096xf32, #tpu.memory_space<vmem>>, vector<16xf32>,
      %gather3A_797 = tpu.vector_load_idx %arg13[%scan3A_759#1] : memref<8192xf32, #tpu.memory_space<vmem>>[vector<16xi32>], vector<16xf32>,
      %swap3A_798 = arith.index_cast %mul3A_762 : i32 to index
      %swap3A_799 = tpu.vector_load %arg20[%swap3A_798] {strides = array<i32>} : memref<4096xf32, #tpu.memory_space<vmem>>, vector<16xf32>,
      tpu.vector_store %arg20[%swap3A_798], %gather3A_797 {strides = array<i32>} : memref<4096xf32, #tpu.memory_space<vmem>>, vector<16xf32>,
      %gather3A_800 = tpu.vector_load_idx %arg14[%scan3A_759#1] : memref<8192xf32, #tpu.memory_space<vmem>>[vector<16xi32>], vector<16xf32>,
      %swap3A_801 = arith.index_cast %mul3A_762 : i32 to index
      %swap3A_802 = tpu.vector_load %arg21[%swap3A_801] {strides = array<i32>} : memref<4096xf32, #tpu.memory_space<vmem>>, vector<16xf32>,
      tpu.vector_store %arg21[%swap3A_801], %gather3A_800 {strides = array<i32>} : memref<4096xf32, #tpu.memory_space<vmem>>, vector<16xf32>,
      %slice3A_803 = vector.extract_strided_slice %get3A_15 {offsets = [13], sizes = [1], strides = [1]} : vector<16xf32> to vector<1xf32>
      %squeeze3A_804 = vector.extract %slice3A_803[0] : f32 from vector<1xf32>
      %slice3A_805 = vector.extract_strided_slice %get3A_17 {offsets = [13], sizes = [1], strides = [1]} : vector<16xf32> to vector<1xf32>
      %squeeze3A_806 = vector.extract %slice3A_805[0] : f32 from vector<1xf32>
      %slice3A_807 = vector.extract_strided_slice %get3A_19 {offsets = [13], sizes = [1], strides = [1]} : vector<16xf32> to vector<1xf32>
      %squeeze3A_808 = vector.extract %slice3A_807[0] : f32 from vector<1xf32>
      %add3A_809 = arith.constant 13 : i32
      %add3A_810 = arith.addi %mul3A_14, %add3A_809 : i32
      %broadcast_in_dim3A_811 = arith.constant 0x7F800000 : f32
      %broadcast_in_dim3A_812 = vector.broadcast %broadcast_in_dim3A_811 : f32 to vector<16xf32>
      %broadcast_in_dim3A_813 = arith.constant 0 : i32
      %broadcast_in_dim3A_814 = vector.broadcast %broadcast_in_dim3A_813 : i32 to vector<16xi32>
      %scan3A_815 = arith.constant 0x7F800000 : f32
      %scan3A_816 = arith.constant 0 : i32
      %scan3A_817 = arith.constant 512 : i32
      %scan3A_818 = arith.addi %scan3A_816, %scan3A_817 : i32
      %scan3A_819 = arith.constant 1 : i32
      %scan3A_820:3 = scf.for %scan3A_987 = %scan3A_816 to %scan3A_818 step %scan3A_819 iter_args(%scan3A_988 = %broadcast_in_dim3A_812, %scan3A_989 = %broadcast_in_dim3A_814, %scan3A_990 = %scan3A_815) -> (vector<16xf32>, vector<16xi32>, f32)  : i32 {
        %mul3A_991 = arith.constant 16 : i32
        %mul3A_992 = arith.muli %scan3A_987, %mul3A_991 : i32
        %get3A_993 = arith.index_cast %mul3A_992 : i32 to index
        %get3A_994 = tpu.vector_load %arg12[%get3A_993] {strides = array<i32>} : memref<8192xf32, #tpu.memory_space<vmem>>, vector<16xf32>,
        %sub3A = vector.broadcast %squeeze3A_804 : f32 to vector<16xf32>
        %sub3A_995 = arith.subf %get3A_994, %sub3A : vector<16xf32>
        %mul3A_996 = arith.mulf %sub3A_995, %sub3A_995 : vector<16xf32>
        %get3A_997 = arith.index_cast %mul3A_992 : i32 to index
        %get3A_998 = tpu.vector_load %arg13[%get3A_997] {strides = array<i32>} : memref<8192xf32, #tpu.memory_space<vmem>>, vector<16xf32>,
        %sub3A_999 = vector.broadcast %squeeze3A_806 : f32 to vector<16xf32>
        %sub3A_1000 = arith.subf %get3A_998, %sub3A_999 : vector<16xf32>
        %mul3A_1001 = arith.mulf %sub3A_1000, %sub3A_1000 : vector<16xf32>
        %add3A_1002 = arith.addf %mul3A_996, %mul3A_1001 : vector<16xf32>
        %get3A_1003 = arith.index_cast %mul3A_992 : i32 to index
        %get3A_1004 = tpu.vector_load %arg14[%get3A_1003] {strides = array<i32>} : memref<8192xf32, #tpu.memory_space<vmem>>, vector<16xf32>,
        %sub3A_1005 = vector.broadcast %squeeze3A_808 : f32 to vector<16xf32>
        %sub3A_1006 = arith.subf %get3A_1004, %sub3A_1005 : vector<16xf32>
        %mul3A_1007 = arith.mulf %sub3A_1006, %sub3A_1006 : vector<16xf32>
        %add3A_1008 = arith.addf %add3A_1002, %mul3A_1007 : vector<16xf32>
        %lt3A = vector.broadcast %scan3A_990 : f32 to vector<16xf32>
        %lt3A_1009 = arith.cmpf olt, %add3A_1008, %lt3A : vector<16xf32>
        %reduce_or3A = arith.constant 1.000000e+00 : f32
        %reduce_or3A_1010 = arith.constant 0.000000e+00 : f32
        %reduce_or3A_1011 = vector.broadcast %reduce_or3A : f32 to vector<16xf32>
        %reduce_or3A_1012 = vector.broadcast %reduce_or3A_1010 : f32 to vector<16xf32>
        %reduce_or3A_1013 = arith.select %lt3A_1009, %reduce_or3A_1011, %reduce_or3A_1012 : vector<16xi1>, vector<16xf32>
        %reduce_or3A_1014 = arith.constant true
        %reduce_or3A_1015 = vector.broadcast %reduce_or3A_1014 : i1 to vector<16xi1>
        %reduce_or3A_1016 = tpu.scan <max>, %reduce_or3A_1013 masked %reduce_or3A_1015 : vector<16xf32>, vector<16xi1> -> vector<16xf32>
        %reduce_or3A_1017 = vector.extract %reduce_or3A_1016[15] : f32 from vector<16xf32>
        %reduce_or3A_1018 = arith.constant 0.000000e+00 : f32
        %reduce_or3A_1019 = arith.cmpf ogt, %reduce_or3A_1017, %reduce_or3A_1018 : f32
        %convert_element_type3A = arith.extui %reduce_or3A_1019 : i1 to i32
        %cond3A = arith.constant 0 : i32
        %cond3A_1020 = arith.cmpi ne, %convert_element_type3A, %cond3A : i32
        %cond3A_1021:3 = scf.if %cond3A_1020 -> (vector<16xf32>, vector<16xi32>, f32) {
          %add3A_1022 = vector.broadcast %mul3A_992 : i32 to vector<16xi32>
          %add3A_1023 = arith.addi %iota3A, %add3A_1022 : vector<16xi32>
          %masked_sort3A = arith.constant dense<true> : vector<16xi1>
          %masked_sort3A_1024, %masked_sort3A_1025, %masked_sort3A_1026 = tpu.sort %add3A_1008, %add3A_1023 masked %masked_sort3A : (vector<16xf32>, vector<16xi32>, vector<16xi1>) -> (vector<16xi1>, vector<16xf32>, vector<16xi32>)
          %rev3A = arith.constant 15 : i32
          %rev3A_1027 = vector.broadcast %rev3A : i32 to vector<16xi32>
          %rev3A_1028 = tpu.iota {dimensions = array<i32: 0>} : vector<16xi32>
          %rev3A_1029 = arith.subi %rev3A_1027, %rev3A_1028 : vector<16xi32>
          %rev3A_1030 = tpu.dynamic_gather %scan3A_988[%rev3A_1029] in [0] : vector<16xf32>, vector<16xi32> -> vector<16xf32>
          %rev3A_1031 = arith.constant 15 : i32
          %rev3A_1032 = vector.broadcast %rev3A_1031 : i32 to vector<16xi32>
          %rev3A_1033 = tpu.iota {dimensions = array<i32: 0>} : vector<16xi32>
          %rev3A_1034 = arith.subi %rev3A_1032, %rev3A_1033 : vector<16xi32>
          %rev3A_1035 = tpu.dynamic_gather %scan3A_989[%rev3A_1034] in [0] : vector<16xi32>, vector<16xi32> -> vector<16xi32>
          %lt3A_1036 = arith.cmpf olt, %masked_sort3A_1025, %rev3A_1030 : vector<16xf32>
          %select_n3A_1037 = arith.select %lt3A_1036, %masked_sort3A_1025, %rev3A_1030 : vector<16xi1>, vector<16xf32>
          %select_n3A_1038 = arith.select %lt3A_1036, %masked_sort3A_1026, %rev3A_1035 : vector<16xi1>, vector<16xi32>
          %masked_sort3A_1039 = arith.constant dense<true> : vector<16xi1>
          %masked_sort3A_1040, %masked_sort3A_1041, %masked_sort3A_1042 = tpu.sort %select_n3A_1037, %select_n3A_1038 masked %masked_sort3A_1039 : (vector<16xf32>, vector<16xi32>, vector<16xi1>) -> (vector<16xi1>, vector<16xf32>, vector<16xi32>)
          %slice3A_1043 = vector.extract_strided_slice %masked_sort3A_1041 {offsets = [15], sizes = [1], strides = [1]} : vector<16xf32> to vector<1xf32>
          %squeeze3A_1044 = vector.extract %slice3A_1043[0] : f32 from vector<1xf32>
          scf.yield %masked_sort3A_1041, %masked_sort3A_1042, %squeeze3A_1044 : vector<16xf32>, vector<16xi32>, f32
        } else {
          scf.yield %scan3A_988, %scan3A_989, %scan3A_990 : vector<16xf32>, vector<16xi32>, f32
        }
        scf.yield %cond3A_1021#0, %cond3A_1021#1, %cond3A_1021#2 : vector<16xf32>, vector<16xi32>, f32
      }
      %scan3A_821 = arith.constant 512 : i32
      %mul3A_822 = arith.constant 16 : i32
      %mul3A_823 = arith.muli %add3A_810, %mul3A_822 : i32
      %bitcast_convert_type3A_824 = tpu.bitcast %scan3A_820#0 : vector<16xf32> -> vector<16xi32>
      %shift_right_logical3A_825 = arith.constant 1 : i32
      %shift_right_logical3A_826 = vector.broadcast %shift_right_logical3A_825 : i32 to vector<16xi32>
      %shift_right_logical3A_827 = arith.shrui %bitcast_convert_type3A_824, %shift_right_logical3A_826 : vector<16xi32>
      %add3A_828 = arith.constant 532487670 : i32
      %add3A_829 = vector.broadcast %add3A_828 : i32 to vector<16xi32>
      %add3A_830 = arith.addi %shift_right_logical3A_827, %add3A_829 : vector<16xi32>
      %bitcast_convert_type3A_831 = tpu.bitcast %add3A_830 : vector<16xi32> -> vector<16xf32>
      %div3A_832 = arith.divf %scan3A_820#0, %bitcast_convert_type3A_831 : vector<16xf32>
      %add3A_833 = arith.addf %bitcast_convert_type3A_831, %div3A_832 : vector<16xf32>
      %mul3A_834 = arith.constant 5.000000e-01 : f32
      %mul3A_835 = vector.broadcast %mul3A_834 : f32 to vector<16xf32>
      %mul3A_836 = arith.mulf %mul3A_835, %add3A_833 : vector<16xf32>
      %div3A_837 = arith.divf %scan3A_820#0, %mul3A_836 : vector<16xf32>
      %add3A_838 = arith.addf %mul3A_836, %div3A_837 : vector<16xf32>
      %mul3A_839 = arith.constant 5.000000e-01 : f32
      %mul3A_840 = vector.broadcast %mul3A_839 : f32 to vector<16xf32>
      %mul3A_841 = arith.mulf %mul3A_840, %add3A_838 : vector<16xf32>
      %div3A_842 = arith.divf %scan3A_820#0, %mul3A_841 : vector<16xf32>
      %add3A_843 = arith.addf %mul3A_841, %div3A_842 : vector<16xf32>
      %mul3A_844 = arith.constant 5.000000e-01 : f32
      %mul3A_845 = vector.broadcast %mul3A_844 : f32 to vector<16xf32>
      %mul3A_846 = arith.mulf %mul3A_845, %add3A_843 : vector<16xf32>
      %gt3A_847 = arith.constant 0.000000e+00 : f32
      %gt3A_848 = vector.broadcast %gt3A_847 : f32 to vector<16xf32>
      %gt3A_849 = arith.cmpf ogt, %scan3A_820#0, %gt3A_848 : vector<16xf32>
      %broadcast_in_dim3A_850 = arith.constant 0.000000e+00 : f32
      %broadcast_in_dim3A_851 = vector.broadcast %broadcast_in_dim3A_850 : f32 to vector<16xf32>
      %select_n3A_852 = arith.select %gt3A_849, %mul3A_846, %broadcast_in_dim3A_851 : vector<16xi1>, vector<16xf32>
      %swap3A_853 = arith.index_cast %mul3A_823 : i32 to index
      %swap3A_854 = tpu.vector_load %arg18[%swap3A_853] {strides = array<i32>} : memref<4096xf32, #tpu.memory_space<vmem>>, vector<16xf32>,
      tpu.vector_store %arg18[%swap3A_853], %select_n3A_852 {strides = array<i32>} : memref<4096xf32, #tpu.memory_space<vmem>>, vector<16xf32>,
      %gather3A_855 = tpu.vector_load_idx %arg12[%scan3A_820#1] : memref<8192xf32, #tpu.memory_space<vmem>>[vector<16xi32>], vector<16xf32>,
      %swap3A_856 = arith.index_cast %mul3A_823 : i32 to index
      %swap3A_857 = tpu.vector_load %arg19[%swap3A_856] {strides = array<i32>} : memref<4096xf32, #tpu.memory_space<vmem>>, vector<16xf32>,
      tpu.vector_store %arg19[%swap3A_856], %gather3A_855 {strides = array<i32>} : memref<4096xf32, #tpu.memory_space<vmem>>, vector<16xf32>,
      %gather3A_858 = tpu.vector_load_idx %arg13[%scan3A_820#1] : memref<8192xf32, #tpu.memory_space<vmem>>[vector<16xi32>], vector<16xf32>,
      %swap3A_859 = arith.index_cast %mul3A_823 : i32 to index
      %swap3A_860 = tpu.vector_load %arg20[%swap3A_859] {strides = array<i32>} : memref<4096xf32, #tpu.memory_space<vmem>>, vector<16xf32>,
      tpu.vector_store %arg20[%swap3A_859], %gather3A_858 {strides = array<i32>} : memref<4096xf32, #tpu.memory_space<vmem>>, vector<16xf32>,
      %gather3A_861 = tpu.vector_load_idx %arg14[%scan3A_820#1] : memref<8192xf32, #tpu.memory_space<vmem>>[vector<16xi32>], vector<16xf32>,
      %swap3A_862 = arith.index_cast %mul3A_823 : i32 to index
      %swap3A_863 = tpu.vector_load %arg21[%swap3A_862] {strides = array<i32>} : memref<4096xf32, #tpu.memory_space<vmem>>, vector<16xf32>,
      tpu.vector_store %arg21[%swap3A_862], %gather3A_861 {strides = array<i32>} : memref<4096xf32, #tpu.memory_space<vmem>>, vector<16xf32>,
      %slice3A_864 = vector.extract_strided_slice %get3A_15 {offsets = [14], sizes = [1], strides = [1]} : vector<16xf32> to vector<1xf32>
      %squeeze3A_865 = vector.extract %slice3A_864[0] : f32 from vector<1xf32>
      %slice3A_866 = vector.extract_strided_slice %get3A_17 {offsets = [14], sizes = [1], strides = [1]} : vector<16xf32> to vector<1xf32>
      %squeeze3A_867 = vector.extract %slice3A_866[0] : f32 from vector<1xf32>
      %slice3A_868 = vector.extract_strided_slice %get3A_19 {offsets = [14], sizes = [1], strides = [1]} : vector<16xf32> to vector<1xf32>
      %squeeze3A_869 = vector.extract %slice3A_868[0] : f32 from vector<1xf32>
      %add3A_870 = arith.constant 14 : i32
      %add3A_871 = arith.addi %mul3A_14, %add3A_870 : i32
      %broadcast_in_dim3A_872 = arith.constant 0x7F800000 : f32
      %broadcast_in_dim3A_873 = vector.broadcast %broadcast_in_dim3A_872 : f32 to vector<16xf32>
      %broadcast_in_dim3A_874 = arith.constant 0 : i32
      %broadcast_in_dim3A_875 = vector.broadcast %broadcast_in_dim3A_874 : i32 to vector<16xi32>
      %scan3A_876 = arith.constant 0x7F800000 : f32
      %scan3A_877 = arith.constant 0 : i32
      %scan3A_878 = arith.constant 512 : i32
      %scan3A_879 = arith.addi %scan3A_877, %scan3A_878 : i32
      %scan3A_880 = arith.constant 1 : i32
      %scan3A_881:3 = scf.for %scan3A_987 = %scan3A_877 to %scan3A_879 step %scan3A_880 iter_args(%scan3A_988 = %broadcast_in_dim3A_873, %scan3A_989 = %broadcast_in_dim3A_875, %scan3A_990 = %scan3A_876) -> (vector<16xf32>, vector<16xi32>, f32)  : i32 {
        %mul3A_991 = arith.constant 16 : i32
        %mul3A_992 = arith.muli %scan3A_987, %mul3A_991 : i32
        %get3A_993 = arith.index_cast %mul3A_992 : i32 to index
        %get3A_994 = tpu.vector_load %arg12[%get3A_993] {strides = array<i32>} : memref<8192xf32, #tpu.memory_space<vmem>>, vector<16xf32>,
        %sub3A = vector.broadcast %squeeze3A_865 : f32 to vector<16xf32>
        %sub3A_995 = arith.subf %get3A_994, %sub3A : vector<16xf32>
        %mul3A_996 = arith.mulf %sub3A_995, %sub3A_995 : vector<16xf32>
        %get3A_997 = arith.index_cast %mul3A_992 : i32 to index
        %get3A_998 = tpu.vector_load %arg13[%get3A_997] {strides = array<i32>} : memref<8192xf32, #tpu.memory_space<vmem>>, vector<16xf32>,
        %sub3A_999 = vector.broadcast %squeeze3A_867 : f32 to vector<16xf32>
        %sub3A_1000 = arith.subf %get3A_998, %sub3A_999 : vector<16xf32>
        %mul3A_1001 = arith.mulf %sub3A_1000, %sub3A_1000 : vector<16xf32>
        %add3A_1002 = arith.addf %mul3A_996, %mul3A_1001 : vector<16xf32>
        %get3A_1003 = arith.index_cast %mul3A_992 : i32 to index
        %get3A_1004 = tpu.vector_load %arg14[%get3A_1003] {strides = array<i32>} : memref<8192xf32, #tpu.memory_space<vmem>>, vector<16xf32>,
        %sub3A_1005 = vector.broadcast %squeeze3A_869 : f32 to vector<16xf32>
        %sub3A_1006 = arith.subf %get3A_1004, %sub3A_1005 : vector<16xf32>
        %mul3A_1007 = arith.mulf %sub3A_1006, %sub3A_1006 : vector<16xf32>
        %add3A_1008 = arith.addf %add3A_1002, %mul3A_1007 : vector<16xf32>
        %lt3A = vector.broadcast %scan3A_990 : f32 to vector<16xf32>
        %lt3A_1009 = arith.cmpf olt, %add3A_1008, %lt3A : vector<16xf32>
        %reduce_or3A = arith.constant 1.000000e+00 : f32
        %reduce_or3A_1010 = arith.constant 0.000000e+00 : f32
        %reduce_or3A_1011 = vector.broadcast %reduce_or3A : f32 to vector<16xf32>
        %reduce_or3A_1012 = vector.broadcast %reduce_or3A_1010 : f32 to vector<16xf32>
        %reduce_or3A_1013 = arith.select %lt3A_1009, %reduce_or3A_1011, %reduce_or3A_1012 : vector<16xi1>, vector<16xf32>
        %reduce_or3A_1014 = arith.constant true
        %reduce_or3A_1015 = vector.broadcast %reduce_or3A_1014 : i1 to vector<16xi1>
        %reduce_or3A_1016 = tpu.scan <max>, %reduce_or3A_1013 masked %reduce_or3A_1015 : vector<16xf32>, vector<16xi1> -> vector<16xf32>
        %reduce_or3A_1017 = vector.extract %reduce_or3A_1016[15] : f32 from vector<16xf32>
        %reduce_or3A_1018 = arith.constant 0.000000e+00 : f32
        %reduce_or3A_1019 = arith.cmpf ogt, %reduce_or3A_1017, %reduce_or3A_1018 : f32
        %convert_element_type3A = arith.extui %reduce_or3A_1019 : i1 to i32
        %cond3A = arith.constant 0 : i32
        %cond3A_1020 = arith.cmpi ne, %convert_element_type3A, %cond3A : i32
        %cond3A_1021:3 = scf.if %cond3A_1020 -> (vector<16xf32>, vector<16xi32>, f32) {
          %add3A_1022 = vector.broadcast %mul3A_992 : i32 to vector<16xi32>
          %add3A_1023 = arith.addi %iota3A, %add3A_1022 : vector<16xi32>
          %masked_sort3A = arith.constant dense<true> : vector<16xi1>
          %masked_sort3A_1024, %masked_sort3A_1025, %masked_sort3A_1026 = tpu.sort %add3A_1008, %add3A_1023 masked %masked_sort3A : (vector<16xf32>, vector<16xi32>, vector<16xi1>) -> (vector<16xi1>, vector<16xf32>, vector<16xi32>)
          %rev3A = arith.constant 15 : i32
          %rev3A_1027 = vector.broadcast %rev3A : i32 to vector<16xi32>
          %rev3A_1028 = tpu.iota {dimensions = array<i32: 0>} : vector<16xi32>
          %rev3A_1029 = arith.subi %rev3A_1027, %rev3A_1028 : vector<16xi32>
          %rev3A_1030 = tpu.dynamic_gather %scan3A_988[%rev3A_1029] in [0] : vector<16xf32>, vector<16xi32> -> vector<16xf32>
          %rev3A_1031 = arith.constant 15 : i32
          %rev3A_1032 = vector.broadcast %rev3A_1031 : i32 to vector<16xi32>
          %rev3A_1033 = tpu.iota {dimensions = array<i32: 0>} : vector<16xi32>
          %rev3A_1034 = arith.subi %rev3A_1032, %rev3A_1033 : vector<16xi32>
          %rev3A_1035 = tpu.dynamic_gather %scan3A_989[%rev3A_1034] in [0] : vector<16xi32>, vector<16xi32> -> vector<16xi32>
          %lt3A_1036 = arith.cmpf olt, %masked_sort3A_1025, %rev3A_1030 : vector<16xf32>
          %select_n3A_1037 = arith.select %lt3A_1036, %masked_sort3A_1025, %rev3A_1030 : vector<16xi1>, vector<16xf32>
          %select_n3A_1038 = arith.select %lt3A_1036, %masked_sort3A_1026, %rev3A_1035 : vector<16xi1>, vector<16xi32>
          %masked_sort3A_1039 = arith.constant dense<true> : vector<16xi1>
          %masked_sort3A_1040, %masked_sort3A_1041, %masked_sort3A_1042 = tpu.sort %select_n3A_1037, %select_n3A_1038 masked %masked_sort3A_1039 : (vector<16xf32>, vector<16xi32>, vector<16xi1>) -> (vector<16xi1>, vector<16xf32>, vector<16xi32>)
          %slice3A_1043 = vector.extract_strided_slice %masked_sort3A_1041 {offsets = [15], sizes = [1], strides = [1]} : vector<16xf32> to vector<1xf32>
          %squeeze3A_1044 = vector.extract %slice3A_1043[0] : f32 from vector<1xf32>
          scf.yield %masked_sort3A_1041, %masked_sort3A_1042, %squeeze3A_1044 : vector<16xf32>, vector<16xi32>, f32
        } else {
          scf.yield %scan3A_988, %scan3A_989, %scan3A_990 : vector<16xf32>, vector<16xi32>, f32
        }
        scf.yield %cond3A_1021#0, %cond3A_1021#1, %cond3A_1021#2 : vector<16xf32>, vector<16xi32>, f32
      }
      %scan3A_882 = arith.constant 512 : i32
      %mul3A_883 = arith.constant 16 : i32
      %mul3A_884 = arith.muli %add3A_871, %mul3A_883 : i32
      %bitcast_convert_type3A_885 = tpu.bitcast %scan3A_881#0 : vector<16xf32> -> vector<16xi32>
      %shift_right_logical3A_886 = arith.constant 1 : i32
      %shift_right_logical3A_887 = vector.broadcast %shift_right_logical3A_886 : i32 to vector<16xi32>
      %shift_right_logical3A_888 = arith.shrui %bitcast_convert_type3A_885, %shift_right_logical3A_887 : vector<16xi32>
      %add3A_889 = arith.constant 532487670 : i32
      %add3A_890 = vector.broadcast %add3A_889 : i32 to vector<16xi32>
      %add3A_891 = arith.addi %shift_right_logical3A_888, %add3A_890 : vector<16xi32>
      %bitcast_convert_type3A_892 = tpu.bitcast %add3A_891 : vector<16xi32> -> vector<16xf32>
      %div3A_893 = arith.divf %scan3A_881#0, %bitcast_convert_type3A_892 : vector<16xf32>
      %add3A_894 = arith.addf %bitcast_convert_type3A_892, %div3A_893 : vector<16xf32>
      %mul3A_895 = arith.constant 5.000000e-01 : f32
      %mul3A_896 = vector.broadcast %mul3A_895 : f32 to vector<16xf32>
      %mul3A_897 = arith.mulf %mul3A_896, %add3A_894 : vector<16xf32>
      %div3A_898 = arith.divf %scan3A_881#0, %mul3A_897 : vector<16xf32>
      %add3A_899 = arith.addf %mul3A_897, %div3A_898 : vector<16xf32>
      %mul3A_900 = arith.constant 5.000000e-01 : f32
      %mul3A_901 = vector.broadcast %mul3A_900 : f32 to vector<16xf32>
      %mul3A_902 = arith.mulf %mul3A_901, %add3A_899 : vector<16xf32>
      %div3A_903 = arith.divf %scan3A_881#0, %mul3A_902 : vector<16xf32>
      %add3A_904 = arith.addf %mul3A_902, %div3A_903 : vector<16xf32>
      %mul3A_905 = arith.constant 5.000000e-01 : f32
      %mul3A_906 = vector.broadcast %mul3A_905 : f32 to vector<16xf32>
      %mul3A_907 = arith.mulf %mul3A_906, %add3A_904 : vector<16xf32>
      %gt3A_908 = arith.constant 0.000000e+00 : f32
      %gt3A_909 = vector.broadcast %gt3A_908 : f32 to vector<16xf32>
      %gt3A_910 = arith.cmpf ogt, %scan3A_881#0, %gt3A_909 : vector<16xf32>
      %broadcast_in_dim3A_911 = arith.constant 0.000000e+00 : f32
      %broadcast_in_dim3A_912 = vector.broadcast %broadcast_in_dim3A_911 : f32 to vector<16xf32>
      %select_n3A_913 = arith.select %gt3A_910, %mul3A_907, %broadcast_in_dim3A_912 : vector<16xi1>, vector<16xf32>
      %swap3A_914 = arith.index_cast %mul3A_884 : i32 to index
      %swap3A_915 = tpu.vector_load %arg18[%swap3A_914] {strides = array<i32>} : memref<4096xf32, #tpu.memory_space<vmem>>, vector<16xf32>,
      tpu.vector_store %arg18[%swap3A_914], %select_n3A_913 {strides = array<i32>} : memref<4096xf32, #tpu.memory_space<vmem>>, vector<16xf32>,
      %gather3A_916 = tpu.vector_load_idx %arg12[%scan3A_881#1] : memref<8192xf32, #tpu.memory_space<vmem>>[vector<16xi32>], vector<16xf32>,
      %swap3A_917 = arith.index_cast %mul3A_884 : i32 to index
      %swap3A_918 = tpu.vector_load %arg19[%swap3A_917] {strides = array<i32>} : memref<4096xf32, #tpu.memory_space<vmem>>, vector<16xf32>,
      tpu.vector_store %arg19[%swap3A_917], %gather3A_916 {strides = array<i32>} : memref<4096xf32, #tpu.memory_space<vmem>>, vector<16xf32>,
      %gather3A_919 = tpu.vector_load_idx %arg13[%scan3A_881#1] : memref<8192xf32, #tpu.memory_space<vmem>>[vector<16xi32>], vector<16xf32>,
      %swap3A_920 = arith.index_cast %mul3A_884 : i32 to index
      %swap3A_921 = tpu.vector_load %arg20[%swap3A_920] {strides = array<i32>} : memref<4096xf32, #tpu.memory_space<vmem>>, vector<16xf32>,
      tpu.vector_store %arg20[%swap3A_920], %gather3A_919 {strides = array<i32>} : memref<4096xf32, #tpu.memory_space<vmem>>, vector<16xf32>,
      %gather3A_922 = tpu.vector_load_idx %arg14[%scan3A_881#1] : memref<8192xf32, #tpu.memory_space<vmem>>[vector<16xi32>], vector<16xf32>,
      %swap3A_923 = arith.index_cast %mul3A_884 : i32 to index
      %swap3A_924 = tpu.vector_load %arg21[%swap3A_923] {strides = array<i32>} : memref<4096xf32, #tpu.memory_space<vmem>>, vector<16xf32>,
      tpu.vector_store %arg21[%swap3A_923], %gather3A_922 {strides = array<i32>} : memref<4096xf32, #tpu.memory_space<vmem>>, vector<16xf32>,
      %slice3A_925 = vector.extract_strided_slice %get3A_15 {offsets = [15], sizes = [1], strides = [1]} : vector<16xf32> to vector<1xf32>
      %squeeze3A_926 = vector.extract %slice3A_925[0] : f32 from vector<1xf32>
      %slice3A_927 = vector.extract_strided_slice %get3A_17 {offsets = [15], sizes = [1], strides = [1]} : vector<16xf32> to vector<1xf32>
      %squeeze3A_928 = vector.extract %slice3A_927[0] : f32 from vector<1xf32>
      %slice3A_929 = vector.extract_strided_slice %get3A_19 {offsets = [15], sizes = [1], strides = [1]} : vector<16xf32> to vector<1xf32>
      %squeeze3A_930 = vector.extract %slice3A_929[0] : f32 from vector<1xf32>
      %add3A_931 = arith.constant 15 : i32
      %add3A_932 = arith.addi %mul3A_14, %add3A_931 : i32
      %broadcast_in_dim3A_933 = arith.constant 0x7F800000 : f32
      %broadcast_in_dim3A_934 = vector.broadcast %broadcast_in_dim3A_933 : f32 to vector<16xf32>
      %broadcast_in_dim3A_935 = arith.constant 0 : i32
      %broadcast_in_dim3A_936 = vector.broadcast %broadcast_in_dim3A_935 : i32 to vector<16xi32>
      %scan3A_937 = arith.constant 0x7F800000 : f32
      %scan3A_938 = arith.constant 0 : i32
      %scan3A_939 = arith.constant 512 : i32
      %scan3A_940 = arith.addi %scan3A_938, %scan3A_939 : i32
      %scan3A_941 = arith.constant 1 : i32
      %scan3A_942:3 = scf.for %scan3A_987 = %scan3A_938 to %scan3A_940 step %scan3A_941 iter_args(%scan3A_988 = %broadcast_in_dim3A_934, %scan3A_989 = %broadcast_in_dim3A_936, %scan3A_990 = %scan3A_937) -> (vector<16xf32>, vector<16xi32>, f32)  : i32 {
        %mul3A_991 = arith.constant 16 : i32
        %mul3A_992 = arith.muli %scan3A_987, %mul3A_991 : i32
        %get3A_993 = arith.index_cast %mul3A_992 : i32 to index
        %get3A_994 = tpu.vector_load %arg12[%get3A_993] {strides = array<i32>} : memref<8192xf32, #tpu.memory_space<vmem>>, vector<16xf32>,
        %sub3A = vector.broadcast %squeeze3A_926 : f32 to vector<16xf32>
        %sub3A_995 = arith.subf %get3A_994, %sub3A : vector<16xf32>
        %mul3A_996 = arith.mulf %sub3A_995, %sub3A_995 : vector<16xf32>
        %get3A_997 = arith.index_cast %mul3A_992 : i32 to index
        %get3A_998 = tpu.vector_load %arg13[%get3A_997] {strides = array<i32>} : memref<8192xf32, #tpu.memory_space<vmem>>, vector<16xf32>,
        %sub3A_999 = vector.broadcast %squeeze3A_928 : f32 to vector<16xf32>
        %sub3A_1000 = arith.subf %get3A_998, %sub3A_999 : vector<16xf32>
        %mul3A_1001 = arith.mulf %sub3A_1000, %sub3A_1000 : vector<16xf32>
        %add3A_1002 = arith.addf %mul3A_996, %mul3A_1001 : vector<16xf32>
        %get3A_1003 = arith.index_cast %mul3A_992 : i32 to index
        %get3A_1004 = tpu.vector_load %arg14[%get3A_1003] {strides = array<i32>} : memref<8192xf32, #tpu.memory_space<vmem>>, vector<16xf32>,
        %sub3A_1005 = vector.broadcast %squeeze3A_930 : f32 to vector<16xf32>
        %sub3A_1006 = arith.subf %get3A_1004, %sub3A_1005 : vector<16xf32>
        %mul3A_1007 = arith.mulf %sub3A_1006, %sub3A_1006 : vector<16xf32>
        %add3A_1008 = arith.addf %add3A_1002, %mul3A_1007 : vector<16xf32>
        %lt3A = vector.broadcast %scan3A_990 : f32 to vector<16xf32>
        %lt3A_1009 = arith.cmpf olt, %add3A_1008, %lt3A : vector<16xf32>
        %reduce_or3A = arith.constant 1.000000e+00 : f32
        %reduce_or3A_1010 = arith.constant 0.000000e+00 : f32
        %reduce_or3A_1011 = vector.broadcast %reduce_or3A : f32 to vector<16xf32>
        %reduce_or3A_1012 = vector.broadcast %reduce_or3A_1010 : f32 to vector<16xf32>
        %reduce_or3A_1013 = arith.select %lt3A_1009, %reduce_or3A_1011, %reduce_or3A_1012 : vector<16xi1>, vector<16xf32>
        %reduce_or3A_1014 = arith.constant true
        %reduce_or3A_1015 = vector.broadcast %reduce_or3A_1014 : i1 to vector<16xi1>
        %reduce_or3A_1016 = tpu.scan <max>, %reduce_or3A_1013 masked %reduce_or3A_1015 : vector<16xf32>, vector<16xi1> -> vector<16xf32>
        %reduce_or3A_1017 = vector.extract %reduce_or3A_1016[15] : f32 from vector<16xf32>
        %reduce_or3A_1018 = arith.constant 0.000000e+00 : f32
        %reduce_or3A_1019 = arith.cmpf ogt, %reduce_or3A_1017, %reduce_or3A_1018 : f32
        %convert_element_type3A = arith.extui %reduce_or3A_1019 : i1 to i32
        %cond3A = arith.constant 0 : i32
        %cond3A_1020 = arith.cmpi ne, %convert_element_type3A, %cond3A : i32
        %cond3A_1021:3 = scf.if %cond3A_1020 -> (vector<16xf32>, vector<16xi32>, f32) {
          %add3A_1022 = vector.broadcast %mul3A_992 : i32 to vector<16xi32>
          %add3A_1023 = arith.addi %iota3A, %add3A_1022 : vector<16xi32>
          %masked_sort3A = arith.constant dense<true> : vector<16xi1>
          %masked_sort3A_1024, %masked_sort3A_1025, %masked_sort3A_1026 = tpu.sort %add3A_1008, %add3A_1023 masked %masked_sort3A : (vector<16xf32>, vector<16xi32>, vector<16xi1>) -> (vector<16xi1>, vector<16xf32>, vector<16xi32>)
          %rev3A = arith.constant 15 : i32
          %rev3A_1027 = vector.broadcast %rev3A : i32 to vector<16xi32>
          %rev3A_1028 = tpu.iota {dimensions = array<i32: 0>} : vector<16xi32>
          %rev3A_1029 = arith.subi %rev3A_1027, %rev3A_1028 : vector<16xi32>
          %rev3A_1030 = tpu.dynamic_gather %scan3A_988[%rev3A_1029] in [0] : vector<16xf32>, vector<16xi32> -> vector<16xf32>
          %rev3A_1031 = arith.constant 15 : i32
          %rev3A_1032 = vector.broadcast %rev3A_1031 : i32 to vector<16xi32>
          %rev3A_1033 = tpu.iota {dimensions = array<i32: 0>} : vector<16xi32>
          %rev3A_1034 = arith.subi %rev3A_1032, %rev3A_1033 : vector<16xi32>
          %rev3A_1035 = tpu.dynamic_gather %scan3A_989[%rev3A_1034] in [0] : vector<16xi32>, vector<16xi32> -> vector<16xi32>
          %lt3A_1036 = arith.cmpf olt, %masked_sort3A_1025, %rev3A_1030 : vector<16xf32>
          %select_n3A_1037 = arith.select %lt3A_1036, %masked_sort3A_1025, %rev3A_1030 : vector<16xi1>, vector<16xf32>
          %select_n3A_1038 = arith.select %lt3A_1036, %masked_sort3A_1026, %rev3A_1035 : vector<16xi1>, vector<16xi32>
          %masked_sort3A_1039 = arith.constant dense<true> : vector<16xi1>
          %masked_sort3A_1040, %masked_sort3A_1041, %masked_sort3A_1042 = tpu.sort %select_n3A_1037, %select_n3A_1038 masked %masked_sort3A_1039 : (vector<16xf32>, vector<16xi32>, vector<16xi1>) -> (vector<16xi1>, vector<16xf32>, vector<16xi32>)
          %slice3A_1043 = vector.extract_strided_slice %masked_sort3A_1041 {offsets = [15], sizes = [1], strides = [1]} : vector<16xf32> to vector<1xf32>
          %squeeze3A_1044 = vector.extract %slice3A_1043[0] : f32 from vector<1xf32>
          scf.yield %masked_sort3A_1041, %masked_sort3A_1042, %squeeze3A_1044 : vector<16xf32>, vector<16xi32>, f32
        } else {
          scf.yield %scan3A_988, %scan3A_989, %scan3A_990 : vector<16xf32>, vector<16xi32>, f32
        }
        scf.yield %cond3A_1021#0, %cond3A_1021#1, %cond3A_1021#2 : vector<16xf32>, vector<16xi32>, f32
      }
      %scan3A_943 = arith.constant 512 : i32
      %mul3A_944 = arith.constant 16 : i32
      %mul3A_945 = arith.muli %add3A_932, %mul3A_944 : i32
      %bitcast_convert_type3A_946 = tpu.bitcast %scan3A_942#0 : vector<16xf32> -> vector<16xi32>
      %shift_right_logical3A_947 = arith.constant 1 : i32
      %shift_right_logical3A_948 = vector.broadcast %shift_right_logical3A_947 : i32 to vector<16xi32>
      %shift_right_logical3A_949 = arith.shrui %bitcast_convert_type3A_946, %shift_right_logical3A_948 : vector<16xi32>
      %add3A_950 = arith.constant 532487670 : i32
      %add3A_951 = vector.broadcast %add3A_950 : i32 to vector<16xi32>
      %add3A_952 = arith.addi %shift_right_logical3A_949, %add3A_951 : vector<16xi32>
      %bitcast_convert_type3A_953 = tpu.bitcast %add3A_952 : vector<16xi32> -> vector<16xf32>
      %div3A_954 = arith.divf %scan3A_942#0, %bitcast_convert_type3A_953 : vector<16xf32>
      %add3A_955 = arith.addf %bitcast_convert_type3A_953, %div3A_954 : vector<16xf32>
      %mul3A_956 = arith.constant 5.000000e-01 : f32
      %mul3A_957 = vector.broadcast %mul3A_956 : f32 to vector<16xf32>
      %mul3A_958 = arith.mulf %mul3A_957, %add3A_955 : vector<16xf32>
      %div3A_959 = arith.divf %scan3A_942#0, %mul3A_958 : vector<16xf32>
      %add3A_960 = arith.addf %mul3A_958, %div3A_959 : vector<16xf32>
      %mul3A_961 = arith.constant 5.000000e-01 : f32
      %mul3A_962 = vector.broadcast %mul3A_961 : f32 to vector<16xf32>
      %mul3A_963 = arith.mulf %mul3A_962, %add3A_960 : vector<16xf32>
      %div3A_964 = arith.divf %scan3A_942#0, %mul3A_963 : vector<16xf32>
      %add3A_965 = arith.addf %mul3A_963, %div3A_964 : vector<16xf32>
      %mul3A_966 = arith.constant 5.000000e-01 : f32
      %mul3A_967 = vector.broadcast %mul3A_966 : f32 to vector<16xf32>
      %mul3A_968 = arith.mulf %mul3A_967, %add3A_965 : vector<16xf32>
      %gt3A_969 = arith.constant 0.000000e+00 : f32
      %gt3A_970 = vector.broadcast %gt3A_969 : f32 to vector<16xf32>
      %gt3A_971 = arith.cmpf ogt, %scan3A_942#0, %gt3A_970 : vector<16xf32>
      %broadcast_in_dim3A_972 = arith.constant 0.000000e+00 : f32
      %broadcast_in_dim3A_973 = vector.broadcast %broadcast_in_dim3A_972 : f32 to vector<16xf32>
      %select_n3A_974 = arith.select %gt3A_971, %mul3A_968, %broadcast_in_dim3A_973 : vector<16xi1>, vector<16xf32>
      %swap3A_975 = arith.index_cast %mul3A_945 : i32 to index
      %swap3A_976 = tpu.vector_load %arg18[%swap3A_975] {strides = array<i32>} : memref<4096xf32, #tpu.memory_space<vmem>>, vector<16xf32>,
      tpu.vector_store %arg18[%swap3A_975], %select_n3A_974 {strides = array<i32>} : memref<4096xf32, #tpu.memory_space<vmem>>, vector<16xf32>,
      %gather3A_977 = tpu.vector_load_idx %arg12[%scan3A_942#1] : memref<8192xf32, #tpu.memory_space<vmem>>[vector<16xi32>], vector<16xf32>,
      %swap3A_978 = arith.index_cast %mul3A_945 : i32 to index
      %swap3A_979 = tpu.vector_load %arg19[%swap3A_978] {strides = array<i32>} : memref<4096xf32, #tpu.memory_space<vmem>>, vector<16xf32>,
      tpu.vector_store %arg19[%swap3A_978], %gather3A_977 {strides = array<i32>} : memref<4096xf32, #tpu.memory_space<vmem>>, vector<16xf32>,
      %gather3A_980 = tpu.vector_load_idx %arg13[%scan3A_942#1] : memref<8192xf32, #tpu.memory_space<vmem>>[vector<16xi32>], vector<16xf32>,
      %swap3A_981 = arith.index_cast %mul3A_945 : i32 to index
      %swap3A_982 = tpu.vector_load %arg20[%swap3A_981] {strides = array<i32>} : memref<4096xf32, #tpu.memory_space<vmem>>, vector<16xf32>,
      tpu.vector_store %arg20[%swap3A_981], %gather3A_980 {strides = array<i32>} : memref<4096xf32, #tpu.memory_space<vmem>>, vector<16xf32>,
      %gather3A_983 = tpu.vector_load_idx %arg14[%scan3A_942#1] : memref<8192xf32, #tpu.memory_space<vmem>>[vector<16xi32>], vector<16xf32>,
      %swap3A_984 = arith.index_cast %mul3A_945 : i32 to index
      %swap3A_985 = tpu.vector_load %arg21[%swap3A_984] {strides = array<i32>} : memref<4096xf32, #tpu.memory_space<vmem>>, vector<16xf32>,
      tpu.vector_store %arg21[%swap3A_984], %gather3A_983 {strides = array<i32>} : memref<4096xf32, #tpu.memory_space<vmem>>, vector<16xf32>,
      %scan3A_986 = arith.constant 0 : i32
      scf.yield %scan3A_986 : i32
    }
    %scan3A_8 = arith.constant 16 : i32
    %mul3A_9 = arith.constant 16 : i32
    %mul3A_10 = arith.muli %mul3A_2, %mul3A_9 : i32
    "tpu.region"() ({
      %run_scoped3A = tpu.sem_alloc : memref<!tpu.dma_semaphore, #tpu.memory_space<semaphore_mem>>
      %dma_start3A = tpu.memref_slice %arg8[%mul3A_10] : memref<131072xf32, #tpu.memory_space<hbm>> -> memref<4096xf32, #tpu.memory_space<hbm>>
      %dma_start3A_11 = tpu.memref_slice %arg8[%mul3A_10] : memref<131072xf32, #tpu.memory_space<hbm>> -> memref<4096xf32, #tpu.memory_space<hbm>>
      tpu.enqueue_dma source(%arg18 : memref<4096xf32, #tpu.memory_space<vmem>>) target(%dma_start3A_11 : memref<4096xf32, #tpu.memory_space<hbm>>) target_semaphore(%run_scoped3A : memref<!tpu.dma_semaphore, #tpu.memory_space<semaphore_mem>>)
      %dma_wait3A = tpu.memref_slice %arg8[%mul3A_10] : memref<131072xf32, #tpu.memory_space<hbm>> -> memref<4096xf32, #tpu.memory_space<hbm>>
      %dma_wait3A_12 = tpu.memref_slice %arg8[%mul3A_10] : memref<131072xf32, #tpu.memory_space<hbm>> -> memref<4096xf32, #tpu.memory_space<hbm>>
      tpu.wait_dma2 semaphore(%run_scoped3A : memref<!tpu.dma_semaphore, #tpu.memory_space<semaphore_mem>>) src(%arg18 : memref<4096xf32, #tpu.memory_space<vmem>>) dst(%dma_wait3A_12 : memref<4096xf32, #tpu.memory_space<hbm>>)
      tpu.yield
    }) : () -> ()
    "tpu.region"() ({
      %run_scoped3A = tpu.sem_alloc : memref<!tpu.dma_semaphore, #tpu.memory_space<semaphore_mem>>
      %dma_start3A = tpu.memref_slice %arg9[%mul3A_10] : memref<131072xf32, #tpu.memory_space<hbm>> -> memref<4096xf32, #tpu.memory_space<hbm>>
      %dma_start3A_11 = tpu.memref_slice %arg9[%mul3A_10] : memref<131072xf32, #tpu.memory_space<hbm>> -> memref<4096xf32, #tpu.memory_space<hbm>>
      tpu.enqueue_dma source(%arg19 : memref<4096xf32, #tpu.memory_space<vmem>>) target(%dma_start3A_11 : memref<4096xf32, #tpu.memory_space<hbm>>) target_semaphore(%run_scoped3A : memref<!tpu.dma_semaphore, #tpu.memory_space<semaphore_mem>>)
      %dma_wait3A = tpu.memref_slice %arg9[%mul3A_10] : memref<131072xf32, #tpu.memory_space<hbm>> -> memref<4096xf32, #tpu.memory_space<hbm>>
      %dma_wait3A_12 = tpu.memref_slice %arg9[%mul3A_10] : memref<131072xf32, #tpu.memory_space<hbm>> -> memref<4096xf32, #tpu.memory_space<hbm>>
      tpu.wait_dma2 semaphore(%run_scoped3A : memref<!tpu.dma_semaphore, #tpu.memory_space<semaphore_mem>>) src(%arg19 : memref<4096xf32, #tpu.memory_space<vmem>>) dst(%dma_wait3A_12 : memref<4096xf32, #tpu.memory_space<hbm>>)
      tpu.yield
    }) : () -> ()
    "tpu.region"() ({
      %run_scoped3A = tpu.sem_alloc : memref<!tpu.dma_semaphore, #tpu.memory_space<semaphore_mem>>
      %dma_start3A = tpu.memref_slice %arg10[%mul3A_10] : memref<131072xf32, #tpu.memory_space<hbm>> -> memref<4096xf32, #tpu.memory_space<hbm>>
      %dma_start3A_11 = tpu.memref_slice %arg10[%mul3A_10] : memref<131072xf32, #tpu.memory_space<hbm>> -> memref<4096xf32, #tpu.memory_space<hbm>>
      tpu.enqueue_dma source(%arg20 : memref<4096xf32, #tpu.memory_space<vmem>>) target(%dma_start3A_11 : memref<4096xf32, #tpu.memory_space<hbm>>) target_semaphore(%run_scoped3A : memref<!tpu.dma_semaphore, #tpu.memory_space<semaphore_mem>>)
      %dma_wait3A = tpu.memref_slice %arg10[%mul3A_10] : memref<131072xf32, #tpu.memory_space<hbm>> -> memref<4096xf32, #tpu.memory_space<hbm>>
      %dma_wait3A_12 = tpu.memref_slice %arg10[%mul3A_10] : memref<131072xf32, #tpu.memory_space<hbm>> -> memref<4096xf32, #tpu.memory_space<hbm>>
      tpu.wait_dma2 semaphore(%run_scoped3A : memref<!tpu.dma_semaphore, #tpu.memory_space<semaphore_mem>>) src(%arg20 : memref<4096xf32, #tpu.memory_space<vmem>>) dst(%dma_wait3A_12 : memref<4096xf32, #tpu.memory_space<hbm>>)
      tpu.yield
    }) : () -> ()
    "tpu.region"() ({
      %run_scoped3A = tpu.sem_alloc : memref<!tpu.dma_semaphore, #tpu.memory_space<semaphore_mem>>
      %dma_start3A = tpu.memref_slice %arg11[%mul3A_10] : memref<131072xf32, #tpu.memory_space<hbm>> -> memref<4096xf32, #tpu.memory_space<hbm>>
      %dma_start3A_11 = tpu.memref_slice %arg11[%mul3A_10] : memref<131072xf32, #tpu.memory_space<hbm>> -> memref<4096xf32, #tpu.memory_space<hbm>>
      tpu.enqueue_dma source(%arg21 : memref<4096xf32, #tpu.memory_space<vmem>>) target(%dma_start3A_11 : memref<4096xf32, #tpu.memory_space<hbm>>) target_semaphore(%run_scoped3A : memref<!tpu.dma_semaphore, #tpu.memory_space<semaphore_mem>>)
      %dma_wait3A = tpu.memref_slice %arg11[%mul3A_10] : memref<131072xf32, #tpu.memory_space<hbm>> -> memref<4096xf32, #tpu.memory_space<hbm>>
      %dma_wait3A_12 = tpu.memref_slice %arg11[%mul3A_10] : memref<131072xf32, #tpu.memory_space<hbm>> -> memref<4096xf32, #tpu.memory_space<hbm>>
      tpu.wait_dma2 semaphore(%run_scoped3A : memref<!tpu.dma_semaphore, #tpu.memory_space<semaphore_mem>>) src(%arg21 : memref<4096xf32, #tpu.memory_space<vmem>>) dst(%dma_wait3A_12 : memref<4096xf32, #tpu.memory_space<hbm>>)
      tpu.yield
    }) : () -> ()
    return
  }
}

</mosaic_0001>

<sc_bundles>
// kernel: _knn_sc.3.cloned.1.call-start
scs
__scs_entry_jumppad:
0x0: {  	(pc) =	sbr.rel $0x88, $3  }
0x1: {  	(tag) =	ssettag $0x0;
	lr =	simm.s32 $0x1  }
0x2: {  	[smem:$0x3F9B] =	sst lr;
	_ =	strace $0xD0000000  }
0x3: {  	_ = 	snop  }
0x4: {  	_ = 	snop  }
0x5: {  	_ = 	snop  }
0x6: {  	_ = 	snop  }
0x7: {  	_ = 	snop  }
__scs_overlays_trampoline_lowered:
0x8: {  	[smem:$0x3FAA] =	sst s0  }
0x9: {  	[smem:$0x3FAB] =	sst s1  }
0xa: {  	[smem:$0x3FAC] =	sst s2  }
0xb: {  	[smem:$0x3FAD] =	sst s3  }
0xc: {  	[smem:$0x3FAE] =	sst s4  }
0xd: {  	[smem:$0x3FAF] =	sst s5  }
0xe: {  	[smem:$0x3FB0] =	sst s6  }
0xf: {  	[smem:$0x3FB1] =	sst s7  }
0x10: {  	[smem:$0x3FB2] =	sst s8  }
0x11: {  	[smem:$0x3FB3] =	sst s9;
	s0 =	simm.s32 @!p0 $0x0  }
0x12: {  	s1 =	sld [smem:$0x3F99];
	s0 =	simm.s32 @p0 $0x1  }
0x13: {  	[smem:$0x3FB4] =	sst s0;
	s0 =	simm.s32 @!p1 $0x0  }
0x14: {  	s2 =	sld [smem:$0x3F98];
	s0 =	simm.s32 @p1 $0x1  }
0x15: {  	[smem:$0x3FB5] =	sst s0;
	s0 =	simm.s32 @!p2 $0x0  }
0x16: {  	s3 =	sld [smem:$0x3FDB];
	s0 =	simm.s32 @p2 $0x1  }
0x17: {  	s4 =	simm.s32 $0x1BF5;
	[smem:$0x3FB7] =	sst s0  }
0x18: {  	s0 =	sld [smem:$0x3F9A];
	_ =	swait.ge [sflag:s4], $0x0  }
0x19: {  	s7 =	sld [smem:$0x3F9B]  }
0x1a: {  	s8 =	sadd.s32 $0xFFFFE003, lr  }
0x1b: {  	s9 =	sadd.s32 $0xFFFFFEF7, lr;
	s5 =	simm.s32 $0xFFFFFFFF;
	p2 =	slt.u32 s8, $0xFFFFF086  }
0x1c: {  	p1 =	slt.u32 s9, $0xF7A;
	s5 =	simm.s32 @!p2 $0x0  }
0x1d: {  	s5 =	simm.s32 @p1 $0x1;
	p0 =	seq.s32 s7, s2  }
0x1e: {  	s7 =	smul.u32 @!p0 $0xF7A, s2;
	p2 =	seq.s32 @!p0 s5, $0x0  }
0x1f: {  	s9 =	smul.u32 $0xF7A, s1;
	s8 =	simm.s32 @!p0 $0x1BF5;
	p2 =	por !p2, p0  }
0x20: {  	[sflag:s8] =	ssyncset.s32 @!p0 $0xFFFFF086;
	s6 =	sadd.s32 @!p0 s3, s7;
	s7 =	simm.s32 @!p0 $0x108  }
0x21: {  	s3 =	sadd.s32 s3, s9;
	s6 =	sadd.s32 @!p0 $0x88, s6;
	s7 =	simm.s32 @p2 $0x1082  }
0x22: {  	[simem:s7], [sflag:s8] =	dma.local @!p0 [hbm:s6], $0xF7A  }
0x23: {  	s9 =	sor.u32 $0xD0000000, s2;
	s6 =	simm.s32 $0x108;
	_ =	swait.ge @!p0 [sflag:s8], $0x0  }
0x24: {  	s3 =	sadd.s32 $0x88, s3;
	s6 =	simm.s32 @!p1 $0x1082;
	[sflag:s4] =	ssyncset.s32 $0xFFFFF086  }
0x25: {  	[simem:s6], [sflag:s4] =	dma.local [hbm:s3], $0xF7A  }
0x26: {  	[smem:$0x3F9B] =	sst s1;
	(tag) =	ssettag s2;
	_ =	strace s9  }
0x27: {  	s1 =	sld [smem:$0x3FAB]  }
0x28: {  	s2 =	sld [smem:$0x3FAC]  }
0x29: {  	s4 =	sld [smem:$0x3FAE]  }
0x2a: {  	p0 =	seq.s32 s5, $0x0;
	s5 =	sld [smem:$0x3FAF]  }
0x2b: {  	s6 =	sld [smem:$0x3FB0]  }
0x2c: {  	s7 =	sld [smem:$0x3FB1]  }
0x2d: {  	s3 =	simm.s32 $0x108;
	s8 =	sld [smem:$0x3FB2]  }
0x2e: {  	s3 =	simm.s32 @!p0 $0x1082;
	s9 =	sld [smem:$0x3FB3]  }
0x2f: {  	lr =	sadd.s32 s0, s3;
	s0 =	sld [smem:$0x3FAA]  }
0x30: {  	s3 =	sld [smem:$0x3FAD]  }
0x31: {  	[smem:$0x3FB6] =	sst s10  }
0x32: {  	s10 =	sld [smem:$0x3FB4];
	_ =	sdelay $0x3  }
0x33: {  	p0 =	seq.s32 s10, $0x1;
	s10 =	sld [smem:$0x3FB6];
	_ =	sdelay $0x3  }
0x34: {  	[smem:$0x3FB6] =	sst s10  }
0x35: {  	s10 =	sld [smem:$0x3FB5];
	_ =	sdelay $0x3  }
0x36: {  	p1 =	seq.s32 s10, $0x1;
	s10 =	sld [smem:$0x3FB6];
	_ =	sdelay $0x3  }
0x37: {  	[smem:$0x3FB6] =	sst s10  }
0x38: {  	s10 =	sld [smem:$0x3FB7]  }
0x39: {  	_ = 	snop;
	(pc) =	sbr.ind lr, $3  }
0x3a: {  	_ = 	snop  }
0x3b: {  	_ = 	snop  }
0x3c: {  	p2 =	seq.s32 s10, $0x1;
	s10 =	sld [smem:$0x3FB6]  }
0x3d: {  	_ =	shalt  }
0x3e: {  	_ =	shalt  }
0x3f: {  	_ =	shalt  }
0x40: {  	_ =	shalt  }
0x41: {  	_ =	shalt  }
0x42: {  	_ =	shalt  }
0x43: {  	_ =	shalt  }
0x44: {  	_ =	shalt  }
0x45: {  	_ =	shalt  }
0x46: {  	_ =	shalt  }
0x47: {  	_ =	shalt  }
0x48: {  	_ =	shalt  }
0x49: {  	_ =	shalt  }
0x4a: {  	_ =	shalt  }
0x4b: {  	_ =	shalt  }
0x4c: {  	_ =	shalt  }
0x4d: {  	_ =	shalt  }
0x4e: {  	_ =	shalt  }
0x4f: {  	_ =	shalt  }
0x50: {  	_ =	shalt  }
0x51: {  	_ =	shalt  }
0x52: {  	_ =	shalt  }
0x53: {  	_ =	shalt  }
0x54: {  	_ =	shalt  }
0x55: {  	_ =	shalt  }
0x56: {  	_ =	shalt  }
0x57: {  	_ =	shalt  }
0x58: {  	_ =	shalt  }
0x59: {  	_ =	shalt  }
0x5a: {  	_ =	shalt  }
0x5b: {  	_ =	shalt  }
0x5c: {  	_ =	shalt  }
0x5d: {  	_ =	shalt  }
0x5e: {  	_ =	shalt  }
0x5f: {  	_ =	shalt  }
0x60: {  	_ =	shalt  }
0x61: {  	_ =	shalt  }
0x62: {  	_ =	shalt  }
0x63: {  	_ =	shalt  }
0x64: {  	_ =	shalt  }
0x65: {  	_ =	shalt  }
0x66: {  	_ =	shalt  }
0x67: {  	_ =	shalt  }
0x68: {  	_ =	shalt  }
0x69: {  	_ =	shalt  }
0x6a: {  	_ =	shalt  }
0x6b: {  	_ =	shalt  }
0x6c: {  	_ =	shalt  }
0x6d: {  	_ =	shalt  }
0x6e: {  	_ =	shalt  }
0x6f: {  	_ =	shalt  }
0x70: {  	_ =	shalt  }
0x71: {  	_ =	shalt  }
0x72: {  	_ =	shalt  }
0x73: {  	_ =	shalt  }
0x74: {  	_ =	shalt  }
0x75: {  	_ =	shalt  }
0x76: {  	_ =	shalt  }
0x77: {  	_ =	shalt  }
0x78: {  	_ =	shalt  }
0x79: {  	_ =	shalt  }
0x7a: {  	_ =	shalt  }
0x7b: {  	_ =	shalt  }
0x7c: {  	_ =	shalt  }
0x7d: {  	_ =	shalt  }
0x7e: {  	_ =	shalt  }
0x7f: {  	_ =	shalt  }
0x80: {  	_ =	shalt  }
0x81: {  	_ =	shalt  }
0x82: {  	_ =	shalt  }
0x83: {  	_ =	shalt  }
0x84: {  	_ =	shalt  }
0x85: {  	_ =	shalt  }
0x86: {  	_ =	shalt  }
0x87: {  	_ =	shalt  }
.Lfunc_end0:
.L_simem_size_0:
called_computation_lowered:
.L_overlay_start_0:
0x88: {  	s2 =	sld [smem:$0x3FD9]  }
0x89: {  	s3 =	sld [smem:$0x3FFE];
	_ =	sdelay $0x1  }
0x8a: {  	s1 =	srdreg.scid  }
0x8b: {  	s0 =	sand.u32 $0x1, s1  }
0x8c: {  	s30 =	sshll.u32 s0, $0xA;
	s2 =	sadd.s32 s3, s2  }
0x8d: {  	s2 =	sadd.s32 s2, s30  }
0x8e: {  	[smem:$0x3FC2] =	sst s2  }
0x8f: {  	_ = 	snop  }
0x90: {  	s2 =	sld [smem:$0x3FC9]  }
0x91: {  	s31 =	sld [smem:$0x3FC8]  }
0x92: {  	s4 =	sld [smem:$0x3FC7]  }
0x93: {  	s5 =	sld [smem:$0x3FD0]  }
0x94: {  	s6 =	sld [smem:$0x3FC6]  }
0x95: {  	s7 =	sld [smem:$0x3FC5]  }
0x96: {  	s9 =	simm.s32 $0xA;
	s10 =	simm.s32 $0x10;
	s8 =	sld [smem:$0x3FC4]  }
0x97: {  	[smem:s10], [sflag:s9] =	dma.local [hbm:s5], $0x1  }
0x98: {  	_ =	swait.eq [sflag:s9], $0x1  }
0x99: {  	s17 =	sld [smem:$0x10]  }
0x9a: {  	s18 =	sld [smem:$0x11];
	[sflag:s9] =	ssyncset.done $0x0  }
0x9b: {  	s11 =	sld [smem:$0x12];
	[sflag:s9] =	ssyncadd.s32 $0xFFFFFFFF  }
0x9c: {  	s19 =	sld [smem:$0x13];
	(tm) =	ssettm $0x1  }
0x9d: {  	s12 =	sld [smem:$0x3FFB];
	_ =	sdelay $0x3  }
0x9e: {  	_ =	strace s12  }
0x9f: {  	s12 =	sld [smem:$0x3FFC];
	_ =	sdelay $0x3  }
0xa0: {  	_ =	strace s12  }
0xa1: {  	s12 =	sld [smem:$0x3FFD];
	_ =	sdelay $0x3  }
0xa2: {  	_ =	strace s12  }
0xa3: {  	_ =	strace $0x8FFFFFFF  }
0xa4: {  	s20 =	sld [smem:$0x3FDB];
	_ =	sdelay $0x1  }
0xa5: {  	s13 =	simm.s32 $_scs_section_size  }
0xa6: {  	s14 =	simm.s32 $_size__tile_overlayer_lowered;
	s15 =	simm.s32 $_tile_overlayer_lowered  }
0xa7: {  	s23 =	simm.s32 $0x1BFF;
	s22 =	sshll.u32 s15, $0x1;
	s12 =	sadd.s32 s13, s20  }
0xa8: {  	s16 =	simm.s32 $0x0;
	s21 =	sshll.u32 s14, $0x1;
	s14 =	sadd.s32 s22, s12  }
0xa9: {  	[timem:s16], [sflag:s23] =	dma.local [hbm:s14], s21  }
0xaa: {  	_ =	swait.ge [sflag:s23], s21  }
0xab: {  	s13 =	ssub.s32 $0x0, s21;
	[sflag:s23] =	ssyncset.done $0x0  }
0xac: {  	[sflag:s23] =	ssyncadd.s32 s13;
	_ =	sdelay $0x1  }
0xad: {  	s24 =	simm.s32 $0x1B8B  }
0xae: {  	_ =	swait.ge [sflag:s24], $0x1  }
0xaf: {  	[sflag:s24] =	ssyncset.done $0x0  }
0xb0: {  	s25 =	simm.s32 $0x1B8E;
	[sflag:s24] =	ssyncadd.s32 $0xFFFFFFFF  }
0xb1: {  	s26 =	simm.s32 $execute0_lowered;
	[smem:$0x3FD2] =	sst s25  }
0xb2: {  	s13 =	sshll.u32 s26, $0x1;
	_ =	strace $0x80000046;
	[dreg:$0x1] =	wrdreg $0xFFFFFFFF  }
0xb3: {  	s28 =	simm.s32 $_size_execute0_lowered;
	s12 =	sadd.s32 s12, s13;
	[dreg:$0x0] =	wrdreg $0x0  }
0xb4: {  	s13 =	sshll.u32 s28, $0x1;
	[dreg:$0x2] =	wrdreg s12  }
0xb5: {  	[dreg:$0x3] =	wrdreg s13  }
0xb6: {  	[dreg:$0x4] =	wrdreg $0xC0  }
0xb7: {  	_ =	task [dreg:s16], $0x5FFFF  }
0xb8: {  	[dreg:$0x1] =	wrdreg $0xFFFFFFFF  }
0xb9: {  	[dreg:$0x0] =	wrdreg $0x60  }
0xba: {  	[dreg:$0x2] =	wrdreg s2  }
0xbb: {  	[dreg:$0x3] =	wrdreg s31  }
0xbc: {  	[dreg:$0x4] =	wrdreg s4  }
0xbd: {  	[dreg:$0x5] =	wrdreg s6  }
0xbe: {  	[dreg:$0x6] =	wrdreg s7  }
0xbf: {  	[dreg:$0x7] =	wrdreg s8  }
0xc0: {  	[dreg:$0x8] =	wrdreg s17  }
0xc1: {  	[dreg:$0x9] =	wrdreg s18  }
0xc2: {  	[dreg:$0xa] =	wrdreg s11  }
0xc3: {  	[dreg:$0xb] =	wrdreg s19  }
0xc4: {  	[dreg:$0xc] =	wrdreg $0x9  }
0xc5: {  	_ =	task.clear_ibuf [dreg:s16], $0xDFFFF;
	_ =	strace $0x90000046  }
0xc6: {  	s29 =	simm.s32 $0x9;
	_ =	strace $0x80000048  }
0xc7: {  	_ =	swait.ge [sflag:s29], $0x1  }
0xc8: {  	[sflag:s29] =	ssyncadd.s32 $0xFFFFFFFF  }
0xc9: {  	_ =	strace $0x90000048  }
0xca: {  	_ =	sfence  }
0xcb: {  	s30 =	sld [smem:$0x0];
	_ =	sdelay $0x2  }
0xcc: {  	s31 =	sshll.u32 s1, $0xD;
	s1 =	sshrl.u32 s1, $0x2  }
0xcd: {  	s3 =	sand.u32 $0x4000, s31;
	s1 =	sadd.s32 s1, s30  }
0xce: {  	s0 =	sor.u32 s3, s0;
	s1 =	sshll.u32 s1, $0x11  }
0xcf: {  	s0 =	sor.u32 s1, s0  }
0xd0: {  	s0 =	sadd.s32 $0x8F2B, s0  }
0xd1: {  	[sflag:s0] =	ssyncadd.remote.s32 $0x1  }
0xd2: {  	_ =	sfence.sel $0xFFFF  }
0xd3: {  	[dreg:$0x0] =	wrdreg $0xFFFFFFFF;
	(pc) =	sbr.abs _section_cstart, $3  }
0xd4: {  	[dreg:$0x1] =	wrdreg $0xFFFFFFFF  }
0xd5: {  	_ =	task.clear_ibuf [dreg:s16], $0x2FFFF;
	_ =	strace $0x9FFFFFFF  }
0xd6: {  	(tm) =	ssettm $0x7FFFFFFF  }
0xd7: {  	_ =	shalt  }
tec
execute0_lowered:
.L_overlay_start_1:
0x0: {  	(tag) =	ssettag $0x1  }
0x1: {  	s1 =	rddreg [dreg:$0x0]  }
0x2: {  	s4 =	rddreg [dreg:$0x1]  }
0x3: {  	s8 =	rddreg [dreg:$0x2]  }
0x4: {  	s2 =	rddreg [dreg:$0x4]  }
0x5: {  	s3 =	rddreg [dreg:$0x5]  }
0x6: {  	s9 =	rddreg [dreg:$0x6]  }
0x7: {  	s10 =	rddreg [dreg:$0x7]  }
0x8: {  	s11 =	rddreg [dreg:$0x8]  }
0x9: {  	s12 =	rddreg [dreg:$0x9]  }
0xa: {  	s6 =	srdreg.scid;
	s0 =	stileid.u32  }
0xb: {  	s5 =	simm.s32 $0x0;
	s15 =	simm.s32 $0x2000;
	s16 =	simm.s32 $0x4000  }
0xc: {  	s17 =	simm.s32 $0x6000;
	s18 =	simm.s32 $0x6100;
	s19 =	simm.s32 $0x6200  }
0xd: {  	s20 =	simm.s32 $0x6300;
	s21 =	simm.s32 $0x7300;
	s22 =	simm.s32 $0x8300  }
0xe: {  	s23 =	simm.s32 $0x9300;
	s24 =	simm.s32 $0x0;
	s6 =	sand.u32 $0x1, s6  }
0xf: {  	s7 =	sshll.u32 s0, $0x1;
	[smem:$0x7FF] =	sst s5;
	s13 =	ssub.s32 $0x2, s6  }
0x10: {  	s7 =	sor.u32 s6, s7;
	_ =	strace $0x80000047;
	s30 =	sshrl.u32 s13, $0x1  }
0x11: {  	s14 =	sshll.u32 s7, $0x5;
	s31 =	sshll.u32 s7, $0x9;
	s13 =	ssub.s32 s13, s30  }
0x12: {  	s6 =	sadd.s32 s1, s14;
	s7 =	sadd.s32 s4, s14;
	s8 =	sadd.s32 s8, s14  }
0x13: {  	s9 =	sadd.s32 s9, s31;
	s10 =	sadd.s32 s10, s31;
	s11 =	sadd.s32 s11, s31  }
0x14: {  	v0 =	vimm.f32 $0.0e+00;
	s12 =	sadd.s32 s12, s31;
	s14 =	simm.s32 $0x1;
	s13 =	smax.u32 s13, $0x1  }
.LBB2_1:
0x15: {  	s0 =	rddreg [dreg:$0x3]  }
0x16: {  	[tilespmem:s5], [sflag:$0x1] =	stream.linear.gather [hbm4b:s0+s5], $0x2000, $0x38;
	[tilespmem:$0xA300] =	vst v63  }
0x17: {  	_ =	swait.ge [sflag:s14], $0x2000  }
0x18: {  	[sflag:s14] =	ssyncset.done $0x0  }
0x19: {  	[sflag:s14] =	ssyncadd.s32 $0xFFFFE000  }
0x1a: {  	[tilespmem:s15], [sflag:$0x1] =	stream.linear.gather [hbm4b:s2+s5], $0x2000, $0x38;
	[tilespmem:$0xA300] =	vst v63  }
0x1b: {  	_ =	swait.ge [sflag:s14], $0x2000  }
0x1c: {  	[sflag:s14] =	ssyncset.done $0x0  }
0x1d: {  	[sflag:s14] =	ssyncadd.s32 $0xFFFFE000  }
0x1e: {  	[tilespmem:s16], [sflag:$0x1] =	stream.linear.gather [hbm4b:s3+s5], $0x2000, $0x38;
	[tilespmem:$0xA300] =	vst v63  }
0x1f: {  	_ =	swait.ge [sflag:s14], $0x2000  }
0x20: {  	[sflag:s14] =	ssyncset.done $0x0  }
0x21: {  	[sflag:s14] =	ssyncadd.s32 $0xFFFFE000  }
0x22: {  	[tilespmem:s17], [sflag:$0x1] =	stream.linear.gather [hbm4b:s6+s5], $0x100, $0x38;
	[tilespmem:$0xA300] =	vst v63  }
0x23: {  	_ =	swait.ge [sflag:s14], $0x100  }
0x24: {  	[sflag:s14] =	ssyncset.done $0x0  }
0x25: {  	[sflag:s14] =	ssyncadd.s32 $0xFFFFFF00  }
0x26: {  	[tilespmem:s18], [sflag:$0x1] =	stream.linear.gather [hbm4b:s7+s5], $0x100, $0x38;
	[tilespmem:$0xA300] =	vst v63  }
0x27: {  	_ =	swait.ge [sflag:s14], $0x100  }
0x28: {  	[sflag:s14] =	ssyncset.done $0x0  }
0x29: {  	[sflag:s14] =	ssyncadd.s32 $0xFFFFFF00  }
0x2a: {  	[tilespmem:s19], [sflag:$0x1] =	stream.linear.gather [hbm4b:s8+s5], $0x100, $0x38;
	[tilespmem:$0xA300] =	vst v63  }
0x2b: {  	_ =	swait.ge [sflag:s14], $0x100  }
0x2c: {  	[sflag:s14] =	ssyncset.done $0x0  }
0x2d: {  	s25 =	simm.s32 $0x0;
	[sflag:s14] =	ssyncadd.s32 $0xFFFFFF00  }
.LBB2_2:
0x2e: {  	s1 =	sshll.u32 s25, $0x4  }
0x2f: {  	v1 =	vld [tilespmem:s1+$0x6000]  }
0x30: {  	v2 =	vld [tilespmem:s1+$0x6100]  }
0x31: {  	s26 =	simm.s32 $0x2000;
	v3 =	vld [tilespmem:s1+$0x6200]  }
0x32: {  	s1 =	simm.s32 $0x0;
	v8 =	vld [tilespmem:s26+$0x0]  }
0x33: {  	v7 =	vld [tilespmem:s1+$0x0]  }
0x34: {  	s28 =	simm.s32 $0x4000  }
0x35: {  	v9 =	vld [tilespmem:s28+$0x0]  }
0x36: {  	v4 =	vbroadcast v1, $0x0;
	v5 =	vbroadcast v2, $0x0;
	_ =	sdelay $0x1  }
0x37: {  	v6 =	vbroadcast v3, $0x0;
	v7 =	vsub.f32 v7, v4;
	v8 =	vsub.f32 v8, v5;
	_ =	sdelay $0x1  }
0x38: {  	v9 =	vsub.f32 v9, v6;
	v7 =	vmul.f32 v7, v7;
	v8 =	vmul.f32 v8, v8;
	_ =	sdelay $0x1  }
0x39: {  	v7 =	vadd.f32 v8, v7;
	v8 =	vmul.f32 v9, v9;
	_ =	sdelay $0x1  }
0x3a: {  	v7 =	vadd.f32 v8, v7  }
0x3b: {  	s29 =	simm.f32 $+Inf  }
0x3c: {  	vm0 =	vlt.f32 v7, s29  }
0x3d: {  	v8 =	vsel vm0, $0x3F800000, v0  }
0x3e: {  	(xrf0) =	vmax.scan.msk.f32 $0xffff, v8;
	_ =	sdelay $0x5  }
0x3f: {  	v8, _, _ =	vpop (xrf0)  }
0x40: {  	(v2sf) =	vpush v8, $0xF;
	_ =	sdelay $0xe  }
0x41: {  	s4 =	spop (v2sf)  }
0x42: {  	p0 =	sgt.f32 s4, $0.0e+00;
	_ =	sdelay $0x1  }
0x43: {  	v8 =	vlaneseq.u32 @p0  }
0x44: {  	v9 =	vor.u32 @p0 s1, v8  }
0x45: {  	(xrf1) =	vsort.ascd.msk.f32 @p0 $0xffff, v7, v9;
	_ =	sdelay $0x9  }
0x46: {  	v7 =	vmul.u32 @p0 $0xFFFFFFFF, v8;
	_ =	sdelay $0x1  }
0x47: {  	v8 =	vimm.f32 $+Inf;
	v7 =	vadd.s32 @p0 $0xF, v7  }
0x48: {  	v9 =	vimm.s32 $0x0;
	v10 =	vperm.xlane @p0 v8, v7  }
0x49: {  	v7 =	vperm.xlane @p0 v9, v7;
	v11, v12, _ =	vpop @p0 (xrf1)  }
0x4a: {  	vm0 =	vlt.f32 @p0 v11, v10  }
0x4b: {  	v10 =	vsel @p0 vm0, v11, v10;
	v7 =	vsel @p0 vm0, v12, v7  }
0x4c: {  	(xrf1) =	vsort.ascd.msk.f32 @p0 $0xffff, v10, v7;
	_ =	sdelay $0xd  }
0x4d: {  	v10, v7, _ =	vpop @p0 (xrf1)  }
0x4e: {  	(v2sf) =	vpush @p0 v10, $0xF;
	_ =	sdelay $0x1  }
0x4f: {  	s30 =	simm.s32 $0x10;
	s31 =	simm.s32 $0x10;
	v8 =	vpsel p0, v10, v8;
	v7 =	vpsel p0, v7, v9  }
.LBB2_3:
0x50: {  	v9 =	vld [tilespmem:s30+$0x0];
	s26 =	sadd.s32 $0x10, s26;
	s1 =	smov.u32 s31  }
0x51: {  	s31 =	sadd.s32 $0x10, s31;
	v10 =	vld [tilespmem:s26+$0x0]  }
0x52: {  	s28 =	sadd.s32 $0x10, s28;
	p1 =	sne.s32 s31, $0x2000  }
0x53: {  	v11 =	vld [tilespmem:s28+$0x0];
	_ =	sdelay $0x2  }
0x54: {  	v9 =	vsub.f32 v9, v4;
	v10 =	vsub.f32 v10, v5;
	_ =	sdelay $0x1  }
0x55: {  	v9 =	vmul.f32 v9, v9;
	v10 =	vmul.f32 v10, v10;
	v11 =	vsub.f32 v11, v6;
	_ =	sdelay $0x1  }
0x56: {  	v9 =	vadd.f32 v10, v9;
	v10 =	vmul.f32 v11, v11;
	_ =	sdelay $0x1  }
0x57: {  	v9 =	vadd.f32 v10, v9;
	s4 =	spop @p0 (v2sf)  }
0x58: {  	s29 =	smov.u32 @p0 s4  }
0x59: {  	vm0 =	vlt.f32 v9, s29  }
0x5a: {  	v10 =	vsel vm0, $0x3F800000, v0  }
0x5b: {  	(xrf0) =	vmax.scan.msk.f32 $0xffff, v10;
	_ =	sdelay $0x5  }
0x5c: {  	v10, _, _ =	vpop (xrf0)  }
0x5d: {  	(v2sf) =	vpush v10, $0xF;
	_ =	sdelay $0xe  }
0x5e: {  	s4 =	spop (v2sf)  }
0x5f: {  	p0 =	sgt.f32 s4, $0.0e+00;
	_ =	sdelay $0x1  }
0x60: {  	v10 =	vlaneseq.u32 @p0  }
0x61: {  	v11 =	vor.u32 @p0 s1, v10  }
0x62: {  	(xrf1) =	vsort.ascd.msk.f32 @p0 $0xffff, v9, v11;
	_ =	sdelay $0x9  }
0x63: {  	v9 =	vmul.u32 @p0 $0xFFFFFFFF, v10;
	_ =	sdelay $0x1  }
0x64: {  	v9 =	vadd.s32 @p0 $0xF, v9  }
0x65: {  	v10 =	vperm.xlane @p0 v8, v9  }
0x66: {  	v9 =	vperm.xlane @p0 v7, v9;
	v11, v12, _ =	vpop @p0 (xrf1)  }
0x67: {  	vm0 =	vlt.f32 @p0 v11, v10  }
0x68: {  	v10 =	vsel @p0 vm0, v11, v10;
	v9 =	vsel @p0 vm0, v12, v9  }
0x69: {  	(xrf1) =	vsort.ascd.msk.f32 @p0 $0xffff, v10, v9;
	_ =	sdelay $0xc  }
.Ltmp0:
0x6a: {  	(pc) =	sbr.rel @p1 .LBB2_3-.Ltmp0, $3  }
0x6b: {  	v9, v10, _ =	vpop @p0 (xrf1)  }
0x6c: {  	v8 =	vpsel p0, v9, v8;
	v7 =	vpsel p0, v10, v7;
	(v2sf) =	vpush @p0 v9, $0xF;
	_ =	sdelay $0x1  }
0x6d: {  	s30 =	sadd.s32 $0x10, s30  }
0x6e: {  	v4 =	vshrl.u32 v8, $0x1  }
0x6f: {  	v4 =	vadd.s32 $0x1FBD1DF6, v4  }
0x70: {  	(erf) = vrcp.f32 v4;
	_ =	sdelay $0x8  }
0x71: {  	v5 =	vpop (erf)  }
0x72: {  	v5 =	vmul.f32 v5, v8;
	_ =	sdelay $0x1  }
0x73: {  	v4 =	vadd.f32 v4, v5;
	_ =	sdelay $0x1  }
0x74: {  	v4 =	vmul.f32 $5.000000000e-01, v4;
	_ =	sdelay $0x1  }
0x75: {  	(erf) = vrcp.f32 v4;
	_ =	sdelay $0x8  }
0x76: {  	v5 =	vpop (erf)  }
0x77: {  	v5 =	vmul.f32 v5, v8;
	_ =	sdelay $0x1  }
0x78: {  	v4 =	vadd.f32 v5, v4;
	_ =	sdelay $0x1  }
0x79: {  	v4 =	vmul.f32 $5.000000000e-01, v4;
	_ =	sdelay $0x1  }
0x7a: {  	(erf) = vrcp.f32 v4;
	_ =	sdelay $0x8  }
0x7b: {  	v5 =	vpop (erf)  }
0x7c: {  	v5 =	vmul.f32 v5, v8;
	_ =	sdelay $0x1  }
0x7d: {  	v4 =	vadd.f32 v5, v4;
	_ =	sdelay $0x1  }
0x7e: {  	v4 =	vmul.f32 $5.000000000e-01, v4  }
0x7f: {  	vm0 =	vgt.f32 v8, $0.0e+00  }
0x80: {  	s26 =	sshll.u32 s25, $0x8;
	v4 =	vnsel vm0, $0x0, v4  }
0x81: {  	s1 =	simm.s32 $0x0;
	[tilespmem:s26+$0x6300] =	vst v4  }
0x82: {  	v4 =	vld.idx.msk [tilespmem:v7+s1+$0x0], $0xffff;
	_ =	sdelay $0x4  }
0x83: {  	s28 =	simm.s32 $0x2000;
	[tilespmem:s26+$0x7300] =	vst v4  }
0x84: {  	v4 =	vld.idx.msk [tilespmem:v7+s28+$0x0], $0xffff;
	_ =	sdelay $0x4  }
0x85: {  	s29 =	simm.s32 $0x4000;
	[tilespmem:s26+$0x8300] =	vst v4  }
0x86: {  	v4 =	vld.idx.msk [tilespmem:v7+s29+$0x0], $0xffff;
	_ =	sdelay $0x4  }
0x87: {  	[tilespmem:s26+$0x9300] =	vst v4  }
0x88: {  	v7 =	vld [tilespmem:s1+$0x0]  }
0x89: {  	v8 =	vld [tilespmem:s28+$0x0];
	_ =	sdelay $0x1  }
0x8a: {  	v9 =	vld [tilespmem:s29+$0x0]  }
0x8b: {  	v5 =	vbroadcast v2, $0x1;
	v4 =	vbroadcast v1, $0x1;
	_ =	sdelay $0x1  }
0x8c: {  	v6 =	vbroadcast v3, $0x1;
	v7 =	vsub.f32 v7, v4;
	v8 =	vsub.f32 v8, v5;
	_ =	sdelay $0x1  }
0x8d: {  	v9 =	vsub.f32 v9, v6;
	v7 =	vmul.f32 v7, v7;
	v8 =	vmul.f32 v8, v8;
	_ =	sdelay $0x1  }
0x8e: {  	v7 =	vadd.f32 v8, v7;
	v8 =	vmul.f32 v9, v9;
	_ =	sdelay $0x1  }
0x8f: {  	v7 =	vadd.f32 v8, v7  }
0x90: {  	s30 =	simm.f32 $+Inf  }
0x91: {  	vm15 =	vlt.f32 v7, s30  }
0x92: {  	v8 =	vsel vm15, $0x3F800000, v0  }
0x93: {  	(xrf0) =	vmax.scan.msk.f32 $0xffff, v8;
	_ =	sdelay $0x5  }
0x94: {  	v8, _, _ =	vpop (xrf0)  }
0x95: {  	(v2sf) =	vpush v8, $0xF;
	_ =	sdelay $0xd  }
0x96: {  	s4 =	spop @p0 (v2sf)  }
0x97: {  	s4 =	spop (v2sf)  }
0x98: {  	p0 =	sgt.f32 s4, $0.0e+00;
	_ =	sdelay $0x1  }
0x99: {  	v8 =	vlaneseq.u32 @p0  }
0x9a: {  	v9 =	vor.u32 @p0 s1, v8  }
0x9b: {  	(xrf1) =	vsort.ascd.msk.f32 @p0 $0xffff, v7, v9;
	_ =	sdelay $0x9  }
0x9c: {  	v7 =	vmul.u32 @p0 $0xFFFFFFFF, v8;
	_ =	sdelay $0x1  }
0x9d: {  	v8 =	vimm.f32 $+Inf;
	v7 =	vadd.s32 @p0 $0xF, v7  }
0x9e: {  	v9 =	vimm.s32 $0x0;
	v10 =	vperm.xlane @p0 v8, v7  }
0x9f: {  	v7 =	vperm.xlane @p0 v9, v7;
	v11, v12, _ =	vpop @p0 (xrf1)  }
0xa0: {  	vm0 =	vlt.f32 @p0 v11, v10  }
0xa1: {  	v10 =	vsel @p0 vm0, v11, v10;
	v7 =	vsel @p0 vm0, v12, v7  }
0xa2: {  	(xrf1) =	vsort.ascd.msk.f32 @p0 $0xffff, v10, v7;
	_ =	sdelay $0xd  }
0xa3: {  	v10, v7, _ =	vpop @p0 (xrf1)  }
0xa4: {  	(v2sf) =	vpush @p0 v10, $0xF;
	_ =	sdelay $0x1  }
0xa5: {  	s31 =	simm.s32 $0x10;
	s1 =	simm.s32 $0x10;
	v8 =	vpsel p0, v10, v8;
	v7 =	vpsel p0, v7, v9  }
.LBB2_5:
0xa6: {  	v9 =	vld [tilespmem:s31+$0x0];
	s28 =	sadd.s32 $0x10, s28;
	s4 =	smov.u32 s1  }
0xa7: {  	s1 =	sadd.s32 $0x10, s1;
	v10 =	vld [tilespmem:s28+$0x0]  }
0xa8: {  	s29 =	sadd.s32 $0x10, s29;
	p1 =	sne.s32 s1, $0x2000  }
0xa9: {  	v11 =	vld [tilespmem:s29+$0x0];
	_ =	sdelay $0x2  }
0xaa: {  	v9 =	vsub.f32 v9, v4;
	v10 =	vsub.f32 v10, v5;
	_ =	sdelay $0x1  }
0xab: {  	v9 =	vmul.f32 v9, v9;
	v10 =	vmul.f32 v10, v10;
	v11 =	vsub.f32 v11, v6;
	_ =	sdelay $0x1  }
0xac: {  	v9 =	vadd.f32 v10, v9;
	v10 =	vmul.f32 v11, v11;
	_ =	sdelay $0x1  }
0xad: {  	v9 =	vadd.f32 v10, v9;
	s0 =	spop @p0 (v2sf)  }
0xae: {  	s30 =	smov.u32 @p0 s0  }
0xaf: {  	vm0 =	vlt.f32 v9, s30  }
0xb0: {  	v10 =	vsel vm0, $0x3F800000, v0  }
0xb1: {  	(xrf0) =	vmax.scan.msk.f32 $0xffff, v10;
	_ =	sdelay $0x5  }
0xb2: {  	v10, _, _ =	vpop (xrf0)  }
0xb3: {  	(v2sf) =	vpush v10, $0xF;
	_ =	sdelay $0xe  }
0xb4: {  	s0 =	spop (v2sf)  }
0xb5: {  	p0 =	sgt.f32 s0, $0.0e+00;
	_ =	sdelay $0x1  }
0xb6: {  	v10 =	vlaneseq.u32 @p0  }
0xb7: {  	v11 =	vor.u32 @p0 s4, v10  }
0xb8: {  	(xrf1) =	vsort.ascd.msk.f32 @p0 $0xffff, v9, v11;
	_ =	sdelay $0x9  }
0xb9: {  	v9 =	vmul.u32 @p0 $0xFFFFFFFF, v10;
	_ =	sdelay $0x1  }
0xba: {  	v9 =	vadd.s32 @p0 $0xF, v9  }
0xbb: {  	v10 =	vperm.xlane @p0 v8, v9  }
0xbc: {  	v9 =	vperm.xlane @p0 v7, v9;
	v11, v12, _ =	vpop @p0 (xrf1)  }
0xbd: {  	vm0 =	vlt.f32 @p0 v11, v10  }
0xbe: {  	v10 =	vsel @p0 vm0, v11, v10;
	v9 =	vsel @p0 vm0, v12, v9  }
0xbf: {  	(xrf1) =	vsort.ascd.msk.f32 @p0 $0xffff, v10, v9;
	_ =	sdelay $0xc  }
.Ltmp1:
0xc0: {  	(pc) =	sbr.rel @p1 .LBB2_5-.Ltmp1, $3  }
0xc1: {  	v9, v10, _ =	vpop @p0 (xrf1)  }
0xc2: {  	v8 =	vpsel p0, v9, v8;
	v7 =	vpsel p0, v10, v7;
	(v2sf) =	vpush @p0 v9, $0xF;
	_ =	sdelay $0x1  }
0xc3: {  	s31 =	sadd.s32 $0x10, s31  }
0xc4: {  	v4 =	vshrl.u32 v8, $0x1  }
0xc5: {  	v4 =	vadd.s32 $0x1FBD1DF6, v4  }
0xc6: {  	(erf) = vrcp.f32 v4;
	_ =	sdelay $0x8  }
0xc7: {  	v5 =	vpop (erf)  }
0xc8: {  	v5 =	vmul.f32 v5, v8;
	_ =	sdelay $0x1  }
0xc9: {  	v4 =	vadd.f32 v4, v5;
	_ =	sdelay $0x1  }
0xca: {  	v4 =	vmul.f32 $5.000000000e-01, v4;
	_ =	sdelay $0x1  }
0xcb: {  	(erf) = vrcp.f32 v4;
	_ =	sdelay $0x8  }
0xcc: {  	v5 =	vpop (erf)  }
0xcd: {  	v5 =	vmul.f32 v5, v8;
	_ =	sdelay $0x1  }
0xce: {  	v4 =	vadd.f32 v5, v4;
	_ =	sdelay $0x1  }
0xcf: {  	v4 =	vmul.f32 $5.000000000e-01, v4;
	_ =	sdelay $0x1  }
0xd0: {  	(erf) = vrcp.f32 v4;
	_ =	sdelay $0x8  }
0xd1: {  	v5 =	vpop (erf)  }
0xd2: {  	v5 =	vmul.f32 v5, v8;
	_ =	sdelay $0x1  }
0xd3: {  	v4 =	vadd.f32 v5, v4;
	_ =	sdelay $0x1  }
0xd4: {  	v4 =	vmul.f32 $5.000000000e-01, v4  }
0xd5: {  	vm0 =	vgt.f32 v8, $0.0e+00  }
0xd6: {  	v4 =	vnsel vm0, $0x0, v4  }
0xd7: {  	s0 =	simm.s32 $0x0;
	[tilespmem:s26+$0x6310] =	vst v4  }
0xd8: {  	v4 =	vld.idx.msk [tilespmem:v7+s0+$0x0], $0xffff;
	_ =	sdelay $0x4  }
0xd9: {  	s28 =	simm.s32 $0x2000;
	[tilespmem:s26+$0x7310] =	vst v4  }
0xda: {  	v4 =	vld.idx.msk [tilespmem:v7+s28+$0x0], $0xffff;
	_ =	sdelay $0x4  }
0xdb: {  	s29 =	simm.s32 $0x4000;
	[tilespmem:s26+$0x8310] =	vst v4  }
0xdc: {  	v4 =	vld.idx.msk [tilespmem:v7+s29+$0x0], $0xffff;
	_ =	sdelay $0x4  }
0xdd: {  	[tilespmem:s26+$0x9310] =	vst v4  }
0xde: {  	v7 =	vld [tilespmem:s0+$0x0]  }
0xdf: {  	v8 =	vld [tilespmem:s28+$0x0];
	_ =	sdelay $0x1  }
0xe0: {  	v9 =	vld [tilespmem:s29+$0x0]  }
0xe1: {  	v5 =	vbroadcast v2, $0x2;
	v4 =	vbroadcast v1, $0x2;
	_ =	sdelay $0x1  }
0xe2: {  	v6 =	vbroadcast v3, $0x2;
	v7 =	vsub.f32 v7, v4;
	v8 =	vsub.f32 v8, v5;
	_ =	sdelay $0x1  }
0xe3: {  	v9 =	vsub.f32 v9, v6;
	v7 =	vmul.f32 v7, v7;
	v8 =	vmul.f32 v8, v8;
	_ =	sdelay $0x1  }
0xe4: {  	v7 =	vadd.f32 v8, v7;
	v8 =	vmul.f32 v9, v9;
	_ =	sdelay $0x1  }
0xe5: {  	v7 =	vadd.f32 v8, v7  }
0xe6: {  	s30 =	simm.f32 $+Inf  }
0xe7: {  	vm15 =	vlt.f32 v7, s30  }
0xe8: {  	v8 =	vsel vm15, $0x3F800000, v0  }
0xe9: {  	(xrf0) =	vmax.scan.msk.f32 $0xffff, v8;
	_ =	sdelay $0x5  }
0xea: {  	v8, _, _ =	vpop (xrf0)  }
0xeb: {  	(v2sf) =	vpush v8, $0xF;
	_ =	sdelay $0xd  }
0xec: {  	s1 =	spop @p0 (v2sf)  }
0xed: {  	s1 =	spop (v2sf)  }
0xee: {  	p0 =	sgt.f32 s1, $0.0e+00;
	_ =	sdelay $0x1  }
0xef: {  	v8 =	vlaneseq.u32 @p0  }
0xf0: {  	v9 =	vor.u32 @p0 s0, v8  }
0xf1: {  	(xrf1) =	vsort.ascd.msk.f32 @p0 $0xffff, v7, v9;
	_ =	sdelay $0x9  }
0xf2: {  	v7 =	vmul.u32 @p0 $0xFFFFFFFF, v8;
	_ =	sdelay $0x1  }
0xf3: {  	v8 =	vimm.f32 $+Inf;
	v7 =	vadd.s32 @p0 $0xF, v7  }
0xf4: {  	v9 =	vimm.s32 $0x0;
	v10 =	vperm.xlane @p0 v8, v7  }
0xf5: {  	v7 =	vperm.xlane @p0 v9, v7;
	v11, v12, _ =	vpop @p0 (xrf1)  }
0xf6: {  	vm0 =	vlt.f32 @p0 v11, v10  }
0xf7: {  	v10 =	vsel @p0 vm0, v11, v10;
	v7 =	vsel @p0 vm0, v12, v7  }
0xf8: {  	(xrf1) =	vsort.ascd.msk.f32 @p0 $0xffff, v10, v7;
	_ =	sdelay $0xd  }
0xf9: {  	v10, v7, _ =	vpop @p0 (xrf1)  }
0xfa: {  	(v2sf) =	vpush @p0 v10, $0xF;
	_ =	sdelay $0x1  }
0xfb: {  	s31 =	simm.s32 $0x10;
	s1 =	simm.s32 $0x10;
	v8 =	vpsel p0, v10, v8;
	v7 =	vpsel p0, v7, v9  }
.LBB2_7:
0xfc: {  	v9 =	vld [tilespmem:s31+$0x0];
	s28 =	sadd.s32 $0x10, s28;
	s4 =	smov.u32 s1  }
0xfd: {  	s1 =	sadd.s32 $0x10, s1;
	v10 =	vld [tilespmem:s28+$0x0]  }
0xfe: {  	s29 =	sadd.s32 $0x10, s29;
	p1 =	sne.s32 s1, $0x2000  }
0xff: {  	v11 =	vld [tilespmem:s29+$0x0];
	_ =	sdelay $0x2  }
0x100: {  	v9 =	vsub.f32 v9, v4;
	v10 =	vsub.f32 v10, v5;
	_ =	sdelay $0x1  }
0x101: {  	v9 =	vmul.f32 v9, v9;
	v10 =	vmul.f32 v10, v10;
	v11 =	vsub.f32 v11, v6;
	_ =	sdelay $0x1  }
0x102: {  	v9 =	vadd.f32 v10, v9;
	v10 =	vmul.f32 v11, v11;
	_ =	sdelay $0x1  }
0x103: {  	v9 =	vadd.f32 v10, v9;
	s0 =	spop @p0 (v2sf)  }
0x104: {  	s30 =	smov.u32 @p0 s0  }
0x105: {  	vm0 =	vlt.f32 v9, s30  }
0x106: {  	v10 =	vsel vm0, $0x3F800000, v0  }
0x107: {  	(xrf0) =	vmax.scan.msk.f32 $0xffff, v10;
	_ =	sdelay $0x5  }
0x108: {  	v10, _, _ =	vpop (xrf0)  }
0x109: {  	(v2sf) =	vpush v10, $0xF;
	_ =	sdelay $0xe  }
0x10a: {  	s0 =	spop (v2sf)  }
0x10b: {  	p0 =	sgt.f32 s0, $0.0e+00;
	_ =	sdelay $0x1  }
0x10c: {  	v10 =	vlaneseq.u32 @p0  }
0x10d: {  	v11 =	vor.u32 @p0 s4, v10  }
0x10e: {  	(xrf1) =	vsort.ascd.msk.f32 @p0 $0xffff, v9, v11;
	_ =	sdelay $0x9  }
0x10f: {  	v9 =	vmul.u32 @p0 $0xFFFFFFFF, v10;
	_ =	sdelay $0x1  }
0x110: {  	v9 =	vadd.s32 @p0 $0xF, v9  }
0x111: {  	v10 =	vperm.xlane @p0 v8, v9  }
0x112: {  	v9 =	vperm.xlane @p0 v7, v9;
	v11, v12, _ =	vpop @p0 (xrf1)  }
0x113: {  	vm0 =	vlt.f32 @p0 v11, v10  }
0x114: {  	v10 =	vsel @p0 vm0, v11, v10;
	v9 =	vsel @p0 vm0, v12, v9  }
0x115: {  	(xrf1) =	vsort.ascd.msk.f32 @p0 $0xffff, v10, v9;
	_ =	sdelay $0xc  }
.Ltmp2:
0x116: {  	(pc) =	sbr.rel @p1 .LBB2_7-.Ltmp2, $3  }
0x117: {  	v9, v10, _ =	vpop @p0 (xrf1)  }
0x118: {  	v8 =	vpsel p0, v9, v8;
	v7 =	vpsel p0, v10, v7;
	(v2sf) =	vpush @p0 v9, $0xF;
	_ =	sdelay $0x1  }
0x119: {  	s31 =	sadd.s32 $0x10, s31  }
0x11a: {  	v4 =	vshrl.u32 v8, $0x1  }
0x11b: {  	v4 =	vadd.s32 $0x1FBD1DF6, v4  }
0x11c: {  	(erf) = vrcp.f32 v4;
	_ =	sdelay $0x8  }
0x11d: {  	v5 =	vpop (erf)  }
0x11e: {  	v5 =	vmul.f32 v5, v8;
	_ =	sdelay $0x1  }
0x11f: {  	v4 =	vadd.f32 v4, v5;
	_ =	sdelay $0x1  }
0x120: {  	v4 =	vmul.f32 $5.000000000e-01, v4;
	_ =	sdelay $0x1  }
0x121: {  	(erf) = vrcp.f32 v4;
	_ =	sdelay $0x8  }
0x122: {  	v5 =	vpop (erf)  }
0x123: {  	v5 =	vmul.f32 v5, v8;
	_ =	sdelay $0x1  }
0x124: {  	v4 =	vadd.f32 v5, v4;
	_ =	sdelay $0x1  }
0x125: {  	v4 =	vmul.f32 $5.000000000e-01, v4;
	_ =	sdelay $0x1  }
0x126: {  	(erf) = vrcp.f32 v4;
	_ =	sdelay $0x8  }
0x127: {  	v5 =	vpop (erf)  }
0x128: {  	v5 =	vmul.f32 v5, v8;
	_ =	sdelay $0x1  }
0x129: {  	v4 =	vadd.f32 v5, v4;
	_ =	sdelay $0x1  }
0x12a: {  	v4 =	vmul.f32 $5.000000000e-01, v4  }
0x12b: {  	vm0 =	vgt.f32 v8, $0.0e+00  }
0x12c: {  	v4 =	vnsel vm0, $0x0, v4  }
0x12d: {  	s0 =	simm.s32 $0x0;
	[tilespmem:s26+$0x6320] =	vst v4  }
0x12e: {  	v4 =	vld.idx.msk [tilespmem:v7+s0+$0x0], $0xffff;
	_ =	sdelay $0x4  }
0x12f: {  	s28 =	simm.s32 $0x2000;
	[tilespmem:s26+$0x7320] =	vst v4  }
0x130: {  	v4 =	vld.idx.msk [tilespmem:v7+s28+$0x0], $0xffff;
	_ =	sdelay $0x4  }
0x131: {  	s29 =	simm.s32 $0x4000;
	[tilespmem:s26+$0x8320] =	vst v4  }
0x132: {  	v4 =	vld.idx.msk [tilespmem:v7+s29+$0x0], $0xffff;
	_ =	sdelay $0x4  }
0x133: {  	[tilespmem:s26+$0x9320] =	vst v4  }
0x134: {  	v7 =	vld [tilespmem:s0+$0x0]  }
0x135: {  	v8 =	vld [tilespmem:s28+$0x0];
	_ =	sdelay $0x1  }
0x136: {  	v9 =	vld [tilespmem:s29+$0x0]  }
0x137: {  	v5 =	vbroadcast v2, $0x3;
	v4 =	vbroadcast v1, $0x3;
	_ =	sdelay $0x1  }
0x138: {  	v6 =	vbroadcast v3, $0x3;
	v7 =	vsub.f32 v7, v4;
	v8 =	vsub.f32 v8, v5;
	_ =	sdelay $0x1  }
0x139: {  	v9 =	vsub.f32 v9, v6;
	v7 =	vmul.f32 v7, v7;
	v8 =	vmul.f32 v8, v8;
	_ =	sdelay $0x1  }
0x13a: {  	v7 =	vadd.f32 v8, v7;
	v8 =	vmul.f32 v9, v9;
	_ =	sdelay $0x1  }
0x13b: {  	v7 =	vadd.f32 v8, v7  }
0x13c: {  	s30 =	simm.f32 $+Inf  }
0x13d: {  	vm15 =	vlt.f32 v7, s30  }
0x13e: {  	v8 =	vsel vm15, $0x3F800000, v0  }
0x13f: {  	(xrf0) =	vmax.scan.msk.f32 $0xffff, v8;
	_ =	sdelay $0x5  }
0x140: {  	v8, _, _ =	vpop (xrf0)  }
0x141: {  	(v2sf) =	vpush v8, $0xF;
	_ =	sdelay $0xd  }
0x142: {  	s1 =	spop @p0 (v2sf)  }
0x143: {  	s1 =	spop (v2sf)  }
0x144: {  	p0 =	sgt.f32 s1, $0.0e+00;
	_ =	sdelay $0x1  }
0x145: {  	v8 =	vlaneseq.u32 @p0  }
0x146: {  	v9 =	vor.u32 @p0 s0, v8  }
0x147: {  	(xrf1) =	vsort.ascd.msk.f32 @p0 $0xffff, v7, v9;
	_ =	sdelay $0x9  }
0x148: {  	v7 =	vmul.u32 @p0 $0xFFFFFFFF, v8;
	_ =	sdelay $0x1  }
0x149: {  	v8 =	vimm.f32 $+Inf;
	v7 =	vadd.s32 @p0 $0xF, v7  }
0x14a: {  	v9 =	vimm.s32 $0x0;
	v10 =	vperm.xlane @p0 v8, v7  }
0x14b: {  	v7 =	vperm.xlane @p0 v9, v7;
	v11, v12, _ =	vpop @p0 (xrf1)  }
0x14c: {  	vm0 =	vlt.f32 @p0 v11, v10  }
0x14d: {  	v10 =	vsel @p0 vm0, v11, v10;
	v7 =	vsel @p0 vm0, v12, v7  }
0x14e: {  	(xrf1) =	vsort.ascd.msk.f32 @p0 $0xffff, v10, v7;
	_ =	sdelay $0xd  }
0x14f: {  	v10, v7, _ =	vpop @p0 (xrf1)  }
0x150: {  	(v2sf) =	vpush @p0 v10, $0xF;
	_ =	sdelay $0x1  }
0x151: {  	s31 =	simm.s32 $0x10;
	s1 =	simm.s32 $0x10;
	v8 =	vpsel p0, v10, v8;
	v7 =	vpsel p0, v7, v9  }
.LBB2_9:
0x152: {  	v9 =	vld [tilespmem:s31+$0x0];
	s28 =	sadd.s32 $0x10, s28;
	s4 =	smov.u32 s1  }
0x153: {  	s1 =	sadd.s32 $0x10, s1;
	v10 =	vld [tilespmem:s28+$0x0]  }
0x154: {  	s29 =	sadd.s32 $0x10, s29;
	p1 =	sne.s32 s1, $0x2000  }
0x155: {  	v11 =	vld [tilespmem:s29+$0x0];
	_ =	sdelay $0x2  }
0x156: {  	v9 =	vsub.f32 v9, v4;
	v10 =	vsub.f32 v10, v5;
	_ =	sdelay $0x1  }
0x157: {  	v9 =	vmul.f32 v9, v9;
	v10 =	vmul.f32 v10, v10;
	v11 =	vsub.f32 v11, v6;
	_ =	sdelay $0x1  }
0x158: {  	v9 =	vadd.f32 v10, v9;
	v10 =	vmul.f32 v11, v11;
	_ =	sdelay $0x1  }
0x159: {  	v9 =	vadd.f32 v10, v9;
	s0 =	spop @p0 (v2sf)  }
0x15a: {  	s30 =	smov.u32 @p0 s0  }
0x15b: {  	vm0 =	vlt.f32 v9, s30  }
0x15c: {  	v10 =	vsel vm0, $0x3F800000, v0  }
0x15d: {  	(xrf0) =	vmax.scan.msk.f32 $0xffff, v10;
	_ =	sdelay $0x5  }
0x15e: {  	v10, _, _ =	vpop (xrf0)  }
0x15f: {  	(v2sf) =	vpush v10, $0xF;
	_ =	sdelay $0xe  }
0x160: {  	s0 =	spop (v2sf)  }
0x161: {  	p0 =	sgt.f32 s0, $0.0e+00;
	_ =	sdelay $0x1  }
0x162: {  	v10 =	vlaneseq.u32 @p0  }
0x163: {  	v11 =	vor.u32 @p0 s4, v10  }
0x164: {  	(xrf1) =	vsort.ascd.msk.f32 @p0 $0xffff, v9, v11;
	_ =	sdelay $0x9  }
0x165: {  	v9 =	vmul.u32 @p0 $0xFFFFFFFF, v10;
	_ =	sdelay $0x1  }
0x166: {  	v9 =	vadd.s32 @p0 $0xF, v9  }
0x167: {  	v10 =	vperm.xlane @p0 v8, v9  }
0x168: {  	v9 =	vperm.xlane @p0 v7, v9;
	v11, v12, _ =	vpop @p0 (xrf1)  }
0x169: {  	vm0 =	vlt.f32 @p0 v11, v10  }
0x16a: {  	v10 =	vsel @p0 vm0, v11, v10;
	v9 =	vsel @p0 vm0, v12, v9  }
0x16b: {  	(xrf1) =	vsort.ascd.msk.f32 @p0 $0xffff, v10, v9;
	_ =	sdelay $0xc  }
.Ltmp3:
0x16c: {  	(pc) =	sbr.rel @p1 .LBB2_9-.Ltmp3, $3  }
0x16d: {  	v9, v10, _ =	vpop @p0 (xrf1)  }
0x16e: {  	v8 =	vpsel p0, v9, v8;
	v7 =	vpsel p0, v10, v7;
	(v2sf) =	vpush @p0 v9, $0xF;
	_ =	sdelay $0x1  }
0x16f: {  	s31 =	sadd.s32 $0x10, s31  }
0x170: {  	v4 =	vshrl.u32 v8, $0x1  }
0x171: {  	v4 =	vadd.s32 $0x1FBD1DF6, v4  }
0x172: {  	(erf) = vrcp.f32 v4;
	_ =	sdelay $0x8  }
0x173: {  	v5 =	vpop (erf)  }
0x174: {  	v5 =	vmul.f32 v5, v8;
	_ =	sdelay $0x1  }
0x175: {  	v4 =	vadd.f32 v4, v5;
	_ =	sdelay $0x1  }
0x176: {  	v4 =	vmul.f32 $5.000000000e-01, v4;
	_ =	sdelay $0x1  }
0x177: {  	(erf) = vrcp.f32 v4;
	_ =	sdelay $0x8  }
0x178: {  	v5 =	vpop (erf)  }
0x179: {  	v5 =	vmul.f32 v5, v8;
	_ =	sdelay $0x1  }
0x17a: {  	v4 =	vadd.f32 v5, v4;
	_ =	sdelay $0x1  }
0x17b: {  	v4 =	vmul.f32 $5.000000000e-01, v4;
	_ =	sdelay $0x1  }
0x17c: {  	(erf) = vrcp.f32 v4;
	_ =	sdelay $0x8  }
0x17d: {  	v5 =	vpop (erf)  }
0x17e: {  	v5 =	vmul.f32 v5, v8;
	_ =	sdelay $0x1  }
0x17f: {  	v4 =	vadd.f32 v5, v4;
	_ =	sdelay $0x1  }
0x180: {  	v4 =	vmul.f32 $5.000000000e-01, v4  }
0x181: {  	vm0 =	vgt.f32 v8, $0.0e+00  }
0x182: {  	v4 =	vnsel vm0, $0x0, v4  }
0x183: {  	s0 =	simm.s32 $0x0;
	[tilespmem:s26+$0x6330] =	vst v4  }
0x184: {  	v4 =	vld.idx.msk [tilespmem:v7+s0+$0x0], $0xffff;
	_ =	sdelay $0x4  }
0x185: {  	s28 =	simm.s32 $0x2000;
	[tilespmem:s26+$0x7330] =	vst v4  }
0x186: {  	v4 =	vld.idx.msk [tilespmem:v7+s28+$0x0], $0xffff;
	_ =	sdelay $0x4  }
0x187: {  	s29 =	simm.s32 $0x4000;
	[tilespmem:s26+$0x8330] =	vst v4  }
0x188: {  	v4 =	vld.idx.msk [tilespmem:v7+s29+$0x0], $0xffff;
	_ =	sdelay $0x4  }
0x189: {  	[tilespmem:s26+$0x9330] =	vst v4  }
0x18a: {  	v7 =	vld [tilespmem:s0+$0x0]  }
0x18b: {  	v8 =	vld [tilespmem:s28+$0x0];
	_ =	sdelay $0x1  }
0x18c: {  	v9 =	vld [tilespmem:s29+$0x0]  }
0x18d: {  	v5 =	vbroadcast v2, $0x4;
	v4 =	vbroadcast v1, $0x4;
	_ =	sdelay $0x1  }
0x18e: {  	v6 =	vbroadcast v3, $0x4;
	v7 =	vsub.f32 v7, v4;
	v8 =	vsub.f32 v8, v5;
	_ =	sdelay $0x1  }
0x18f: {  	v9 =	vsub.f32 v9, v6;
	v7 =	vmul.f32 v7, v7;
	v8 =	vmul.f32 v8, v8;
	_ =	sdelay $0x1  }
0x190: {  	v7 =	vadd.f32 v8, v7;
	v8 =	vmul.f32 v9, v9;
	_ =	sdelay $0x1  }
0x191: {  	v7 =	vadd.f32 v8, v7  }
0x192: {  	s30 =	simm.f32 $+Inf  }
0x193: {  	vm15 =	vlt.f32 v7, s30  }
0x194: {  	v8 =	vsel vm15, $0x3F800000, v0  }
0x195: {  	(xrf0) =	vmax.scan.msk.f32 $0xffff, v8;
	_ =	sdelay $0x5  }
0x196: {  	v8, _, _ =	vpop (xrf0)  }
0x197: {  	(v2sf) =	vpush v8, $0xF;
	_ =	sdelay $0xd  }
0x198: {  	s1 =	spop @p0 (v2sf)  }
0x199: {  	s1 =	spop (v2sf)  }
0x19a: {  	p0 =	sgt.f32 s1, $0.0e+00;
	_ =	sdelay $0x1  }
0x19b: {  	v8 =	vlaneseq.u32 @p0  }
0x19c: {  	v9 =	vor.u32 @p0 s0, v8  }
0x19d: {  	(xrf1) =	vsort.ascd.msk.f32 @p0 $0xffff, v7, v9;
	_ =	sdelay $0x9  }
0x19e: {  	v7 =	vmul.u32 @p0 $0xFFFFFFFF, v8;
	_ =	sdelay $0x1  }
0x19f: {  	v8 =	vimm.f32 $+Inf;
	v7 =	vadd.s32 @p0 $0xF, v7  }
0x1a0: {  	v9 =	vimm.s32 $0x0;
	v10 =	vperm.xlane @p0 v8, v7  }
0x1a1: {  	v7 =	vperm.xlane @p0 v9, v7;
	v11, v12, _ =	vpop @p0 (xrf1)  }
0x1a2: {  	vm0 =	vlt.f32 @p0 v11, v10  }
0x1a3: {  	v10 =	vsel @p0 vm0, v11, v10;
	v7 =	vsel @p0 vm0, v12, v7  }
0x1a4: {  	(xrf1) =	vsort.ascd.msk.f32 @p0 $0xffff, v10, v7;
	_ =	sdelay $0xd  }
0x1a5: {  	v10, v7, _ =	vpop @p0 (xrf1)  }
0x1a6: {  	(v2sf) =	vpush @p0 v10, $0xF;
	_ =	sdelay $0x1  }
0x1a7: {  	s31 =	simm.s32 $0x10;
	s1 =	simm.s32 $0x10;
	v8 =	vpsel p0, v10, v8;
	v7 =	vpsel p0, v7, v9  }
.LBB2_11:
0x1a8: {  	v9 =	vld [tilespmem:s31+$0x0];
	s28 =	sadd.s32 $0x10, s28;
	s4 =	smov.u32 s1  }
0x1a9: {  	s1 =	sadd.s32 $0x10, s1;
	v10 =	vld [tilespmem:s28+$0x0]  }
0x1aa: {  	s29 =	sadd.s32 $0x10, s29;
	p1 =	sne.s32 s1, $0x2000  }
0x1ab: {  	v11 =	vld [tilespmem:s29+$0x0];
	_ =	sdelay $0x2  }
0x1ac: {  	v9 =	vsub.f32 v9, v4;
	v10 =	vsub.f32 v10, v5;
	_ =	sdelay $0x1  }
0x1ad: {  	v9 =	vmul.f32 v9, v9;
	v10 =	vmul.f32 v10, v10;
	v11 =	vsub.f32 v11, v6;
	_ =	sdelay $0x1  }
0x1ae: {  	v9 =	vadd.f32 v10, v9;
	v10 =	vmul.f32 v11, v11;
	_ =	sdelay $0x1  }
0x1af: {  	v9 =	vadd.f32 v10, v9;
	s0 =	spop @p0 (v2sf)  }
0x1b0: {  	s30 =	smov.u32 @p0 s0  }
0x1b1: {  	vm0 =	vlt.f32 v9, s30  }
0x1b2: {  	v10 =	vsel vm0, $0x3F800000, v0  }
0x1b3: {  	(xrf0) =	vmax.scan.msk.f32 $0xffff, v10;
	_ =	sdelay $0x5  }
0x1b4: {  	v10, _, _ =	vpop (xrf0)  }
0x1b5: {  	(v2sf) =	vpush v10, $0xF;
	_ =	sdelay $0xe  }
0x1b6: {  	s0 =	spop (v2sf)  }
0x1b7: {  	p0 =	sgt.f32 s0, $0.0e+00;
	_ =	sdelay $0x1  }
0x1b8: {  	v10 =	vlaneseq.u32 @p0  }
0x1b9: {  	v11 =	vor.u32 @p0 s4, v10  }
0x1ba: {  	(xrf1) =	vsort.ascd.msk.f32 @p0 $0xffff, v9, v11;
	_ =	sdelay $0x9  }
0x1bb: {  	v9 =	vmul.u32 @p0 $0xFFFFFFFF, v10;
	_ =	sdelay $0x1  }
0x1bc: {  	v9 =	vadd.s32 @p0 $0xF, v9  }
0x1bd: {  	v10 =	vperm.xlane @p0 v8, v9  }
0x1be: {  	v9 =	vperm.xlane @p0 v7, v9;
	v11, v12, _ =	vpop @p0 (xrf1)  }
0x1bf: {  	vm0 =	vlt.f32 @p0 v11, v10  }
0x1c0: {  	v10 =	vsel @p0 vm0, v11, v10;
	v9 =	vsel @p0 vm0, v12, v9  }
0x1c1: {  	(xrf1) =	vsort.ascd.msk.f32 @p0 $0xffff, v10, v9;
	_ =	sdelay $0xc  }
.Ltmp4:
0x1c2: {  	(pc) =	sbr.rel @p1 .LBB2_11-.Ltmp4, $3  }
0x1c3: {  	v9, v10, _ =	vpop @p0 (xrf1)  }
0x1c4: {  	v8 =	vpsel p0, v9, v8;
	v7 =	vpsel p0, v10, v7;
	(v2sf) =	vpush @p0 v9, $0xF;
	_ =	sdelay $0x1  }
0x1c5: {  	s31 =	sadd.s32 $0x10, s31  }
0x1c6: {  	v4 =	vshrl.u32 v8, $0x1  }
0x1c7: {  	v4 =	vadd.s32 $0x1FBD1DF6, v4  }
0x1c8: {  	(erf) = vrcp.f32 v4;
	_ =	sdelay $0x8  }
0x1c9: {  	v5 =	vpop (erf)  }
0x1ca: {  	v5 =	vmul.f32 v5, v8;
	_ =	sdelay $0x1  }
0x1cb: {  	v4 =	vadd.f32 v4, v5;
	_ =	sdelay $0x1  }
0x1cc: {  	v4 =	vmul.f32 $5.000000000e-01, v4;
	_ =	sdelay $0x1  }
0x1cd: {  	(erf) = vrcp.f32 v4;
	_ =	sdelay $0x8  }
0x1ce: {  	v5 =	vpop (erf)  }
0x1cf: {  	v5 =	vmul.f32 v5, v8;
	_ =	sdelay $0x1  }
0x1d0: {  	v4 =	vadd.f32 v5, v4;
	_ =	sdelay $0x1  }
0x1d1: {  	v4 =	vmul.f32 $5.000000000e-01, v4;
	_ =	sdelay $0x1  }
0x1d2: {  	(erf) = vrcp.f32 v4;
	_ =	sdelay $0x8  }
0x1d3: {  	v5 =	vpop (erf)  }
0x1d4: {  	v5 =	vmul.f32 v5, v8;
	_ =	sdelay $0x1  }
0x1d5: {  	v4 =	vadd.f32 v5, v4;
	_ =	sdelay $0x1  }
0x1d6: {  	v4 =	vmul.f32 $5.000000000e-01, v4  }
0x1d7: {  	vm0 =	vgt.f32 v8, $0.0e+00  }
0x1d8: {  	v4 =	vnsel vm0, $0x0, v4  }
0x1d9: {  	s0 =	simm.s32 $0x0;
	[tilespmem:s26+$0x6340] =	vst v4  }
0x1da: {  	v4 =	vld.idx.msk [tilespmem:v7+s0+$0x0], $0xffff;
	_ =	sdelay $0x4  }
0x1db: {  	s28 =	simm.s32 $0x2000;
	[tilespmem:s26+$0x7340] =	vst v4  }
0x1dc: {  	v4 =	vld.idx.msk [tilespmem:v7+s28+$0x0], $0xffff;
	_ =	sdelay $0x4  }
0x1dd: {  	s29 =	simm.s32 $0x4000;
	[tilespmem:s26+$0x8340] =	vst v4  }
0x1de: {  	v4 =	vld.idx.msk [tilespmem:v7+s29+$0x0], $0xffff;
	_ =	sdelay $0x4  }
0x1df: {  	[tilespmem:s26+$0x9340] =	vst v4  }
0x1e0: {  	v7 =	vld [tilespmem:s0+$0x0]  }
0x1e1: {  	v8 =	vld [tilespmem:s28+$0x0];
	_ =	sdelay $0x1  }
0x1e2: {  	v9 =	vld [tilespmem:s29+$0x0]  }
0x1e3: {  	v5 =	vbroadcast v2, $0x5;
	v4 =	vbroadcast v1, $0x5;
	_ =	sdelay $0x1  }
0x1e4: {  	v6 =	vbroadcast v3, $0x5;
	v7 =	vsub.f32 v7, v4;
	v8 =	vsub.f32 v8, v5;
	_ =	sdelay $0x1  }
0x1e5: {  	v9 =	vsub.f32 v9, v6;
	v7 =	vmul.f32 v7, v7;
	v8 =	vmul.f32 v8, v8;
	_ =	sdelay $0x1  }
0x1e6: {  	v7 =	vadd.f32 v8, v7;
	v8 =	vmul.f32 v9, v9;
	_ =	sdelay $0x1  }
0x1e7: {  	v7 =	vadd.f32 v8, v7  }
0x1e8: {  	s30 =	simm.f32 $+Inf  }
0x1e9: {  	vm15 =	vlt.f32 v7, s30  }
0x1ea: {  	v8 =	vsel vm15, $0x3F800000, v0  }
0x1eb: {  	(xrf0) =	vmax.scan.msk.f32 $0xffff, v8;
	_ =	sdelay $0x5  }
0x1ec: {  	v8, _, _ =	vpop (xrf0)  }
0x1ed: {  	(v2sf) =	vpush v8, $0xF;
	_ =	sdelay $0xd  }
0x1ee: {  	s1 =	spop @p0 (v2sf)  }
0x1ef: {  	s1 =	spop (v2sf)  }
0x1f0: {  	p0 =	sgt.f32 s1, $0.0e+00;
	_ =	sdelay $0x1  }
0x1f1: {  	v8 =	vlaneseq.u32 @p0  }
0x1f2: {  	v9 =	vor.u32 @p0 s0, v8  }
0x1f3: {  	(xrf1) =	vsort.ascd.msk.f32 @p0 $0xffff, v7, v9;
	_ =	sdelay $0x9  }
0x1f4: {  	v7 =	vmul.u32 @p0 $0xFFFFFFFF, v8;
	_ =	sdelay $0x1  }
0x1f5: {  	v8 =	vimm.f32 $+Inf;
	v7 =	vadd.s32 @p0 $0xF, v7  }
0x1f6: {  	v9 =	vimm.s32 $0x0;
	v10 =	vperm.xlane @p0 v8, v7  }
0x1f7: {  	v7 =	vperm.xlane @p0 v9, v7;
	v11, v12, _ =	vpop @p0 (xrf1)  }
0x1f8: {  	vm0 =	vlt.f32 @p0 v11, v10  }
0x1f9: {  	v10 =	vsel @p0 vm0, v11, v10;
	v7 =	vsel @p0 vm0, v12, v7  }
0x1fa: {  	(xrf1) =	vsort.ascd.msk.f32 @p0 $0xffff, v10, v7;
	_ =	sdelay $0xd  }
0x1fb: {  	v10, v7, _ =	vpop @p0 (xrf1)  }
0x1fc: {  	(v2sf) =	vpush @p0 v10, $0xF;
	_ =	sdelay $0x1  }
0x1fd: {  	s31 =	simm.s32 $0x10;
	s1 =	simm.s32 $0x10;
	v8 =	vpsel p0, v10, v8;
	v7 =	vpsel p0, v7, v9  }
.LBB2_13:
0x1fe: {  	v9 =	vld [tilespmem:s31+$0x0];
	s28 =	sadd.s32 $0x10, s28;
	s4 =	smov.u32 s1  }
0x1ff: {  	s1 =	sadd.s32 $0x10, s1;
	v10 =	vld [tilespmem:s28+$0x0]  }
0x200: {  	s29 =	sadd.s32 $0x10, s29;
	p1 =	sne.s32 s1, $0x2000  }
0x201: {  	v11 =	vld [tilespmem:s29+$0x0];
	_ =	sdelay $0x2  }
0x202: {  	v9 =	vsub.f32 v9, v4;
	v10 =	vsub.f32 v10, v5;
	_ =	sdelay $0x1  }
0x203: {  	v9 =	vmul.f32 v9, v9;
	v10 =	vmul.f32 v10, v10;
	v11 =	vsub.f32 v11, v6;
	_ =	sdelay $0x1  }
0x204: {  	v9 =	vadd.f32 v10, v9;
	v10 =	vmul.f32 v11, v11;
	_ =	sdelay $0x1  }
0x205: {  	v9 =	vadd.f32 v10, v9;
	s0 =	spop @p0 (v2sf)  }
0x206: {  	s30 =	smov.u32 @p0 s0  }
0x207: {  	vm0 =	vlt.f32 v9, s30  }
0x208: {  	v10 =	vsel vm0, $0x3F800000, v0  }
0x209: {  	(xrf0) =	vmax.scan.msk.f32 $0xffff, v10;
	_ =	sdelay $0x5  }
0x20a: {  	v10, _, _ =	vpop (xrf0)  }
0x20b: {  	(v2sf) =	vpush v10, $0xF;
	_ =	sdelay $0xe  }
0x20c: {  	s0 =	spop (v2sf)  }
0x20d: {  	p0 =	sgt.f32 s0, $0.0e+00;
	_ =	sdelay $0x1  }
0x20e: {  	v10 =	vlaneseq.u32 @p0  }
0x20f: {  	v11 =	vor.u32 @p0 s4, v10  }
0x210: {  	(xrf1) =	vsort.ascd.msk.f32 @p0 $0xffff, v9, v11;
	_ =	sdelay $0x9  }
0x211: {  	v9 =	vmul.u32 @p0 $0xFFFFFFFF, v10;
	_ =	sdelay $0x1  }
0x212: {  	v9 =	vadd.s32 @p0 $0xF, v9  }
0x213: {  	v10 =	vperm.xlane @p0 v8, v9  }
0x214: {  	v9 =	vperm.xlane @p0 v7, v9;
	v11, v12, _ =	vpop @p0 (xrf1)  }
0x215: {  	vm0 =	vlt.f32 @p0 v11, v10  }
0x216: {  	v10 =	vsel @p0 vm0, v11, v10;
	v9 =	vsel @p0 vm0, v12, v9  }
0x217: {  	(xrf1) =	vsort.ascd.msk.f32 @p0 $0xffff, v10, v9;
	_ =	sdelay $0xc  }
.Ltmp5:
0x218: {  	(pc) =	sbr.rel @p1 .LBB2_13-.Ltmp5, $3  }
0x219: {  	v9, v10, _ =	vpop @p0 (xrf1)  }
0x21a: {  	v8 =	vpsel p0, v9, v8;
	v7 =	vpsel p0, v10, v7;
	(v2sf) =	vpush @p0 v9, $0xF;
	_ =	sdelay $0x1  }
0x21b: {  	s31 =	sadd.s32 $0x10, s31  }
0x21c: {  	v4 =	vshrl.u32 v8, $0x1  }
0x21d: {  	v4 =	vadd.s32 $0x1FBD1DF6, v4  }
0x21e: {  	(erf) = vrcp.f32 v4;
	_ =	sdelay $0x8  }
0x21f: {  	v5 =	vpop (erf)  }
0x220: {  	v5 =	vmul.f32 v5, v8;
	_ =	sdelay $0x1  }
0x221: {  	v4 =	vadd.f32 v4, v5;
	_ =	sdelay $0x1  }
0x222: {  	v4 =	vmul.f32 $5.000000000e-01, v4;
	_ =	sdelay $0x1  }
0x223: {  	(erf) = vrcp.f32 v4;
	_ =	sdelay $0x8  }
0x224: {  	v5 =	vpop (erf)  }
0x225: {  	v5 =	vmul.f32 v5, v8;
	_ =	sdelay $0x1  }
0x226: {  	v4 =	vadd.f32 v5, v4;
	_ =	sdelay $0x1  }
0x227: {  	v4 =	vmul.f32 $5.000000000e-01, v4;
	_ =	sdelay $0x1  }
0x228: {  	(erf) = vrcp.f32 v4;
	_ =	sdelay $0x8  }
0x229: {  	v5 =	vpop (erf)  }
0x22a: {  	v5 =	vmul.f32 v5, v8;
	_ =	sdelay $0x1  }
0x22b: {  	v4 =	vadd.f32 v5, v4;
	_ =	sdelay $0x1  }
0x22c: {  	v4 =	vmul.f32 $5.000000000e-01, v4  }
0x22d: {  	vm0 =	vgt.f32 v8, $0.0e+00  }
0x22e: {  	v4 =	vnsel vm0, $0x0, v4  }
0x22f: {  	s0 =	simm.s32 $0x0;
	[tilespmem:s26+$0x6350] =	vst v4  }
0x230: {  	v4 =	vld.idx.msk [tilespmem:v7+s0+$0x0], $0xffff;
	_ =	sdelay $0x4  }
0x231: {  	s28 =	simm.s32 $0x2000;
	[tilespmem:s26+$0x7350] =	vst v4  }
0x232: {  	v4 =	vld.idx.msk [tilespmem:v7+s28+$0x0], $0xffff;
	_ =	sdelay $0x4  }
0x233: {  	s29 =	simm.s32 $0x4000;
	[tilespmem:s26+$0x8350] =	vst v4  }
0x234: {  	v4 =	vld.idx.msk [tilespmem:v7+s29+$0x0], $0xffff;
	_ =	sdelay $0x4  }
0x235: {  	[tilespmem:s26+$0x9350] =	vst v4  }
0x236: {  	v7 =	vld [tilespmem:s0+$0x0]  }
0x237: {  	v8 =	vld [tilespmem:s28+$0x0];
	_ =	sdelay $0x1  }
0x238: {  	v9 =	vld [tilespmem:s29+$0x0]  }
0x239: {  	v5 =	vbroadcast v2, $0x6;
	v4 =	vbroadcast v1, $0x6;
	_ =	sdelay $0x1  }
0x23a: {  	v6 =	vbroadcast v3, $0x6;
	v7 =	vsub.f32 v7, v4;
	v8 =	vsub.f32 v8, v5;
	_ =	sdelay $0x1  }
0x23b: {  	v9 =	vsub.f32 v9, v6;
	v7 =	vmul.f32 v7, v7;
	v8 =	vmul.f32 v8, v8;
	_ =	sdelay $0x1  }
0x23c: {  	v7 =	vadd.f32 v8, v7;
	v8 =	vmul.f32 v9, v9;
	_ =	sdelay $0x1  }
0x23d: {  	v7 =	vadd.f32 v8, v7  }
0x23e: {  	s30 =	simm.f32 $+Inf  }
0x23f: {  	vm15 =	vlt.f32 v7, s30  }
0x240: {  	v8 =	vsel vm15, $0x3F800000, v0  }
0x241: {  	(xrf0) =	vmax.scan.msk.f32 $0xffff, v8;
	_ =	sdelay $0x5  }
0x242: {  	v8, _, _ =	vpop (xrf0)  }
0x243: {  	(v2sf) =	vpush v8, $0xF;
	_ =	sdelay $0xd  }
0x244: {  	s1 =	spop @p0 (v2sf)  }
0x245: {  	s1 =	spop (v2sf)  }
0x246: {  	p0 =	sgt.f32 s1, $0.0e+00;
	_ =	sdelay $0x1  }
0x247: {  	v8 =	vlaneseq.u32 @p0  }
0x248: {  	v9 =	vor.u32 @p0 s0, v8  }
0x249: {  	(xrf1) =	vsort.ascd.msk.f32 @p0 $0xffff, v7, v9;
	_ =	sdelay $0x9  }
0x24a: {  	v7 =	vmul.u32 @p0 $0xFFFFFFFF, v8;
	_ =	sdelay $0x1  }
0x24b: {  	v8 =	vimm.f32 $+Inf;
	v7 =	vadd.s32 @p0 $0xF, v7  }
0x24c: {  	v9 =	vimm.s32 $0x0;
	v10 =	vperm.xlane @p0 v8, v7  }
0x24d: {  	v7 =	vperm.xlane @p0 v9, v7;
	v11, v12, _ =	vpop @p0 (xrf1)  }
0x24e: {  	vm0 =	vlt.f32 @p0 v11, v10  }
0x24f: {  	v10 =	vsel @p0 vm0, v11, v10;
	v7 =	vsel @p0 vm0, v12, v7  }
0x250: {  	(xrf1) =	vsort.ascd.msk.f32 @p0 $0xffff, v10, v7;
	_ =	sdelay $0xd  }
0x251: {  	v10, v7, _ =	vpop @p0 (xrf1)  }
0x252: {  	(v2sf) =	vpush @p0 v10, $0xF;
	_ =	sdelay $0x1  }
0x253: {  	s31 =	simm.s32 $0x10;
	s1 =	simm.s32 $0x10;
	v8 =	vpsel p0, v10, v8;
	v7 =	vpsel p0, v7, v9  }
.LBB2_15:
0x254: {  	v9 =	vld [tilespmem:s31+$0x0];
	s28 =	sadd.s32 $0x10, s28;
	s4 =	smov.u32 s1  }
0x255: {  	s1 =	sadd.s32 $0x10, s1;
	v10 =	vld [tilespmem:s28+$0x0]  }
0x256: {  	s29 =	sadd.s32 $0x10, s29;
	p1 =	sne.s32 s1, $0x2000  }
0x257: {  	v11 =	vld [tilespmem:s29+$0x0];
	_ =	sdelay $0x2  }
0x258: {  	v9 =	vsub.f32 v9, v4;
	v10 =	vsub.f32 v10, v5;
	_ =	sdelay $0x1  }
0x259: {  	v9 =	vmul.f32 v9, v9;
	v10 =	vmul.f32 v10, v10;
	v11 =	vsub.f32 v11, v6;
	_ =	sdelay $0x1  }
0x25a: {  	v9 =	vadd.f32 v10, v9;
	v10 =	vmul.f32 v11, v11;
	_ =	sdelay $0x1  }
0x25b: {  	v9 =	vadd.f32 v10, v9;
	s0 =	spop @p0 (v2sf)  }
0x25c: {  	s30 =	smov.u32 @p0 s0  }
0x25d: {  	vm0 =	vlt.f32 v9, s30  }
0x25e: {  	v10 =	vsel vm0, $0x3F800000, v0  }
0x25f: {  	(xrf0) =	vmax.scan.msk.f32 $0xffff, v10;
	_ =	sdelay $0x5  }
0x260: {  	v10, _, _ =	vpop (xrf0)  }
0x261: {  	(v2sf) =	vpush v10, $0xF;
	_ =	sdelay $0xe  }
0x262: {  	s0 =	spop (v2sf)  }
0x263: {  	p0 =	sgt.f32 s0, $0.0e+00;
	_ =	sdelay $0x1  }
0x264: {  	v10 =	vlaneseq.u32 @p0  }
0x265: {  	v11 =	vor.u32 @p0 s4, v10  }
0x266: {  	(xrf1) =	vsort.ascd.msk.f32 @p0 $0xffff, v9, v11;
	_ =	sdelay $0x9  }
0x267: {  	v9 =	vmul.u32 @p0 $0xFFFFFFFF, v10;
	_ =	sdelay $0x1  }
0x268: {  	v9 =	vadd.s32 @p0 $0xF, v9  }
0x269: {  	v10 =	vperm.xlane @p0 v8, v9  }
0x26a: {  	v9 =	vperm.xlane @p0 v7, v9;
	v11, v12, _ =	vpop @p0 (xrf1)  }
0x26b: {  	vm0 =	vlt.f32 @p0 v11, v10  }
0x26c: {  	v10 =	vsel @p0 vm0, v11, v10;
	v9 =	vsel @p0 vm0, v12, v9  }
0x26d: {  	(xrf1) =	vsort.ascd.msk.f32 @p0 $0xffff, v10, v9;
	_ =	sdelay $0xc  }
.Ltmp6:
0x26e: {  	(pc) =	sbr.rel @p1 .LBB2_15-.Ltmp6, $3  }
0x26f: {  	v9, v10, _ =	vpop @p0 (xrf1)  }
0x270: {  	v8 =	vpsel p0, v9, v8;
	v7 =	vpsel p0, v10, v7;
	(v2sf) =	vpush @p0 v9, $0xF;
	_ =	sdelay $0x1  }
0x271: {  	s31 =	sadd.s32 $0x10, s31  }
0x272: {  	v4 =	vshrl.u32 v8, $0x1  }
0x273: {  	v4 =	vadd.s32 $0x1FBD1DF6, v4  }
0x274: {  	(erf) = vrcp.f32 v4;
	_ =	sdelay $0x8  }
0x275: {  	v5 =	vpop (erf)  }
0x276: {  	v5 =	vmul.f32 v5, v8;
	_ =	sdelay $0x1  }
0x277: {  	v4 =	vadd.f32 v4, v5;
	_ =	sdelay $0x1  }
0x278: {  	v4 =	vmul.f32 $5.000000000e-01, v4;
	_ =	sdelay $0x1  }
0x279: {  	(erf) = vrcp.f32 v4;
	_ =	sdelay $0x8  }
0x27a: {  	v5 =	vpop (erf)  }
0x27b: {  	v5 =	vmul.f32 v5, v8;
	_ =	sdelay $0x1  }
0x27c: {  	v4 =	vadd.f32 v5, v4;
	_ =	sdelay $0x1  }
0x27d: {  	v4 =	vmul.f32 $5.000000000e-01, v4;
	_ =	sdelay $0x1  }
0x27e: {  	(erf) = vrcp.f32 v4;
	_ =	sdelay $0x8  }
0x27f: {  	v5 =	vpop (erf)  }
0x280: {  	v5 =	vmul.f32 v5, v8;
	_ =	sdelay $0x1  }
0x281: {  	v4 =	vadd.f32 v5, v4;
	_ =	sdelay $0x1  }
0x282: {  	v4 =	vmul.f32 $5.000000000e-01, v4  }
0x283: {  	vm0 =	vgt.f32 v8, $0.0e+00  }
0x284: {  	v4 =	vnsel vm0, $0x0, v4  }
0x285: {  	s0 =	simm.s32 $0x0;
	[tilespmem:s26+$0x6360] =	vst v4  }
0x286: {  	v4 =	vld.idx.msk [tilespmem:v7+s0+$0x0], $0xffff;
	_ =	sdelay $0x4  }
0x287: {  	s28 =	simm.s32 $0x2000;
	[tilespmem:s26+$0x7360] =	vst v4  }
0x288: {  	v4 =	vld.idx.msk [tilespmem:v7+s28+$0x0], $0xffff;
	_ =	sdelay $0x4  }
0x289: {  	s29 =	simm.s32 $0x4000;
	[tilespmem:s26+$0x8360] =	vst v4  }
0x28a: {  	v4 =	vld.idx.msk [tilespmem:v7+s29+$0x0], $0xffff;
	_ =	sdelay $0x4  }
0x28b: {  	[tilespmem:s26+$0x9360] =	vst v4  }
0x28c: {  	v7 =	vld [tilespmem:s0+$0x0]  }
0x28d: {  	v8 =	vld [tilespmem:s28+$0x0];
	_ =	sdelay $0x1  }
0x28e: {  	v9 =	vld [tilespmem:s29+$0x0]  }
0x28f: {  	v5 =	vbroadcast v2, $0x7;
	v4 =	vbroadcast v1, $0x7;
	_ =	sdelay $0x1  }
0x290: {  	v6 =	vbroadcast v3, $0x7;
	v7 =	vsub.f32 v7, v4;
	v8 =	vsub.f32 v8, v5;
	_ =	sdelay $0x1  }
0x291: {  	v9 =	vsub.f32 v9, v6;
	v7 =	vmul.f32 v7, v7;
	v8 =	vmul.f32 v8, v8;
	_ =	sdelay $0x1  }
0x292: {  	v7 =	vadd.f32 v8, v7;
	v8 =	vmul.f32 v9, v9;
	_ =	sdelay $0x1  }
0x293: {  	v7 =	vadd.f32 v8, v7  }
0x294: {  	s30 =	simm.f32 $+Inf  }
0x295: {  	vm15 =	vlt.f32 v7, s30  }
0x296: {  	v8 =	vsel vm15, $0x3F800000, v0  }
0x297: {  	(xrf0) =	vmax.scan.msk.f32 $0xffff, v8;
	_ =	sdelay $0x5  }
0x298: {  	v8, _, _ =	vpop (xrf0)  }
0x299: {  	(v2sf) =	vpush v8, $0xF;
	_ =	sdelay $0xd  }
0x29a: {  	s1 =	spop @p0 (v2sf)  }
0x29b: {  	s1 =	spop (v2sf)  }
0x29c: {  	p0 =	sgt.f32 s1, $0.0e+00;
	_ =	sdelay $0x1  }
0x29d: {  	v8 =	vlaneseq.u32 @p0  }
0x29e: {  	v9 =	vor.u32 @p0 s0, v8  }
0x29f: {  	(xrf1) =	vsort.ascd.msk.f32 @p0 $0xffff, v7, v9;
	_ =	sdelay $0x9  }
0x2a0: {  	v7 =	vmul.u32 @p0 $0xFFFFFFFF, v8;
	_ =	sdelay $0x1  }
0x2a1: {  	v8 =	vimm.f32 $+Inf;
	v7 =	vadd.s32 @p0 $0xF, v7  }
0x2a2: {  	v9 =	vimm.s32 $0x0;
	v10 =	vperm.xlane @p0 v8, v7  }
0x2a3: {  	v7 =	vperm.xlane @p0 v9, v7;
	v11, v12, _ =	vpop @p0 (xrf1)  }
0x2a4: {  	vm0 =	vlt.f32 @p0 v11, v10  }
0x2a5: {  	v10 =	vsel @p0 vm0, v11, v10;
	v7 =	vsel @p0 vm0, v12, v7  }
0x2a6: {  	(xrf1) =	vsort.ascd.msk.f32 @p0 $0xffff, v10, v7;
	_ =	sdelay $0xd  }
0x2a7: {  	v10, v7, _ =	vpop @p0 (xrf1)  }
0x2a8: {  	(v2sf) =	vpush @p0 v10, $0xF;
	_ =	sdelay $0x1  }
0x2a9: {  	s31 =	simm.s32 $0x10;
	s1 =	simm.s32 $0x10;
	v8 =	vpsel p0, v10, v8;
	v7 =	vpsel p0, v7, v9  }
.LBB2_17:
0x2aa: {  	v9 =	vld [tilespmem:s31+$0x0];
	s28 =	sadd.s32 $0x10, s28;
	s4 =	smov.u32 s1  }
0x2ab: {  	s1 =	sadd.s32 $0x10, s1;
	v10 =	vld [tilespmem:s28+$0x0]  }
0x2ac: {  	s29 =	sadd.s32 $0x10, s29;
	p1 =	sne.s32 s1, $0x2000  }
0x2ad: {  	v11 =	vld [tilespmem:s29+$0x0];
	_ =	sdelay $0x2  }
0x2ae: {  	v9 =	vsub.f32 v9, v4;
	v10 =	vsub.f32 v10, v5;
	_ =	sdelay $0x1  }
0x2af: {  	v9 =	vmul.f32 v9, v9;
	v10 =	vmul.f32 v10, v10;
	v11 =	vsub.f32 v11, v6;
	_ =	sdelay $0x1  }
0x2b0: {  	v9 =	vadd.f32 v10, v9;
	v10 =	vmul.f32 v11, v11;
	_ =	sdelay $0x1  }
0x2b1: {  	v9 =	vadd.f32 v10, v9;
	s0 =	spop @p0 (v2sf)  }
0x2b2: {  	s30 =	smov.u32 @p0 s0  }
0x2b3: {  	vm0 =	vlt.f32 v9, s30  }
0x2b4: {  	v10 =	vsel vm0, $0x3F800000, v0  }
0x2b5: {  	(xrf0) =	vmax.scan.msk.f32 $0xffff, v10;
	_ =	sdelay $0x5  }
0x2b6: {  	v10, _, _ =	vpop (xrf0)  }
0x2b7: {  	(v2sf) =	vpush v10, $0xF;
	_ =	sdelay $0xe  }
0x2b8: {  	s0 =	spop (v2sf)  }
0x2b9: {  	p0 =	sgt.f32 s0, $0.0e+00;
	_ =	sdelay $0x1  }
0x2ba: {  	v10 =	vlaneseq.u32 @p0  }
0x2bb: {  	v11 =	vor.u32 @p0 s4, v10  }
0x2bc: {  	(xrf1) =	vsort.ascd.msk.f32 @p0 $0xffff, v9, v11;
	_ =	sdelay $0x9  }
0x2bd: {  	v9 =	vmul.u32 @p0 $0xFFFFFFFF, v10;
	_ =	sdelay $0x1  }
0x2be: {  	v9 =	vadd.s32 @p0 $0xF, v9  }
0x2bf: {  	v10 =	vperm.xlane @p0 v8, v9  }
0x2c0: {  	v9 =	vperm.xlane @p0 v7, v9;
	v11, v12, _ =	vpop @p0 (xrf1)  }
0x2c1: {  	vm0 =	vlt.f32 @p0 v11, v10  }
0x2c2: {  	v10 =	vsel @p0 vm0, v11, v10;
	v9 =	vsel @p0 vm0, v12, v9  }
0x2c3: {  	(xrf1) =	vsort.ascd.msk.f32 @p0 $0xffff, v10, v9;
	_ =	sdelay $0xc  }
.Ltmp7:
0x2c4: {  	(pc) =	sbr.rel @p1 .LBB2_17-.Ltmp7, $3  }
0x2c5: {  	v9, v10, _ =	vpop @p0 (xrf1)  }
0x2c6: {  	v8 =	vpsel p0, v9, v8;
	v7 =	vpsel p0, v10, v7;
	(v2sf) =	vpush @p0 v9, $0xF;
	_ =	sdelay $0x1  }
0x2c7: {  	s31 =	sadd.s32 $0x10, s31  }
0x2c8: {  	v4 =	vshrl.u32 v8, $0x1  }
0x2c9: {  	v4 =	vadd.s32 $0x1FBD1DF6, v4  }
0x2ca: {  	(erf) = vrcp.f32 v4;
	_ =	sdelay $0x8  }
0x2cb: {  	v5 =	vpop (erf)  }
0x2cc: {  	v5 =	vmul.f32 v5, v8;
	_ =	sdelay $0x1  }
0x2cd: {  	v4 =	vadd.f32 v4, v5;
	_ =	sdelay $0x1  }
0x2ce: {  	v4 =	vmul.f32 $5.000000000e-01, v4;
	_ =	sdelay $0x1  }
0x2cf: {  	(erf) = vrcp.f32 v4;
	_ =	sdelay $0x8  }
0x2d0: {  	v5 =	vpop (erf)  }
0x2d1: {  	v5 =	vmul.f32 v5, v8;
	_ =	sdelay $0x1  }
0x2d2: {  	v4 =	vadd.f32 v5, v4;
	_ =	sdelay $0x1  }
0x2d3: {  	v4 =	vmul.f32 $5.000000000e-01, v4;
	_ =	sdelay $0x1  }
0x2d4: {  	(erf) = vrcp.f32 v4;
	_ =	sdelay $0x8  }
0x2d5: {  	v5 =	vpop (erf)  }
0x2d6: {  	v5 =	vmul.f32 v5, v8;
	_ =	sdelay $0x1  }
0x2d7: {  	v4 =	vadd.f32 v5, v4;
	_ =	sdelay $0x1  }
0x2d8: {  	v4 =	vmul.f32 $5.000000000e-01, v4  }
0x2d9: {  	vm0 =	vgt.f32 v8, $0.0e+00  }
0x2da: {  	v4 =	vnsel vm0, $0x0, v4  }
0x2db: {  	s0 =	simm.s32 $0x0;
	[tilespmem:s26+$0x6370] =	vst v4  }
0x2dc: {  	v4 =	vld.idx.msk [tilespmem:v7+s0+$0x0], $0xffff;
	_ =	sdelay $0x4  }
0x2dd: {  	s28 =	simm.s32 $0x2000;
	[tilespmem:s26+$0x7370] =	vst v4  }
0x2de: {  	v4 =	vld.idx.msk [tilespmem:v7+s28+$0x0], $0xffff;
	_ =	sdelay $0x4  }
0x2df: {  	s29 =	simm.s32 $0x4000;
	[tilespmem:s26+$0x8370] =	vst v4  }
0x2e0: {  	v4 =	vld.idx.msk [tilespmem:v7+s29+$0x0], $0xffff;
	_ =	sdelay $0x4  }
0x2e1: {  	[tilespmem:s26+$0x9370] =	vst v4  }
0x2e2: {  	v7 =	vld [tilespmem:s0+$0x0]  }
0x2e3: {  	v8 =	vld [tilespmem:s28+$0x0];
	_ =	sdelay $0x1  }
0x2e4: {  	v9 =	vld [tilespmem:s29+$0x0]  }
0x2e5: {  	v5 =	vbroadcast v2, $0x8;
	v4 =	vbroadcast v1, $0x8;
	_ =	sdelay $0x1  }
0x2e6: {  	v6 =	vbroadcast v3, $0x8;
	v7 =	vsub.f32 v7, v4;
	v8 =	vsub.f32 v8, v5;
	_ =	sdelay $0x1  }
0x2e7: {  	v9 =	vsub.f32 v9, v6;
	v7 =	vmul.f32 v7, v7;
	v8 =	vmul.f32 v8, v8;
	_ =	sdelay $0x1  }
0x2e8: {  	v7 =	vadd.f32 v8, v7;
	v8 =	vmul.f32 v9, v9;
	_ =	sdelay $0x1  }
0x2e9: {  	v7 =	vadd.f32 v8, v7  }
0x2ea: {  	s30 =	simm.f32 $+Inf  }
0x2eb: {  	vm15 =	vlt.f32 v7, s30  }
0x2ec: {  	v8 =	vsel vm15, $0x3F800000, v0  }
0x2ed: {  	(xrf0) =	vmax.scan.msk.f32 $0xffff, v8;
	_ =	sdelay $0x5  }
0x2ee: {  	v8, _, _ =	vpop (xrf0)  }
0x2ef: {  	(v2sf) =	vpush v8, $0xF;
	_ =	sdelay $0xd  }
0x2f0: {  	s1 =	spop @p0 (v2sf)  }
0x2f1: {  	s1 =	spop (v2sf)  }
0x2f2: {  	p0 =	sgt.f32 s1, $0.0e+00;
	_ =	sdelay $0x1  }
0x2f3: {  	v8 =	vlaneseq.u32 @p0  }
0x2f4: {  	v9 =	vor.u32 @p0 s0, v8  }
0x2f5: {  	(xrf1) =	vsort.ascd.msk.f32 @p0 $0xffff, v7, v9;
	_ =	sdelay $0x9  }
0x2f6: {  	v7 =	vmul.u32 @p0 $0xFFFFFFFF, v8;
	_ =	sdelay $0x1  }
0x2f7: {  	v8 =	vimm.f32 $+Inf;
	v7 =	vadd.s32 @p0 $0xF, v7  }
0x2f8: {  	v9 =	vimm.s32 $0x0;
	v10 =	vperm.xlane @p0 v8, v7  }
0x2f9: {  	v7 =	vperm.xlane @p0 v9, v7;
	v11, v12, _ =	vpop @p0 (xrf1)  }
0x2fa: {  	vm0 =	vlt.f32 @p0 v11, v10  }
0x2fb: {  	v10 =	vsel @p0 vm0, v11, v10;
	v7 =	vsel @p0 vm0, v12, v7  }
0x2fc: {  	(xrf1) =	vsort.ascd.msk.f32 @p0 $0xffff, v10, v7;
	_ =	sdelay $0xd  }
0x2fd: {  	v10, v7, _ =	vpop @p0 (xrf1)  }
0x2fe: {  	(v2sf) =	vpush @p0 v10, $0xF;
	_ =	sdelay $0x1  }
0x2ff: {  	s31 =	simm.s32 $0x10;
	s1 =	simm.s32 $0x10;
	v8 =	vpsel p0, v10, v8;
	v7 =	vpsel p0, v7, v9  }
.LBB2_19:
0x300: {  	v9 =	vld [tilespmem:s31+$0x0];
	s28 =	sadd.s32 $0x10, s28;
	s4 =	smov.u32 s1  }
0x301: {  	s1 =	sadd.s32 $0x10, s1;
	v10 =	vld [tilespmem:s28+$0x0]  }
0x302: {  	s29 =	sadd.s32 $0x10, s29;
	p1 =	sne.s32 s1, $0x2000  }
0x303: {  	v11 =	vld [tilespmem:s29+$0x0];
	_ =	sdelay $0x2  }
0x304: {  	v9 =	vsub.f32 v9, v4;
	v10 =	vsub.f32 v10, v5;
	_ =	sdelay $0x1  }
0x305: {  	v9 =	vmul.f32 v9, v9;
	v10 =	vmul.f32 v10, v10;
	v11 =	vsub.f32 v11, v6;
	_ =	sdelay $0x1  }
0x306: {  	v9 =	vadd.f32 v10, v9;
	v10 =	vmul.f32 v11, v11;
	_ =	sdelay $0x1  }
0x307: {  	v9 =	vadd.f32 v10, v9;
	s0 =	spop @p0 (v2sf)  }
0x308: {  	s30 =	smov.u32 @p0 s0  }
0x309: {  	vm0 =	vlt.f32 v9, s30  }
0x30a: {  	v10 =	vsel vm0, $0x3F800000, v0  }
0x30b: {  	(xrf0) =	vmax.scan.msk.f32 $0xffff, v10;
	_ =	sdelay $0x5  }
0x30c: {  	v10, _, _ =	vpop (xrf0)  }
0x30d: {  	(v2sf) =	vpush v10, $0xF;
	_ =	sdelay $0xe  }
0x30e: {  	s0 =	spop (v2sf)  }
0x30f: {  	p0 =	sgt.f32 s0, $0.0e+00;
	_ =	sdelay $0x1  }
0x310: {  	v10 =	vlaneseq.u32 @p0  }
0x311: {  	v11 =	vor.u32 @p0 s4, v10  }
0x312: {  	(xrf1) =	vsort.ascd.msk.f32 @p0 $0xffff, v9, v11;
	_ =	sdelay $0x9  }
0x313: {  	v9 =	vmul.u32 @p0 $0xFFFFFFFF, v10;
	_ =	sdelay $0x1  }
0x314: {  	v9 =	vadd.s32 @p0 $0xF, v9  }
0x315: {  	v10 =	vperm.xlane @p0 v8, v9  }
0x316: {  	v9 =	vperm.xlane @p0 v7, v9;
	v11, v12, _ =	vpop @p0 (xrf1)  }
0x317: {  	vm0 =	vlt.f32 @p0 v11, v10  }
0x318: {  	v10 =	vsel @p0 vm0, v11, v10;
	v9 =	vsel @p0 vm0, v12, v9  }
0x319: {  	(xrf1) =	vsort.ascd.msk.f32 @p0 $0xffff, v10, v9;
	_ =	sdelay $0xc  }
.Ltmp8:
0x31a: {  	(pc) =	sbr.rel @p1 .LBB2_19-.Ltmp8, $3  }
0x31b: {  	v9, v10, _ =	vpop @p0 (xrf1)  }
0x31c: {  	v8 =	vpsel p0, v9, v8;
	v7 =	vpsel p0, v10, v7;
	(v2sf) =	vpush @p0 v9, $0xF;
	_ =	sdelay $0x1  }
0x31d: {  	s31 =	sadd.s32 $0x10, s31  }
0x31e: {  	v4 =	vshrl.u32 v8, $0x1  }
0x31f: {  	v4 =	vadd.s32 $0x1FBD1DF6, v4  }
0x320: {  	(erf) = vrcp.f32 v4;
	_ =	sdelay $0x8  }
0x321: {  	v5 =	vpop (erf)  }
0x322: {  	v5 =	vmul.f32 v5, v8;
	_ =	sdelay $0x1  }
0x323: {  	v4 =	vadd.f32 v4, v5;
	_ =	sdelay $0x1  }
0x324: {  	v4 =	vmul.f32 $5.000000000e-01, v4;
	_ =	sdelay $0x1  }
0x325: {  	(erf) = vrcp.f32 v4;
	_ =	sdelay $0x8  }
0x326: {  	v5 =	vpop (erf)  }
0x327: {  	v5 =	vmul.f32 v5, v8;
	_ =	sdelay $0x1  }
0x328: {  	v4 =	vadd.f32 v5, v4;
	_ =	sdelay $0x1  }
0x329: {  	v4 =	vmul.f32 $5.000000000e-01, v4;
	_ =	sdelay $0x1  }
0x32a: {  	(erf) = vrcp.f32 v4;
	_ =	sdelay $0x8  }
0x32b: {  	v5 =	vpop (erf)  }
0x32c: {  	v5 =	vmul.f32 v5, v8;
	_ =	sdelay $0x1  }
0x32d: {  	v4 =	vadd.f32 v5, v4;
	_ =	sdelay $0x1  }
0x32e: {  	v4 =	vmul.f32 $5.000000000e-01, v4  }
0x32f: {  	vm0 =	vgt.f32 v8, $0.0e+00  }
0x330: {  	v4 =	vnsel vm0, $0x0, v4  }
0x331: {  	s0 =	simm.s32 $0x0;
	[tilespmem:s26+$0x6380] =	vst v4  }
0x332: {  	v4 =	vld.idx.msk [tilespmem:v7+s0+$0x0], $0xffff;
	_ =	sdelay $0x4  }
0x333: {  	s28 =	simm.s32 $0x2000;
	[tilespmem:s26+$0x7380] =	vst v4  }
0x334: {  	v4 =	vld.idx.msk [tilespmem:v7+s28+$0x0], $0xffff;
	_ =	sdelay $0x4  }
0x335: {  	s29 =	simm.s32 $0x4000;
	[tilespmem:s26+$0x8380] =	vst v4  }
0x336: {  	v4 =	vld.idx.msk [tilespmem:v7+s29+$0x0], $0xffff;
	_ =	sdelay $0x4  }
0x337: {  	[tilespmem:s26+$0x9380] =	vst v4  }
0x338: {  	v7 =	vld [tilespmem:s0+$0x0]  }
0x339: {  	v8 =	vld [tilespmem:s28+$0x0];
	_ =	sdelay $0x1  }
0x33a: {  	v9 =	vld [tilespmem:s29+$0x0]  }
0x33b: {  	v5 =	vbroadcast v2, $0x9;
	v4 =	vbroadcast v1, $0x9;
	_ =	sdelay $0x1  }
0x33c: {  	v6 =	vbroadcast v3, $0x9;
	v7 =	vsub.f32 v7, v4;
	v8 =	vsub.f32 v8, v5;
	_ =	sdelay $0x1  }
0x33d: {  	v9 =	vsub.f32 v9, v6;
	v7 =	vmul.f32 v7, v7;
	v8 =	vmul.f32 v8, v8;
	_ =	sdelay $0x1  }
0x33e: {  	v7 =	vadd.f32 v8, v7;
	v8 =	vmul.f32 v9, v9;
	_ =	sdelay $0x1  }
0x33f: {  	v7 =	vadd.f32 v8, v7  }
0x340: {  	s30 =	simm.f32 $+Inf  }
0x341: {  	vm15 =	vlt.f32 v7, s30  }
0x342: {  	v8 =	vsel vm15, $0x3F800000, v0  }
0x343: {  	(xrf0) =	vmax.scan.msk.f32 $0xffff, v8;
	_ =	sdelay $0x5  }
0x344: {  	v8, _, _ =	vpop (xrf0)  }
0x345: {  	(v2sf) =	vpush v8, $0xF;
	_ =	sdelay $0xd  }
0x346: {  	s1 =	spop @p0 (v2sf)  }
0x347: {  	s1 =	spop (v2sf)  }
0x348: {  	p0 =	sgt.f32 s1, $0.0e+00;
	_ =	sdelay $0x1  }
0x349: {  	v8 =	vlaneseq.u32 @p0  }
0x34a: {  	v9 =	vor.u32 @p0 s0, v8  }
0x34b: {  	(xrf1) =	vsort.ascd.msk.f32 @p0 $0xffff, v7, v9;
	_ =	sdelay $0x9  }
0x34c: {  	v7 =	vmul.u32 @p0 $0xFFFFFFFF, v8;
	_ =	sdelay $0x1  }
0x34d: {  	v8 =	vimm.f32 $+Inf;
	v7 =	vadd.s32 @p0 $0xF, v7  }
0x34e: {  	v9 =	vimm.s32 $0x0;
	v10 =	vperm.xlane @p0 v8, v7  }
0x34f: {  	v7 =	vperm.xlane @p0 v9, v7;
	v11, v12, _ =	vpop @p0 (xrf1)  }
0x350: {  	vm0 =	vlt.f32 @p0 v11, v10  }
0x351: {  	v10 =	vsel @p0 vm0, v11, v10;
	v7 =	vsel @p0 vm0, v12, v7  }
0x352: {  	(xrf1) =	vsort.ascd.msk.f32 @p0 $0xffff, v10, v7;
	_ =	sdelay $0xd  }
0x353: {  	v10, v7, _ =	vpop @p0 (xrf1)  }
0x354: {  	(v2sf) =	vpush @p0 v10, $0xF;
	_ =	sdelay $0x1  }
0x355: {  	s31 =	simm.s32 $0x10;
	s1 =	simm.s32 $0x10;
	v8 =	vpsel p0, v10, v8;
	v7 =	vpsel p0, v7, v9  }
.LBB2_21:
0x356: {  	v9 =	vld [tilespmem:s31+$0x0];
	s28 =	sadd.s32 $0x10, s28;
	s4 =	smov.u32 s1  }
0x357: {  	s1 =	sadd.s32 $0x10, s1;
	v10 =	vld [tilespmem:s28+$0x0]  }
0x358: {  	s29 =	sadd.s32 $0x10, s29;
	p1 =	sne.s32 s1, $0x2000  }
0x359: {  	v11 =	vld [tilespmem:s29+$0x0];
	_ =	sdelay $0x2  }
0x35a: {  	v9 =	vsub.f32 v9, v4;
	v10 =	vsub.f32 v10, v5;
	_ =	sdelay $0x1  }
0x35b: {  	v9 =	vmul.f32 v9, v9;
	v10 =	vmul.f32 v10, v10;
	v11 =	vsub.f32 v11, v6;
	_ =	sdelay $0x1  }
0x35c: {  	v9 =	vadd.f32 v10, v9;
	v10 =	vmul.f32 v11, v11;
	_ =	sdelay $0x1  }
0x35d: {  	v9 =	vadd.f32 v10, v9;
	s0 =	spop @p0 (v2sf)  }
0x35e: {  	s30 =	smov.u32 @p0 s0  }
0x35f: {  	vm0 =	vlt.f32 v9, s30  }
0x360: {  	v10 =	vsel vm0, $0x3F800000, v0  }
0x361: {  	(xrf0) =	vmax.scan.msk.f32 $0xffff, v10;
	_ =	sdelay $0x5  }
0x362: {  	v10, _, _ =	vpop (xrf0)  }
0x363: {  	(v2sf) =	vpush v10, $0xF;
	_ =	sdelay $0xe  }
0x364: {  	s0 =	spop (v2sf)  }
0x365: {  	p0 =	sgt.f32 s0, $0.0e+00;
	_ =	sdelay $0x1  }
0x366: {  	v10 =	vlaneseq.u32 @p0  }
0x367: {  	v11 =	vor.u32 @p0 s4, v10  }
0x368: {  	(xrf1) =	vsort.ascd.msk.f32 @p0 $0xffff, v9, v11;
	_ =	sdelay $0x9  }
0x369: {  	v9 =	vmul.u32 @p0 $0xFFFFFFFF, v10;
	_ =	sdelay $0x1  }
0x36a: {  	v9 =	vadd.s32 @p0 $0xF, v9  }
0x36b: {  	v10 =	vperm.xlane @p0 v8, v9  }
0x36c: {  	v9 =	vperm.xlane @p0 v7, v9;
	v11, v12, _ =	vpop @p0 (xrf1)  }
0x36d: {  	vm0 =	vlt.f32 @p0 v11, v10  }
0x36e: {  	v10 =	vsel @p0 vm0, v11, v10;
	v9 =	vsel @p0 vm0, v12, v9  }
0x36f: {  	(xrf1) =	vsort.ascd.msk.f32 @p0 $0xffff, v10, v9;
	_ =	sdelay $0xc  }
.Ltmp9:
0x370: {  	(pc) =	sbr.rel @p1 .LBB2_21-.Ltmp9, $3  }
0x371: {  	v9, v10, _ =	vpop @p0 (xrf1)  }
0x372: {  	v8 =	vpsel p0, v9, v8;
	v7 =	vpsel p0, v10, v7;
	(v2sf) =	vpush @p0 v9, $0xF;
	_ =	sdelay $0x1  }
0x373: {  	s31 =	sadd.s32 $0x10, s31  }
0x374: {  	v4 =	vshrl.u32 v8, $0x1  }
0x375: {  	v4 =	vadd.s32 $0x1FBD1DF6, v4  }
0x376: {  	(erf) = vrcp.f32 v4;
	_ =	sdelay $0x8  }
0x377: {  	v5 =	vpop (erf)  }
0x378: {  	v5 =	vmul.f32 v5, v8;
	_ =	sdelay $0x1  }
0x379: {  	v4 =	vadd.f32 v4, v5;
	_ =	sdelay $0x1  }
0x37a: {  	v4 =	vmul.f32 $5.000000000e-01, v4;
	_ =	sdelay $0x1  }
0x37b: {  	(erf) = vrcp.f32 v4;
	_ =	sdelay $0x8  }
0x37c: {  	v5 =	vpop (erf)  }
0x37d: {  	v5 =	vmul.f32 v5, v8;
	_ =	sdelay $0x1  }
0x37e: {  	v4 =	vadd.f32 v5, v4;
	_ =	sdelay $0x1  }
0x37f: {  	v4 =	vmul.f32 $5.000000000e-01, v4;
	_ =	sdelay $0x1  }
0x380: {  	(erf) = vrcp.f32 v4;
	_ =	sdelay $0x8  }
0x381: {  	v5 =	vpop (erf)  }
0x382: {  	v5 =	vmul.f32 v5, v8;
	_ =	sdelay $0x1  }
0x383: {  	v4 =	vadd.f32 v5, v4;
	_ =	sdelay $0x1  }
0x384: {  	v4 =	vmul.f32 $5.000000000e-01, v4  }
0x385: {  	vm0 =	vgt.f32 v8, $0.0e+00  }
0x386: {  	v4 =	vnsel vm0, $0x0, v4  }
0x387: {  	s0 =	simm.s32 $0x0;
	[tilespmem:s26+$0x6390] =	vst v4  }
0x388: {  	v4 =	vld.idx.msk [tilespmem:v7+s0+$0x0], $0xffff;
	_ =	sdelay $0x4  }
0x389: {  	s28 =	simm.s32 $0x2000;
	[tilespmem:s26+$0x7390] =	vst v4  }
0x38a: {  	v4 =	vld.idx.msk [tilespmem:v7+s28+$0x0], $0xffff;
	_ =	sdelay $0x4  }
0x38b: {  	s29 =	simm.s32 $0x4000;
	[tilespmem:s26+$0x8390] =	vst v4  }
0x38c: {  	v4 =	vld.idx.msk [tilespmem:v7+s29+$0x0], $0xffff;
	_ =	sdelay $0x4  }
0x38d: {  	[tilespmem:s26+$0x9390] =	vst v4  }
0x38e: {  	v7 =	vld [tilespmem:s0+$0x0]  }
0x38f: {  	v8 =	vld [tilespmem:s28+$0x0];
	_ =	sdelay $0x1  }
0x390: {  	v9 =	vld [tilespmem:s29+$0x0]  }
0x391: {  	v5 =	vbroadcast v2, $0xA;
	v4 =	vbroadcast v1, $0xA;
	_ =	sdelay $0x1  }
0x392: {  	v6 =	vbroadcast v3, $0xA;
	v7 =	vsub.f32 v7, v4;
	v8 =	vsub.f32 v8, v5;
	_ =	sdelay $0x1  }
0x393: {  	v9 =	vsub.f32 v9, v6;
	v7 =	vmul.f32 v7, v7;
	v8 =	vmul.f32 v8, v8;
	_ =	sdelay $0x1  }
0x394: {  	v7 =	vadd.f32 v8, v7;
	v8 =	vmul.f32 v9, v9;
	_ =	sdelay $0x1  }
0x395: {  	v7 =	vadd.f32 v8, v7  }
0x396: {  	s30 =	simm.f32 $+Inf  }
0x397: {  	vm15 =	vlt.f32 v7, s30  }
0x398: {  	v8 =	vsel vm15, $0x3F800000, v0  }
0x399: {  	(xrf0) =	vmax.scan.msk.f32 $0xffff, v8;
	_ =	sdelay $0x5  }
0x39a: {  	v8, _, _ =	vpop (xrf0)  }
0x39b: {  	(v2sf) =	vpush v8, $0xF;
	_ =	sdelay $0xd  }
0x39c: {  	s1 =	spop @p0 (v2sf)  }
0x39d: {  	s1 =	spop (v2sf)  }
0x39e: {  	p0 =	sgt.f32 s1, $0.0e+00;
	_ =	sdelay $0x1  }
0x39f: {  	v8 =	vlaneseq.u32 @p0  }
0x3a0: {  	v9 =	vor.u32 @p0 s0, v8  }
0x3a1: {  	(xrf1) =	vsort.ascd.msk.f32 @p0 $0xffff, v7, v9;
	_ =	sdelay $0x9  }
0x3a2: {  	v7 =	vmul.u32 @p0 $0xFFFFFFFF, v8;
	_ =	sdelay $0x1  }
0x3a3: {  	v8 =	vimm.f32 $+Inf;
	v7 =	vadd.s32 @p0 $0xF, v7  }
0x3a4: {  	v9 =	vimm.s32 $0x0;
	v10 =	vperm.xlane @p0 v8, v7  }
0x3a5: {  	v7 =	vperm.xlane @p0 v9, v7;
	v11, v12, _ =	vpop @p0 (xrf1)  }
0x3a6: {  	vm0 =	vlt.f32 @p0 v11, v10  }
0x3a7: {  	v10 =	vsel @p0 vm0, v11, v10;
	v7 =	vsel @p0 vm0, v12, v7  }
0x3a8: {  	(xrf1) =	vsort.ascd.msk.f32 @p0 $0xffff, v10, v7;
	_ =	sdelay $0xd  }
0x3a9: {  	v10, v7, _ =	vpop @p0 (xrf1)  }
0x3aa: {  	(v2sf) =	vpush @p0 v10, $0xF;
	_ =	sdelay $0x1  }
0x3ab: {  	s31 =	simm.s32 $0x10;
	s1 =	simm.s32 $0x10;
	v8 =	vpsel p0, v10, v8;
	v7 =	vpsel p0, v7, v9  }
.LBB2_23:
0x3ac: {  	v9 =	vld [tilespmem:s31+$0x0];
	s28 =	sadd.s32 $0x10, s28;
	s4 =	smov.u32 s1  }
0x3ad: {  	s1 =	sadd.s32 $0x10, s1;
	v10 =	vld [tilespmem:s28+$0x0]  }
0x3ae: {  	s29 =	sadd.s32 $0x10, s29;
	p1 =	sne.s32 s1, $0x2000  }
0x3af: {  	v11 =	vld [tilespmem:s29+$0x0];
	_ =	sdelay $0x2  }
0x3b0: {  	v9 =	vsub.f32 v9, v4;
	v10 =	vsub.f32 v10, v5;
	_ =	sdelay $0x1  }
0x3b1: {  	v9 =	vmul.f32 v9, v9;
	v10 =	vmul.f32 v10, v10;
	v11 =	vsub.f32 v11, v6;
	_ =	sdelay $0x1  }
0x3b2: {  	v9 =	vadd.f32 v10, v9;
	v10 =	vmul.f32 v11, v11;
	_ =	sdelay $0x1  }
0x3b3: {  	v9 =	vadd.f32 v10, v9;
	s0 =	spop @p0 (v2sf)  }
0x3b4: {  	s30 =	smov.u32 @p0 s0  }
0x3b5: {  	vm0 =	vlt.f32 v9, s30  }
0x3b6: {  	v10 =	vsel vm0, $0x3F800000, v0  }
0x3b7: {  	(xrf0) =	vmax.scan.msk.f32 $0xffff, v10;
	_ =	sdelay $0x5  }
0x3b8: {  	v10, _, _ =	vpop (xrf0)  }
0x3b9: {  	(v2sf) =	vpush v10, $0xF;
	_ =	sdelay $0xe  }
0x3ba: {  	s0 =	spop (v2sf)  }
0x3bb: {  	p0 =	sgt.f32 s0, $0.0e+00;
	_ =	sdelay $0x1  }
0x3bc: {  	v10 =	vlaneseq.u32 @p0  }
0x3bd: {  	v11 =	vor.u32 @p0 s4, v10  }
0x3be: {  	(xrf1) =	vsort.ascd.msk.f32 @p0 $0xffff, v9, v11;
	_ =	sdelay $0x9  }
0x3bf: {  	v9 =	vmul.u32 @p0 $0xFFFFFFFF, v10;
	_ =	sdelay $0x1  }
0x3c0: {  	v9 =	vadd.s32 @p0 $0xF, v9  }
0x3c1: {  	v10 =	vperm.xlane @p0 v8, v9  }
0x3c2: {  	v9 =	vperm.xlane @p0 v7, v9;
	v11, v12, _ =	vpop @p0 (xrf1)  }
0x3c3: {  	vm0 =	vlt.f32 @p0 v11, v10  }
0x3c4: {  	v10 =	vsel @p0 vm0, v11, v10;
	v9 =	vsel @p0 vm0, v12, v9  }
0x3c5: {  	(xrf1) =	vsort.ascd.msk.f32 @p0 $0xffff, v10, v9;
	_ =	sdelay $0xc  }
.Ltmp10:
0x3c6: {  	(pc) =	sbr.rel @p1 .LBB2_23-.Ltmp10, $3  }
0x3c7: {  	v9, v10, _ =	vpop @p0 (xrf1)  }
0x3c8: {  	v8 =	vpsel p0, v9, v8;
	v7 =	vpsel p0, v10, v7;
	(v2sf) =	vpush @p0 v9, $0xF;
	_ =	sdelay $0x1  }
0x3c9: {  	s31 =	sadd.s32 $0x10, s31  }
0x3ca: {  	v4 =	vshrl.u32 v8, $0x1  }
0x3cb: {  	v4 =	vadd.s32 $0x1FBD1DF6, v4  }
0x3cc: {  	(erf) = vrcp.f32 v4;
	_ =	sdelay $0x8  }
0x3cd: {  	v5 =	vpop (erf)  }
0x3ce: {  	v5 =	vmul.f32 v5, v8;
	_ =	sdelay $0x1  }
0x3cf: {  	v4 =	vadd.f32 v4, v5;
	_ =	sdelay $0x1  }
0x3d0: {  	v4 =	vmul.f32 $5.000000000e-01, v4;
	_ =	sdelay $0x1  }
0x3d1: {  	(erf) = vrcp.f32 v4;
	_ =	sdelay $0x8  }
0x3d2: {  	v5 =	vpop (erf)  }
0x3d3: {  	v5 =	vmul.f32 v5, v8;
	_ =	sdelay $0x1  }
0x3d4: {  	v4 =	vadd.f32 v5, v4;
	_ =	sdelay $0x1  }
0x3d5: {  	v4 =	vmul.f32 $5.000000000e-01, v4;
	_ =	sdelay $0x1  }
0x3d6: {  	(erf) = vrcp.f32 v4;
	_ =	sdelay $0x8  }
0x3d7: {  	v5 =	vpop (erf)  }
0x3d8: {  	v5 =	vmul.f32 v5, v8;
	_ =	sdelay $0x1  }
0x3d9: {  	v4 =	vadd.f32 v5, v4;
	_ =	sdelay $0x1  }
0x3da: {  	v4 =	vmul.f32 $5.000000000e-01, v4  }
0x3db: {  	vm0 =	vgt.f32 v8, $0.0e+00  }
0x3dc: {  	v4 =	vnsel vm0, $0x0, v4  }
0x3dd: {  	s0 =	simm.s32 $0x0;
	[tilespmem:s26+$0x63A0] =	vst v4  }
0x3de: {  	v4 =	vld.idx.msk [tilespmem:v7+s0+$0x0], $0xffff;
	_ =	sdelay $0x4  }
0x3df: {  	s28 =	simm.s32 $0x2000;
	[tilespmem:s26+$0x73A0] =	vst v4  }
0x3e0: {  	v4 =	vld.idx.msk [tilespmem:v7+s28+$0x0], $0xffff;
	_ =	sdelay $0x4  }
0x3e1: {  	s29 =	simm.s32 $0x4000;
	[tilespmem:s26+$0x83A0] =	vst v4  }
0x3e2: {  	v4 =	vld.idx.msk [tilespmem:v7+s29+$0x0], $0xffff;
	_ =	sdelay $0x4  }
0x3e3: {  	[tilespmem:s26+$0x93A0] =	vst v4  }
0x3e4: {  	v7 =	vld [tilespmem:s0+$0x0]  }
0x3e5: {  	v8 =	vld [tilespmem:s28+$0x0];
	_ =	sdelay $0x1  }
0x3e6: {  	v9 =	vld [tilespmem:s29+$0x0]  }
0x3e7: {  	v5 =	vbroadcast v2, $0xB;
	v4 =	vbroadcast v1, $0xB;
	_ =	sdelay $0x1  }
0x3e8: {  	v6 =	vbroadcast v3, $0xB;
	v7 =	vsub.f32 v7, v4;
	v8 =	vsub.f32 v8, v5;
	_ =	sdelay $0x1  }
0x3e9: {  	v9 =	vsub.f32 v9, v6;
	v7 =	vmul.f32 v7, v7;
	v8 =	vmul.f32 v8, v8;
	_ =	sdelay $0x1  }
0x3ea: {  	v7 =	vadd.f32 v8, v7;
	v8 =	vmul.f32 v9, v9;
	_ =	sdelay $0x1  }
0x3eb: {  	v7 =	vadd.f32 v8, v7  }
0x3ec: {  	s30 =	simm.f32 $+Inf  }
0x3ed: {  	vm15 =	vlt.f32 v7, s30  }
0x3ee: {  	v8 =	vsel vm15, $0x3F800000, v0  }
0x3ef: {  	(xrf0) =	vmax.scan.msk.f32 $0xffff, v8;
	_ =	sdelay $0x5  }
0x3f0: {  	v8, _, _ =	vpop (xrf0)  }
0x3f1: {  	(v2sf) =	vpush v8, $0xF;
	_ =	sdelay $0xd  }
0x3f2: {  	s1 =	spop @p0 (v2sf)  }
0x3f3: {  	s1 =	spop (v2sf)  }
0x3f4: {  	p0 =	sgt.f32 s1, $0.0e+00;
	_ =	sdelay $0x1  }
0x3f5: {  	v8 =	vlaneseq.u32 @p0  }
0x3f6: {  	v9 =	vor.u32 @p0 s0, v8  }
0x3f7: {  	(xrf1) =	vsort.ascd.msk.f32 @p0 $0xffff, v7, v9;
	_ =	sdelay $0x9  }
0x3f8: {  	v7 =	vmul.u32 @p0 $0xFFFFFFFF, v8;
	_ =	sdelay $0x1  }
0x3f9: {  	v8 =	vimm.f32 $+Inf;
	v7 =	vadd.s32 @p0 $0xF, v7  }
0x3fa: {  	v9 =	vimm.s32 $0x0;
	v10 =	vperm.xlane @p0 v8, v7  }
0x3fb: {  	v7 =	vperm.xlane @p0 v9, v7;
	v11, v12, _ =	vpop @p0 (xrf1)  }
0x3fc: {  	vm0 =	vlt.f32 @p0 v11, v10  }
0x3fd: {  	v10 =	vsel @p0 vm0, v11, v10;
	v7 =	vsel @p0 vm0, v12, v7  }
0x3fe: {  	(xrf1) =	vsort.ascd.msk.f32 @p0 $0xffff, v10, v7;
	_ =	sdelay $0xd  }
0x3ff: {  	v10, v7, _ =	vpop @p0 (xrf1)  }
0x400: {  	(v2sf) =	vpush @p0 v10, $0xF;
	_ =	sdelay $0x1  }
0x401: {  	s31 =	simm.s32 $0x10;
	s1 =	simm.s32 $0x10;
	v8 =	vpsel p0, v10, v8;
	v7 =	vpsel p0, v7, v9  }
.LBB2_25:
0x402: {  	v9 =	vld [tilespmem:s31+$0x0];
	s28 =	sadd.s32 $0x10, s28;
	s4 =	smov.u32 s1  }
0x403: {  	s1 =	sadd.s32 $0x10, s1;
	v10 =	vld [tilespmem:s28+$0x0]  }
0x404: {  	s29 =	sadd.s32 $0x10, s29;
	p1 =	sne.s32 s1, $0x2000  }
0x405: {  	v11 =	vld [tilespmem:s29+$0x0];
	_ =	sdelay $0x2  }
0x406: {  	v9 =	vsub.f32 v9, v4;
	v10 =	vsub.f32 v10, v5;
	_ =	sdelay $0x1  }
0x407: {  	v9 =	vmul.f32 v9, v9;
	v10 =	vmul.f32 v10, v10;
	v11 =	vsub.f32 v11, v6;
	_ =	sdelay $0x1  }
0x408: {  	v9 =	vadd.f32 v10, v9;
	v10 =	vmul.f32 v11, v11;
	_ =	sdelay $0x1  }
0x409: {  	v9 =	vadd.f32 v10, v9;
	s0 =	spop @p0 (v2sf)  }
0x40a: {  	s30 =	smov.u32 @p0 s0  }
0x40b: {  	vm0 =	vlt.f32 v9, s30  }
0x40c: {  	v10 =	vsel vm0, $0x3F800000, v0  }
0x40d: {  	(xrf0) =	vmax.scan.msk.f32 $0xffff, v10;
	_ =	sdelay $0x5  }
0x40e: {  	v10, _, _ =	vpop (xrf0)  }
0x40f: {  	(v2sf) =	vpush v10, $0xF;
	_ =	sdelay $0xe  }
0x410: {  	s0 =	spop (v2sf)  }
0x411: {  	p0 =	sgt.f32 s0, $0.0e+00;
	_ =	sdelay $0x1  }
0x412: {  	v10 =	vlaneseq.u32 @p0  }
0x413: {  	v11 =	vor.u32 @p0 s4, v10  }
0x414: {  	(xrf1) =	vsort.ascd.msk.f32 @p0 $0xffff, v9, v11;
	_ =	sdelay $0x9  }
0x415: {  	v9 =	vmul.u32 @p0 $0xFFFFFFFF, v10;
	_ =	sdelay $0x1  }
0x416: {  	v9 =	vadd.s32 @p0 $0xF, v9  }
0x417: {  	v10 =	vperm.xlane @p0 v8, v9  }
0x418: {  	v9 =	vperm.xlane @p0 v7, v9;
	v11, v12, _ =	vpop @p0 (xrf1)  }
0x419: {  	vm0 =	vlt.f32 @p0 v11, v10  }
0x41a: {  	v10 =	vsel @p0 vm0, v11, v10;
	v9 =	vsel @p0 vm0, v12, v9  }
0x41b: {  	(xrf1) =	vsort.ascd.msk.f32 @p0 $0xffff, v10, v9;
	_ =	sdelay $0xc  }
.Ltmp11:
0x41c: {  	(pc) =	sbr.rel @p1 .LBB2_25-.Ltmp11, $3  }
0x41d: {  	v9, v10, _ =	vpop @p0 (xrf1)  }
0x41e: {  	v8 =	vpsel p0, v9, v8;
	v7 =	vpsel p0, v10, v7;
	(v2sf) =	vpush @p0 v9, $0xF;
	_ =	sdelay $0x1  }
0x41f: {  	s31 =	sadd.s32 $0x10, s31  }
0x420: {  	v4 =	vshrl.u32 v8, $0x1  }
0x421: {  	v4 =	vadd.s32 $0x1FBD1DF6, v4  }
0x422: {  	(erf) = vrcp.f32 v4;
	_ =	sdelay $0x8  }
0x423: {  	v5 =	vpop (erf)  }
0x424: {  	v5 =	vmul.f32 v5, v8;
	_ =	sdelay $0x1  }
0x425: {  	v4 =	vadd.f32 v4, v5;
	_ =	sdelay $0x1  }
0x426: {  	v4 =	vmul.f32 $5.000000000e-01, v4;
	_ =	sdelay $0x1  }
0x427: {  	(erf) = vrcp.f32 v4;
	_ =	sdelay $0x8  }
0x428: {  	v5 =	vpop (erf)  }
0x429: {  	v5 =	vmul.f32 v5, v8;
	_ =	sdelay $0x1  }
0x42a: {  	v4 =	vadd.f32 v5, v4;
	_ =	sdelay $0x1  }
0x42b: {  	v4 =	vmul.f32 $5.000000000e-01, v4;
	_ =	sdelay $0x1  }
0x42c: {  	(erf) = vrcp.f32 v4;
	_ =	sdelay $0x8  }
0x42d: {  	v5 =	vpop (erf)  }
0x42e: {  	v5 =	vmul.f32 v5, v8;
	_ =	sdelay $0x1  }
0x42f: {  	v4 =	vadd.f32 v5, v4;
	_ =	sdelay $0x1  }
0x430: {  	v4 =	vmul.f32 $5.000000000e-01, v4  }
0x431: {  	vm0 =	vgt.f32 v8, $0.0e+00  }
0x432: {  	v4 =	vnsel vm0, $0x0, v4  }
0x433: {  	s0 =	simm.s32 $0x0;
	[tilespmem:s26+$0x63B0] =	vst v4  }
0x434: {  	v4 =	vld.idx.msk [tilespmem:v7+s0+$0x0], $0xffff;
	_ =	sdelay $0x4  }
0x435: {  	s28 =	simm.s32 $0x2000;
	[tilespmem:s26+$0x73B0] =	vst v4  }
0x436: {  	v4 =	vld.idx.msk [tilespmem:v7+s28+$0x0], $0xffff;
	_ =	sdelay $0x4  }
0x437: {  	s29 =	simm.s32 $0x4000;
	[tilespmem:s26+$0x83B0] =	vst v4  }
0x438: {  	v4 =	vld.idx.msk [tilespmem:v7+s29+$0x0], $0xffff;
	_ =	sdelay $0x4  }
0x439: {  	[tilespmem:s26+$0x93B0] =	vst v4  }
0x43a: {  	v7 =	vld [tilespmem:s0+$0x0]  }
0x43b: {  	v8 =	vld [tilespmem:s28+$0x0];
	_ =	sdelay $0x1  }
0x43c: {  	v9 =	vld [tilespmem:s29+$0x0]  }
0x43d: {  	v5 =	vbroadcast v2, $0xC;
	v4 =	vbroadcast v1, $0xC;
	_ =	sdelay $0x1  }
0x43e: {  	v6 =	vbroadcast v3, $0xC;
	v7 =	vsub.f32 v7, v4;
	v8 =	vsub.f32 v8, v5;
	_ =	sdelay $0x1  }
0x43f: {  	v9 =	vsub.f32 v9, v6;
	v7 =	vmul.f32 v7, v7;
	v8 =	vmul.f32 v8, v8;
	_ =	sdelay $0x1  }
0x440: {  	v7 =	vadd.f32 v8, v7;
	v8 =	vmul.f32 v9, v9;
	_ =	sdelay $0x1  }
0x441: {  	v7 =	vadd.f32 v8, v7  }
0x442: {  	s30 =	simm.f32 $+Inf  }
0x443: {  	vm15 =	vlt.f32 v7, s30  }
0x444: {  	v8 =	vsel vm15, $0x3F800000, v0  }
0x445: {  	(xrf0) =	vmax.scan.msk.f32 $0xffff, v8;
	_ =	sdelay $0x5  }
0x446: {  	v8, _, _ =	vpop (xrf0)  }
0x447: {  	(v2sf) =	vpush v8, $0xF;
	_ =	sdelay $0xd  }
0x448: {  	s1 =	spop @p0 (v2sf)  }
0x449: {  	s1 =	spop (v2sf)  }
0x44a: {  	p0 =	sgt.f32 s1, $0.0e+00;
	_ =	sdelay $0x1  }
0x44b: {  	v8 =	vlaneseq.u32 @p0  }
0x44c: {  	v9 =	vor.u32 @p0 s0, v8  }
0x44d: {  	(xrf1) =	vsort.ascd.msk.f32 @p0 $0xffff, v7, v9;
	_ =	sdelay $0x9  }
0x44e: {  	v7 =	vmul.u32 @p0 $0xFFFFFFFF, v8;
	_ =	sdelay $0x1  }
0x44f: {  	v8 =	vimm.f32 $+Inf;
	v7 =	vadd.s32 @p0 $0xF, v7  }
0x450: {  	v9 =	vimm.s32 $0x0;
	v10 =	vperm.xlane @p0 v8, v7  }
0x451: {  	v7 =	vperm.xlane @p0 v9, v7;
	v11, v12, _ =	vpop @p0 (xrf1)  }
0x452: {  	vm0 =	vlt.f32 @p0 v11, v10  }
0x453: {  	v10 =	vsel @p0 vm0, v11, v10;
	v7 =	vsel @p0 vm0, v12, v7  }
0x454: {  	(xrf1) =	vsort.ascd.msk.f32 @p0 $0xffff, v10, v7;
	_ =	sdelay $0xd  }
0x455: {  	v10, v7, _ =	vpop @p0 (xrf1)  }
0x456: {  	(v2sf) =	vpush @p0 v10, $0xF;
	_ =	sdelay $0x1  }
0x457: {  	s31 =	simm.s32 $0x10;
	s1 =	simm.s32 $0x10;
	v8 =	vpsel p0, v10, v8;
	v7 =	vpsel p0, v7, v9  }
.LBB2_27:
0x458: {  	v9 =	vld [tilespmem:s31+$0x0];
	s28 =	sadd.s32 $0x10, s28;
	s4 =	smov.u32 s1  }
0x459: {  	s1 =	sadd.s32 $0x10, s1;
	v10 =	vld [tilespmem:s28+$0x0]  }
0x45a: {  	s29 =	sadd.s32 $0x10, s29;
	p1 =	sne.s32 s1, $0x2000  }
0x45b: {  	v11 =	vld [tilespmem:s29+$0x0];
	_ =	sdelay $0x2  }
0x45c: {  	v9 =	vsub.f32 v9, v4;
	v10 =	vsub.f32 v10, v5;
	_ =	sdelay $0x1  }
0x45d: {  	v9 =	vmul.f32 v9, v9;
	v10 =	vmul.f32 v10, v10;
	v11 =	vsub.f32 v11, v6;
	_ =	sdelay $0x1  }
0x45e: {  	v9 =	vadd.f32 v10, v9;
	v10 =	vmul.f32 v11, v11;
	_ =	sdelay $0x1  }
0x45f: {  	v9 =	vadd.f32 v10, v9;
	s0 =	spop @p0 (v2sf)  }
0x460: {  	s30 =	smov.u32 @p0 s0  }
0x461: {  	vm0 =	vlt.f32 v9, s30  }
0x462: {  	v10 =	vsel vm0, $0x3F800000, v0  }
0x463: {  	(xrf0) =	vmax.scan.msk.f32 $0xffff, v10;
	_ =	sdelay $0x5  }
0x464: {  	v10, _, _ =	vpop (xrf0)  }
0x465: {  	(v2sf) =	vpush v10, $0xF;
	_ =	sdelay $0xe  }
0x466: {  	s0 =	spop (v2sf)  }
0x467: {  	p0 =	sgt.f32 s0, $0.0e+00;
	_ =	sdelay $0x1  }
0x468: {  	v10 =	vlaneseq.u32 @p0  }
0x469: {  	v11 =	vor.u32 @p0 s4, v10  }
0x46a: {  	(xrf1) =	vsort.ascd.msk.f32 @p0 $0xffff, v9, v11;
	_ =	sdelay $0x9  }
0x46b: {  	v9 =	vmul.u32 @p0 $0xFFFFFFFF, v10;
	_ =	sdelay $0x1  }
0x46c: {  	v9 =	vadd.s32 @p0 $0xF, v9  }
0x46d: {  	v10 =	vperm.xlane @p0 v8, v9  }
0x46e: {  	v9 =	vperm.xlane @p0 v7, v9;
	v11, v12, _ =	vpop @p0 (xrf1)  }
0x46f: {  	vm0 =	vlt.f32 @p0 v11, v10  }
0x470: {  	v10 =	vsel @p0 vm0, v11, v10;
	v9 =	vsel @p0 vm0, v12, v9  }
0x471: {  	(xrf1) =	vsort.ascd.msk.f32 @p0 $0xffff, v10, v9;
	_ =	sdelay $0xc  }
.Ltmp12:
0x472: {  	(pc) =	sbr.rel @p1 .LBB2_27-.Ltmp12, $3  }
0x473: {  	v9, v10, _ =	vpop @p0 (xrf1)  }
0x474: {  	v8 =	vpsel p0, v9, v8;
	v7 =	vpsel p0, v10, v7;
	(v2sf) =	vpush @p0 v9, $0xF;
	_ =	sdelay $0x1  }
0x475: {  	s31 =	sadd.s32 $0x10, s31  }
0x476: {  	v4 =	vshrl.u32 v8, $0x1  }
0x477: {  	v4 =	vadd.s32 $0x1FBD1DF6, v4  }
0x478: {  	(erf) = vrcp.f32 v4;
	_ =	sdelay $0x8  }
0x479: {  	v5 =	vpop (erf)  }
0x47a: {  	v5 =	vmul.f32 v5, v8;
	_ =	sdelay $0x1  }
0x47b: {  	v4 =	vadd.f32 v4, v5;
	_ =	sdelay $0x1  }
0x47c: {  	v4 =	vmul.f32 $5.000000000e-01, v4;
	_ =	sdelay $0x1  }
0x47d: {  	(erf) = vrcp.f32 v4;
	_ =	sdelay $0x8  }
0x47e: {  	v5 =	vpop (erf)  }
0x47f: {  	v5 =	vmul.f32 v5, v8;
	_ =	sdelay $0x1  }
0x480: {  	v4 =	vadd.f32 v5, v4;
	_ =	sdelay $0x1  }
0x481: {  	v4 =	vmul.f32 $5.000000000e-01, v4;
	_ =	sdelay $0x1  }
0x482: {  	(erf) = vrcp.f32 v4;
	_ =	sdelay $0x8  }
0x483: {  	v5 =	vpop (erf)  }
0x484: {  	v5 =	vmul.f32 v5, v8;
	_ =	sdelay $0x1  }
0x485: {  	v4 =	vadd.f32 v5, v4;
	_ =	sdelay $0x1  }
0x486: {  	v4 =	vmul.f32 $5.000000000e-01, v4  }
0x487: {  	vm0 =	vgt.f32 v8, $0.0e+00  }
0x488: {  	v4 =	vnsel vm0, $0x0, v4  }
0x489: {  	s0 =	simm.s32 $0x0;
	[tilespmem:s26+$0x63C0] =	vst v4  }
0x48a: {  	v4 =	vld.idx.msk [tilespmem:v7+s0+$0x0], $0xffff;
	_ =	sdelay $0x4  }
0x48b: {  	s28 =	simm.s32 $0x2000;
	[tilespmem:s26+$0x73C0] =	vst v4  }
0x48c: {  	v4 =	vld.idx.msk [tilespmem:v7+s28+$0x0], $0xffff;
	_ =	sdelay $0x4  }
0x48d: {  	s29 =	simm.s32 $0x4000;
	[tilespmem:s26+$0x83C0] =	vst v4  }
0x48e: {  	v4 =	vld.idx.msk [tilespmem:v7+s29+$0x0], $0xffff;
	_ =	sdelay $0x4  }
0x48f: {  	[tilespmem:s26+$0x93C0] =	vst v4  }
0x490: {  	v7 =	vld [tilespmem:s0+$0x0]  }
0x491: {  	v8 =	vld [tilespmem:s28+$0x0];
	_ =	sdelay $0x1  }
0x492: {  	v9 =	vld [tilespmem:s29+$0x0]  }
0x493: {  	v5 =	vbroadcast v2, $0xD;
	v4 =	vbroadcast v1, $0xD;
	_ =	sdelay $0x1  }
0x494: {  	v6 =	vbroadcast v3, $0xD;
	v7 =	vsub.f32 v7, v4;
	v8 =	vsub.f32 v8, v5;
	_ =	sdelay $0x1  }
0x495: {  	v9 =	vsub.f32 v9, v6;
	v7 =	vmul.f32 v7, v7;
	v8 =	vmul.f32 v8, v8;
	_ =	sdelay $0x1  }
0x496: {  	v7 =	vadd.f32 v8, v7;
	v8 =	vmul.f32 v9, v9;
	_ =	sdelay $0x1  }
0x497: {  	v7 =	vadd.f32 v8, v7  }
0x498: {  	s30 =	simm.f32 $+Inf  }
0x499: {  	vm15 =	vlt.f32 v7, s30  }
0x49a: {  	v8 =	vsel vm15, $0x3F800000, v0  }
0x49b: {  	(xrf0) =	vmax.scan.msk.f32 $0xffff, v8;
	_ =	sdelay $0x5  }
0x49c: {  	v8, _, _ =	vpop (xrf0)  }
0x49d: {  	(v2sf) =	vpush v8, $0xF;
	_ =	sdelay $0xd  }
0x49e: {  	s1 =	spop @p0 (v2sf)  }
0x49f: {  	s1 =	spop (v2sf)  }
0x4a0: {  	p0 =	sgt.f32 s1, $0.0e+00;
	_ =	sdelay $0x1  }
0x4a1: {  	v8 =	vlaneseq.u32 @p0  }
0x4a2: {  	v9 =	vor.u32 @p0 s0, v8  }
0x4a3: {  	(xrf1) =	vsort.ascd.msk.f32 @p0 $0xffff, v7, v9;
	_ =	sdelay $0x9  }
0x4a4: {  	v7 =	vmul.u32 @p0 $0xFFFFFFFF, v8;
	_ =	sdelay $0x1  }
0x4a5: {  	v8 =	vimm.f32 $+Inf;
	v7 =	vadd.s32 @p0 $0xF, v7  }
0x4a6: {  	v9 =	vimm.s32 $0x0;
	v10 =	vperm.xlane @p0 v8, v7  }
0x4a7: {  	v7 =	vperm.xlane @p0 v9, v7;
	v11, v12, _ =	vpop @p0 (xrf1)  }
0x4a8: {  	vm0 =	vlt.f32 @p0 v11, v10  }
0x4a9: {  	v10 =	vsel @p0 vm0, v11, v10;
	v7 =	vsel @p0 vm0, v12, v7  }
0x4aa: {  	(xrf1) =	vsort.ascd.msk.f32 @p0 $0xffff, v10, v7;
	_ =	sdelay $0xd  }
0x4ab: {  	v10, v7, _ =	vpop @p0 (xrf1)  }
0x4ac: {  	(v2sf) =	vpush @p0 v10, $0xF;
	_ =	sdelay $0x1  }
0x4ad: {  	s31 =	simm.s32 $0x10;
	s1 =	simm.s32 $0x10;
	v8 =	vpsel p0, v10, v8;
	v7 =	vpsel p0, v7, v9  }
.LBB2_29:
0x4ae: {  	v9 =	vld [tilespmem:s31+$0x0];
	s28 =	sadd.s32 $0x10, s28;
	s4 =	smov.u32 s1  }
0x4af: {  	s1 =	sadd.s32 $0x10, s1;
	v10 =	vld [tilespmem:s28+$0x0]  }
0x4b0: {  	s29 =	sadd.s32 $0x10, s29;
	p1 =	sne.s32 s1, $0x2000  }
0x4b1: {  	v11 =	vld [tilespmem:s29+$0x0];
	_ =	sdelay $0x2  }
0x4b2: {  	v9 =	vsub.f32 v9, v4;
	v10 =	vsub.f32 v10, v5;
	_ =	sdelay $0x1  }
0x4b3: {  	v9 =	vmul.f32 v9, v9;
	v10 =	vmul.f32 v10, v10;
	v11 =	vsub.f32 v11, v6;
	_ =	sdelay $0x1  }
0x4b4: {  	v9 =	vadd.f32 v10, v9;
	v10 =	vmul.f32 v11, v11;
	_ =	sdelay $0x1  }
0x4b5: {  	v9 =	vadd.f32 v10, v9;
	s0 =	spop @p0 (v2sf)  }
0x4b6: {  	s30 =	smov.u32 @p0 s0  }
0x4b7: {  	vm0 =	vlt.f32 v9, s30  }
0x4b8: {  	v10 =	vsel vm0, $0x3F800000, v0  }
0x4b9: {  	(xrf0) =	vmax.scan.msk.f32 $0xffff, v10;
	_ =	sdelay $0x5  }
0x4ba: {  	v10, _, _ =	vpop (xrf0)  }
0x4bb: {  	(v2sf) =	vpush v10, $0xF;
	_ =	sdelay $0xe  }
0x4bc: {  	s0 =	spop (v2sf)  }
0x4bd: {  	p0 =	sgt.f32 s0, $0.0e+00;
	_ =	sdelay $0x1  }
0x4be: {  	v10 =	vlaneseq.u32 @p0  }
0x4bf: {  	v11 =	vor.u32 @p0 s4, v10  }
0x4c0: {  	(xrf1) =	vsort.ascd.msk.f32 @p0 $0xffff, v9, v11;
	_ =	sdelay $0x9  }
0x4c1: {  	v9 =	vmul.u32 @p0 $0xFFFFFFFF, v10;
	_ =	sdelay $0x1  }
0x4c2: {  	v9 =	vadd.s32 @p0 $0xF, v9  }
0x4c3: {  	v10 =	vperm.xlane @p0 v8, v9  }
0x4c4: {  	v9 =	vperm.xlane @p0 v7, v9;
	v11, v12, _ =	vpop @p0 (xrf1)  }
0x4c5: {  	vm0 =	vlt.f32 @p0 v11, v10  }
0x4c6: {  	v10 =	vsel @p0 vm0, v11, v10;
	v9 =	vsel @p0 vm0, v12, v9  }
0x4c7: {  	(xrf1) =	vsort.ascd.msk.f32 @p0 $0xffff, v10, v9;
	_ =	sdelay $0xc  }
.Ltmp13:
0x4c8: {  	(pc) =	sbr.rel @p1 .LBB2_29-.Ltmp13, $3  }
0x4c9: {  	v9, v10, _ =	vpop @p0 (xrf1)  }
0x4ca: {  	v8 =	vpsel p0, v9, v8;
	v7 =	vpsel p0, v10, v7;
	(v2sf) =	vpush @p0 v9, $0xF;
	_ =	sdelay $0x1  }
0x4cb: {  	s31 =	sadd.s32 $0x10, s31  }
0x4cc: {  	v4 =	vshrl.u32 v8, $0x1  }
0x4cd: {  	v4 =	vadd.s32 $0x1FBD1DF6, v4  }
0x4ce: {  	(erf) = vrcp.f32 v4;
	_ =	sdelay $0x8  }
0x4cf: {  	v5 =	vpop (erf)  }
0x4d0: {  	v5 =	vmul.f32 v5, v8;
	_ =	sdelay $0x1  }
0x4d1: {  	v4 =	vadd.f32 v4, v5;
	_ =	sdelay $0x1  }
0x4d2: {  	v4 =	vmul.f32 $5.000000000e-01, v4;
	_ =	sdelay $0x1  }
0x4d3: {  	(erf) = vrcp.f32 v4;
	_ =	sdelay $0x8  }
0x4d4: {  	v5 =	vpop (erf)  }
0x4d5: {  	v5 =	vmul.f32 v5, v8;
	_ =	sdelay $0x1  }
0x4d6: {  	v4 =	vadd.f32 v5, v4;
	_ =	sdelay $0x1  }
0x4d7: {  	v4 =	vmul.f32 $5.000000000e-01, v4;
	_ =	sdelay $0x1  }
0x4d8: {  	(erf) = vrcp.f32 v4;
	_ =	sdelay $0x8  }
0x4d9: {  	v5 =	vpop (erf)  }
0x4da: {  	v5 =	vmul.f32 v5, v8;
	_ =	sdelay $0x1  }
0x4db: {  	v4 =	vadd.f32 v5, v4;
	_ =	sdelay $0x1  }
0x4dc: {  	v4 =	vmul.f32 $5.000000000e-01, v4  }
0x4dd: {  	vm0 =	vgt.f32 v8, $0.0e+00  }
0x4de: {  	v4 =	vnsel vm0, $0x0, v4  }
0x4df: {  	s0 =	simm.s32 $0x0;
	[tilespmem:s26+$0x63D0] =	vst v4  }
0x4e0: {  	v4 =	vld.idx.msk [tilespmem:v7+s0+$0x0], $0xffff;
	_ =	sdelay $0x4  }
0x4e1: {  	s28 =	simm.s32 $0x2000;
	[tilespmem:s26+$0x73D0] =	vst v4  }
0x4e2: {  	v4 =	vld.idx.msk [tilespmem:v7+s28+$0x0], $0xffff;
	_ =	sdelay $0x4  }
0x4e3: {  	s29 =	simm.s32 $0x4000;
	[tilespmem:s26+$0x83D0] =	vst v4  }
0x4e4: {  	v4 =	vld.idx.msk [tilespmem:v7+s29+$0x0], $0xffff;
	_ =	sdelay $0x4  }
0x4e5: {  	[tilespmem:s26+$0x93D0] =	vst v4  }
0x4e6: {  	v7 =	vld [tilespmem:s0+$0x0]  }
0x4e7: {  	v8 =	vld [tilespmem:s28+$0x0];
	_ =	sdelay $0x1  }
0x4e8: {  	v9 =	vld [tilespmem:s29+$0x0]  }
0x4e9: {  	v5 =	vbroadcast v2, $0xE;
	v4 =	vbroadcast v1, $0xE;
	_ =	sdelay $0x1  }
0x4ea: {  	v6 =	vbroadcast v3, $0xE;
	v7 =	vsub.f32 v7, v4;
	v8 =	vsub.f32 v8, v5;
	_ =	sdelay $0x1  }
0x4eb: {  	v9 =	vsub.f32 v9, v6;
	v7 =	vmul.f32 v7, v7;
	v8 =	vmul.f32 v8, v8;
	_ =	sdelay $0x1  }
0x4ec: {  	v7 =	vadd.f32 v8, v7;
	v8 =	vmul.f32 v9, v9;
	_ =	sdelay $0x1  }
0x4ed: {  	v7 =	vadd.f32 v8, v7  }
0x4ee: {  	s30 =	simm.f32 $+Inf  }
0x4ef: {  	vm15 =	vlt.f32 v7, s30  }
0x4f0: {  	v8 =	vsel vm15, $0x3F800000, v0  }
0x4f1: {  	(xrf0) =	vmax.scan.msk.f32 $0xffff, v8;
	_ =	sdelay $0x5  }
0x4f2: {  	v8, _, _ =	vpop (xrf0)  }
0x4f3: {  	(v2sf) =	vpush v8, $0xF;
	_ =	sdelay $0xd  }
0x4f4: {  	s1 =	spop @p0 (v2sf)  }
0x4f5: {  	s1 =	spop (v2sf)  }
0x4f6: {  	p0 =	sgt.f32 s1, $0.0e+00;
	_ =	sdelay $0x1  }
0x4f7: {  	v8 =	vlaneseq.u32 @p0  }
0x4f8: {  	v9 =	vor.u32 @p0 s0, v8  }
0x4f9: {  	(xrf1) =	vsort.ascd.msk.f32 @p0 $0xffff, v7, v9;
	_ =	sdelay $0x9  }
0x4fa: {  	v7 =	vmul.u32 @p0 $0xFFFFFFFF, v8;
	_ =	sdelay $0x1  }
0x4fb: {  	v8 =	vimm.f32 $+Inf;
	v7 =	vadd.s32 @p0 $0xF, v7  }
0x4fc: {  	v9 =	vimm.s32 $0x0;
	v10 =	vperm.xlane @p0 v8, v7  }
0x4fd: {  	v7 =	vperm.xlane @p0 v9, v7;
	v11, v12, _ =	vpop @p0 (xrf1)  }
0x4fe: {  	vm0 =	vlt.f32 @p0 v11, v10  }
0x4ff: {  	v10 =	vsel @p0 vm0, v11, v10;
	v7 =	vsel @p0 vm0, v12, v7  }
0x500: {  	(xrf1) =	vsort.ascd.msk.f32 @p0 $0xffff, v10, v7;
	_ =	sdelay $0xd  }
0x501: {  	v10, v7, _ =	vpop @p0 (xrf1)  }
0x502: {  	(v2sf) =	vpush @p0 v10, $0xF;
	_ =	sdelay $0x1  }
0x503: {  	s31 =	simm.s32 $0x10;
	s1 =	simm.s32 $0x10;
	v8 =	vpsel p0, v10, v8;
	v7 =	vpsel p0, v7, v9  }
.LBB2_31:
0x504: {  	v9 =	vld [tilespmem:s31+$0x0];
	s28 =	sadd.s32 $0x10, s28;
	s4 =	smov.u32 s1  }
0x505: {  	s1 =	sadd.s32 $0x10, s1;
	v10 =	vld [tilespmem:s28+$0x0]  }
0x506: {  	s29 =	sadd.s32 $0x10, s29;
	p1 =	sne.s32 s1, $0x2000  }
0x507: {  	v11 =	vld [tilespmem:s29+$0x0];
	_ =	sdelay $0x2  }
0x508: {  	v9 =	vsub.f32 v9, v4;
	v10 =	vsub.f32 v10, v5;
	_ =	sdelay $0x1  }
0x509: {  	v9 =	vmul.f32 v9, v9;
	v10 =	vmul.f32 v10, v10;
	v11 =	vsub.f32 v11, v6;
	_ =	sdelay $0x1  }
0x50a: {  	v9 =	vadd.f32 v10, v9;
	v10 =	vmul.f32 v11, v11;
	_ =	sdelay $0x1  }
0x50b: {  	v9 =	vadd.f32 v10, v9;
	s0 =	spop @p0 (v2sf)  }
0x50c: {  	s30 =	smov.u32 @p0 s0  }
0x50d: {  	vm0 =	vlt.f32 v9, s30  }
0x50e: {  	v10 =	vsel vm0, $0x3F800000, v0  }
0x50f: {  	(xrf0) =	vmax.scan.msk.f32 $0xffff, v10;
	_ =	sdelay $0x5  }
0x510: {  	v10, _, _ =	vpop (xrf0)  }
0x511: {  	(v2sf) =	vpush v10, $0xF;
	_ =	sdelay $0xe  }
0x512: {  	s0 =	spop (v2sf)  }
0x513: {  	p0 =	sgt.f32 s0, $0.0e+00;
	_ =	sdelay $0x1  }
0x514: {  	v10 =	vlaneseq.u32 @p0  }
0x515: {  	v11 =	vor.u32 @p0 s4, v10  }
0x516: {  	(xrf1) =	vsort.ascd.msk.f32 @p0 $0xffff, v9, v11;
	_ =	sdelay $0x9  }
0x517: {  	v9 =	vmul.u32 @p0 $0xFFFFFFFF, v10;
	_ =	sdelay $0x1  }
0x518: {  	v9 =	vadd.s32 @p0 $0xF, v9  }
0x519: {  	v10 =	vperm.xlane @p0 v8, v9  }
0x51a: {  	v9 =	vperm.xlane @p0 v7, v9;
	v11, v12, _ =	vpop @p0 (xrf1)  }
0x51b: {  	vm0 =	vlt.f32 @p0 v11, v10  }
0x51c: {  	v10 =	vsel @p0 vm0, v11, v10;
	v9 =	vsel @p0 vm0, v12, v9  }
0x51d: {  	(xrf1) =	vsort.ascd.msk.f32 @p0 $0xffff, v10, v9;
	_ =	sdelay $0xc  }
.Ltmp14:
0x51e: {  	(pc) =	sbr.rel @p1 .LBB2_31-.Ltmp14, $3  }
0x51f: {  	v9, v10, _ =	vpop @p0 (xrf1)  }
0x520: {  	v8 =	vpsel p0, v9, v8;
	v7 =	vpsel p0, v10, v7;
	(v2sf) =	vpush @p0 v9, $0xF;
	_ =	sdelay $0x1  }
0x521: {  	s31 =	sadd.s32 $0x10, s31  }
0x522: {  	v4 =	vshrl.u32 v8, $0x1  }
0x523: {  	v4 =	vadd.s32 $0x1FBD1DF6, v4  }
0x524: {  	(erf) = vrcp.f32 v4;
	_ =	sdelay $0x8  }
0x525: {  	v5 =	vpop (erf)  }
0x526: {  	v5 =	vmul.f32 v5, v8;
	_ =	sdelay $0x1  }
0x527: {  	v4 =	vadd.f32 v4, v5;
	_ =	sdelay $0x1  }
0x528: {  	v4 =	vmul.f32 $5.000000000e-01, v4;
	_ =	sdelay $0x1  }
0x529: {  	(erf) = vrcp.f32 v4;
	_ =	sdelay $0x8  }
0x52a: {  	v5 =	vpop (erf)  }
0x52b: {  	v5 =	vmul.f32 v5, v8;
	_ =	sdelay $0x1  }
0x52c: {  	v4 =	vadd.f32 v5, v4;
	_ =	sdelay $0x1  }
0x52d: {  	v4 =	vmul.f32 $5.000000000e-01, v4;
	_ =	sdelay $0x1  }
0x52e: {  	(erf) = vrcp.f32 v4;
	_ =	sdelay $0x8  }
0x52f: {  	v5 =	vpop (erf)  }
0x530: {  	v5 =	vmul.f32 v5, v8;
	_ =	sdelay $0x1  }
0x531: {  	v4 =	vadd.f32 v5, v4;
	_ =	sdelay $0x1  }
0x532: {  	v4 =	vmul.f32 $5.000000000e-01, v4  }
0x533: {  	vm0 =	vgt.f32 v8, $0.0e+00  }
0x534: {  	v4 =	vnsel vm0, $0x0, v4  }
0x535: {  	s0 =	simm.s32 $0x0;
	[tilespmem:s26+$0x63E0] =	vst v4  }
0x536: {  	v4 =	vld.idx.msk [tilespmem:v7+s0+$0x0], $0xffff;
	_ =	sdelay $0x4  }
0x537: {  	s28 =	simm.s32 $0x2000;
	[tilespmem:s26+$0x73E0] =	vst v4  }
0x538: {  	v4 =	vld.idx.msk [tilespmem:v7+s28+$0x0], $0xffff;
	_ =	sdelay $0x4  }
0x539: {  	s29 =	simm.s32 $0x4000;
	[tilespmem:s26+$0x83E0] =	vst v4  }
0x53a: {  	v4 =	vld.idx.msk [tilespmem:v7+s29+$0x0], $0xffff;
	_ =	sdelay $0x4  }
0x53b: {  	[tilespmem:s26+$0x93E0] =	vst v4  }
0x53c: {  	v4 =	vld [tilespmem:s0+$0x0]  }
0x53d: {  	v5 =	vld [tilespmem:s28+$0x0];
	_ =	sdelay $0x1  }
0x53e: {  	v6 =	vld [tilespmem:s29+$0x0]  }
0x53f: {  	v1 =	vbroadcast v1, $0xF;
	v2 =	vbroadcast v2, $0xF;
	_ =	sdelay $0x1  }
0x540: {  	v3 =	vbroadcast v3, $0xF;
	v4 =	vsub.f32 v4, v1;
	v5 =	vsub.f32 v5, v2;
	_ =	sdelay $0x1  }
0x541: {  	v6 =	vsub.f32 v6, v3;
	v4 =	vmul.f32 v4, v4;
	v5 =	vmul.f32 v5, v5;
	_ =	sdelay $0x1  }
0x542: {  	v4 =	vadd.f32 v5, v4;
	v5 =	vmul.f32 v6, v6;
	_ =	sdelay $0x1  }
0x543: {  	v4 =	vadd.f32 v5, v4  }
0x544: {  	s30 =	simm.f32 $+Inf  }
0x545: {  	vm15 =	vlt.f32 v4, s30  }
0x546: {  	v5 =	vsel vm15, $0x3F800000, v0  }
0x547: {  	(xrf0) =	vmax.scan.msk.f32 $0xffff, v5;
	_ =	sdelay $0x5  }
0x548: {  	v5, _, _ =	vpop (xrf0)  }
0x549: {  	(v2sf) =	vpush v5, $0xF;
	_ =	sdelay $0xd  }
0x54a: {  	s1 =	spop @p0 (v2sf)  }
0x54b: {  	s1 =	spop (v2sf)  }
0x54c: {  	p0 =	sgt.f32 s1, $0.0e+00;
	_ =	sdelay $0x1  }
0x54d: {  	v5 =	vlaneseq.u32 @p0  }
0x54e: {  	v6 =	vor.u32 @p0 s0, v5  }
0x54f: {  	(xrf1) =	vsort.ascd.msk.f32 @p0 $0xffff, v4, v6;
	_ =	sdelay $0x9  }
0x550: {  	v4 =	vmul.u32 @p0 $0xFFFFFFFF, v5;
	_ =	sdelay $0x1  }
0x551: {  	v5 =	vimm.f32 $+Inf;
	v4 =	vadd.s32 @p0 $0xF, v4  }
0x552: {  	v6 =	vimm.s32 $0x0;
	v7 =	vperm.xlane @p0 v5, v4  }
0x553: {  	v4 =	vperm.xlane @p0 v6, v4;
	v8, v9, _ =	vpop @p0 (xrf1)  }
0x554: {  	vm0 =	vlt.f32 @p0 v8, v7  }
0x555: {  	v7 =	vsel @p0 vm0, v8, v7;
	v4 =	vsel @p0 vm0, v9, v4  }
0x556: {  	(xrf1) =	vsort.ascd.msk.f32 @p0 $0xffff, v7, v4;
	_ =	sdelay $0xd  }
0x557: {  	v7, v4, _ =	vpop @p0 (xrf1)  }
0x558: {  	(v2sf) =	vpush @p0 v7, $0xF;
	_ =	sdelay $0x1  }
0x559: {  	s31 =	simm.s32 $0x10;
	s1 =	simm.s32 $0x10;
	v5 =	vpsel p0, v7, v5;
	v4 =	vpsel p0, v4, v6  }
.LBB2_33:
0x55a: {  	v6 =	vld [tilespmem:s31+$0x0];
	s28 =	sadd.s32 $0x10, s28;
	s4 =	smov.u32 s1  }
0x55b: {  	s1 =	sadd.s32 $0x10, s1;
	v7 =	vld [tilespmem:s28+$0x0]  }
0x55c: {  	s29 =	sadd.s32 $0x10, s29;
	p1 =	sne.s32 s1, $0x2000  }
0x55d: {  	v8 =	vld [tilespmem:s29+$0x0];
	_ =	sdelay $0x2  }
0x55e: {  	v6 =	vsub.f32 v6, v1;
	v7 =	vsub.f32 v7, v2;
	_ =	sdelay $0x1  }
0x55f: {  	v6 =	vmul.f32 v6, v6;
	v7 =	vmul.f32 v7, v7;
	v8 =	vsub.f32 v8, v3;
	_ =	sdelay $0x1  }
0x560: {  	v6 =	vadd.f32 v7, v6;
	v7 =	vmul.f32 v8, v8;
	_ =	sdelay $0x1  }
0x561: {  	v6 =	vadd.f32 v7, v6;
	s0 =	spop @p0 (v2sf)  }
0x562: {  	s30 =	smov.u32 @p0 s0  }
0x563: {  	vm0 =	vlt.f32 v6, s30  }
0x564: {  	v7 =	vsel vm0, $0x3F800000, v0  }
0x565: {  	(xrf0) =	vmax.scan.msk.f32 $0xffff, v7;
	_ =	sdelay $0x5  }
0x566: {  	v7, _, _ =	vpop (xrf0)  }
0x567: {  	(v2sf) =	vpush v7, $0xF;
	_ =	sdelay $0xe  }
0x568: {  	s0 =	spop (v2sf)  }
0x569: {  	p0 =	sgt.f32 s0, $0.0e+00;
	_ =	sdelay $0x1  }
0x56a: {  	v7 =	vlaneseq.u32 @p0  }
0x56b: {  	v8 =	vor.u32 @p0 s4, v7  }
0x56c: {  	(xrf1) =	vsort.ascd.msk.f32 @p0 $0xffff, v6, v8;
	_ =	sdelay $0x9  }
0x56d: {  	v6 =	vmul.u32 @p0 $0xFFFFFFFF, v7;
	_ =	sdelay $0x1  }
0x56e: {  	v6 =	vadd.s32 @p0 $0xF, v6  }
0x56f: {  	v7 =	vperm.xlane @p0 v5, v6  }
0x570: {  	v6 =	vperm.xlane @p0 v4, v6;
	v8, v9, _ =	vpop @p0 (xrf1)  }
0x571: {  	vm0 =	vlt.f32 @p0 v8, v7  }
0x572: {  	v7 =	vsel @p0 vm0, v8, v7;
	v6 =	vsel @p0 vm0, v9, v6  }
0x573: {  	(xrf1) =	vsort.ascd.msk.f32 @p0 $0xffff, v7, v6;
	_ =	sdelay $0xc  }
.Ltmp15:
0x574: {  	(pc) =	sbr.rel @p1 .LBB2_33-.Ltmp15, $3  }
0x575: {  	v6, v7, _ =	vpop @p0 (xrf1)  }
0x576: {  	v5 =	vpsel p0, v6, v5;
	v4 =	vpsel p0, v7, v4;
	(v2sf) =	vpush @p0 v6, $0xF;
	_ =	sdelay $0x1  }
0x577: {  	s31 =	sadd.s32 $0x10, s31  }
0x578: {  	v1 =	vshrl.u32 v5, $0x1  }
0x579: {  	v1 =	vadd.s32 $0x1FBD1DF6, v1  }
0x57a: {  	(erf) = vrcp.f32 v1;
	_ =	sdelay $0x8  }
0x57b: {  	v2 =	vpop (erf)  }
0x57c: {  	v2 =	vmul.f32 v2, v5;
	_ =	sdelay $0x1  }
0x57d: {  	v1 =	vadd.f32 v1, v2;
	_ =	sdelay $0x1  }
0x57e: {  	v1 =	vmul.f32 $5.000000000e-01, v1;
	_ =	sdelay $0x1  }
0x57f: {  	(erf) = vrcp.f32 v1;
	_ =	sdelay $0x8  }
0x580: {  	v2 =	vpop (erf)  }
0x581: {  	v2 =	vmul.f32 v2, v5;
	_ =	sdelay $0x1  }
0x582: {  	v1 =	vadd.f32 v2, v1;
	_ =	sdelay $0x1  }
0x583: {  	v1 =	vmul.f32 $5.000000000e-01, v1;
	_ =	sdelay $0x1  }
0x584: {  	(erf) = vrcp.f32 v1;
	_ =	sdelay $0x8  }
0x585: {  	v2 =	vpop (erf)  }
0x586: {  	v2 =	vmul.f32 v2, v5;
	_ =	sdelay $0x1  }
0x587: {  	v1 =	vadd.f32 v2, v1;
	_ =	sdelay $0x1  }
0x588: {  	v1 =	vmul.f32 $5.000000000e-01, v1  }
0x589: {  	vm0 =	vgt.f32 v5, $0.0e+00  }
0x58a: {  	v1 =	vnsel vm0, $0x0, v1  }
0x58b: {  	[tilespmem:s26+$0x63F0] =	vst v1  }
0x58c: {  	v1 =	vld.idx.msk [tilespmem:v4+s5+$0x0], $0xffff;
	_ =	sdelay $0x4  }
0x58d: {  	[tilespmem:s26+$0x73F0] =	vst v1  }
0x58e: {  	v1 =	vld.idx.msk [tilespmem:v4+s15+$0x0], $0xffff;
	_ =	sdelay $0x4  }
0x58f: {  	s25 =	sadd.s32 $0x1, s25;
	[tilespmem:s26+$0x83F0] =	vst v1  }
0x590: {  	p1 =	sne.s32 s25, $0x10;
	v1 =	vld.idx.msk [tilespmem:v4+s16+$0x0], $0xffff  }
.Ltmp16:
0x591: {  	_ = 	snop;
	(pc) =	sbr.rel @p1 .LBB2_2-.Ltmp16, $2  }
0x592: {  	_ =	sdelay $0x2  }
0x593: {  	s0 =	spop @p0 (v2sf);
	[tilespmem:s26+$0x93F0] =	vst v1  }
0x594: {  	[hbm4b:s9+s5] =	stream.linear.scatter [tilespmem:s20], [sflag:$0x1], $0x1000, $0x38;
	[tilespmem:$0xA300] =	vst v63  }
0x595: {  	_ =	swait.ge [sflag:s14], $0x1000  }
0x596: {  	[sflag:s14] =	ssyncset.done $0x0  }
0x597: {  	[sflag:s14] =	ssyncadd.s32 $0xFFFFF000  }
0x598: {  	[hbm4b:s10+s5] =	stream.linear.scatter [tilespmem:s21], [sflag:$0x1], $0x1000, $0x38;
	[tilespmem:$0xA300] =	vst v63  }
0x599: {  	_ =	swait.ge [sflag:s14], $0x1000  }
0x59a: {  	[sflag:s14] =	ssyncset.done $0x0  }
0x59b: {  	[sflag:s14] =	ssyncadd.s32 $0xFFFFF000  }
0x59c: {  	[hbm4b:s11+s5] =	stream.linear.scatter [tilespmem:s22], [sflag:$0x1], $0x1000, $0x38;
	[tilespmem:$0xA300] =	vst v63  }
0x59d: {  	s24 =	sadd.s32 $0x1, s24;
	_ =	swait.ge [sflag:s14], $0x1000  }
0x59e: {  	p0 =	sne.s32 s24, s13;
	[sflag:s14] =	ssyncset.done $0x0  }
.Ltmp17:
0x59f: {  	[sflag:s14] =	ssyncadd.s32 $0xFFFFF000;
	(pc) =	sbr.rel @p0 .LBB2_1-.Ltmp17, $4  }
0x5a0: {  	[hbm4b:s12+s5] =	stream.linear.scatter [tilespmem:s23], [sflag:$0x1], $0x1000, $0x38;
	[tilespmem:$0xA300] =	vst v63  }
0x5a1: {  	_ =	swait.ge [sflag:s14], $0x1000  }
0x5a2: {  	[sflag:s14] =	ssyncset.done $0x0  }
0x5a3: {  	[sflag:s14] =	ssyncadd.s32 $0xFFFFF000  }
0x5a4: {  	_ =	sfence.sel $0x180000  }
0x5a5: {  	[bflag:$0x0] =	sbarrier.arrive $0xFFFF  }
0x5a6: {  	_ =	strace $0x90000047  }
0x5a7: {  	s0 =	stileid.u32;
	[bflag:$0x2] =	sbarrier.arrive $0xFFFF  }
0x5a8: {  	p0 =	sne.s32 s0, $0x0;
	s0 =	rddreg [dreg:$0xa]  }
0x5a9: {  	s0 =	sadd.s32 @!p0 $0x100000, s0  }
0x5aa: {  	[sflag:s0] =	ssyncadd.tile.s32 @!p0 $0x1;
	_ =	shalt  }
.Lfunc_end2:
_tile_overlayer_lowered:
.L_overlay_start_2:
0x5ab: {  	(tag) =	ssettag $0x2  }
0x5ac: {  	s0 =	rddreg [dreg:$0x0];
	s2 =	stileid.u32  }
0x5ad: {  	s1 =	rddreg [dreg:$0x1];
	p0 =	sne.s32 s2, $0x0  }
0x5ae: {  	s3 =	rddreg [dreg:$0x2];
	[bflag:$0x3] =	sbarrier.arrive $0xFFFF;
	s2 =	simm.s32 @!p0 $0x1C01  }
0x5af: {  	[timem:s3], [sflag:s2] =	dma.local @!p0 [hbm:s0], s1  }
0x5b0: {  	s0 =	simm.s32 @!p0 $0x1  }
0x5b1: {  	_ =	swait.ge @!p0 [sflag:s0], s1  }
0x5b2: {  	s1 =	ssub.s32 @!p0 $0x0, s1;
	[sflag:s0] =	ssyncset.done @!p0 $0x0  }
0x5b3: {  	[sflag:s0] =	ssyncadd.s32 @!p0 s1  }
0x5b4: {  	[bflag:$0x3] =	sbarrier.arrive $0xFFFF  }
0x5b5: {  	_ =	shalt  }

</sc_bundles>
